<compile_context>
chip_gen: v7x
topology: tpu7x:2x2x1
jax: 0.10.2.dev20260603
libtpu: 0.0.44.dev20260713+nightly
codegen_flags: <defaults>
</compile_context>

<pallas_src>
import jax
import jax.numpy as jnp
from jax import lax
from jax.experimental import pallas as pl
from jax.experimental.pallas import tpu as pltpu
from jax.experimental.pallas import tpu_sc as plsc

N = 4194304
GRID1 = 8
BLK1 = N // GRID1

NC = 2
NS = 16
NW = NC * NS
PW = N // NW
CHUNK = 8192
NCHUNK = PW // CHUNK
UNROLL = 4

NBITS = 15
B = 1 << NBITS
HR = 256
SHIFT = 32 - NBITS - 1

MIN_NEG = 41943


def _k1_bce(x_ref, t_ref, nl_ref, sp_ref, np_ref):
    i = pl.program_id(0)
    x = x_ref[...].reshape(BLK1 // 128, 128)
    t = t_ref[...].reshape(BLK1 // 128, 128)
    loss = jnp.maximum(x, 0.0) - x * t + jnp.log1p(jnp.exp(-jnp.abs(x)))
    nl = jnp.where(t == 0.0, loss, 0.0).astype(jnp.bfloat16)
    nl_ref[...] = nl.reshape(BLK1)
    ps = jnp.sum(loss * t)
    npos = jnp.sum(t)

    @pl.when(i == 0)
    def _():
        sp_ref[0, 0] = ps
        np_ref[0, 0] = npos

    @pl.when(i > 0)
    def _():
        sp_ref[0, 0] += ps
        np_ref[0, 0] += npos


def _sc_hist_body(nl_hbm, ocnt_hbm, osum_hbm, buf0, buf1, hcnt, hsum,
                  sem0, sem1):
    c = lax.axis_index("c")
    s = lax.axis_index("s")
    wid = s * NC + c
    base = wid * PW

    zeros16 = jnp.zeros((16,), jnp.float32)
    ones16 = jnp.ones((16,), jnp.float32)

    @plsc.parallel_loop(0, HR, unroll=4)
    def zbody(j):
        for u in range(8):
            hcnt[j, pl.ds(u * 16, 16)] = zeros16
            hsum[j, pl.ds(u * 16, 16)] = zeros16

    bufs = (buf0, buf1)
    sems = (sem0, sem1)

    def start(ci):
        return pltpu.async_copy(
            nl_hbm.at[pl.ds(base + ci * CHUNK, CHUNK)],
            bufs[ci % 2], sems[ci % 2])

    def process(buf):
        @plsc.parallel_loop(0, CHUNK // 32, unroll=UNROLL)
        def ibody(i):
            v32 = buf[pl.ds(i * 32, 32)]
            for v in plsc.unpack(v32, format=plsc.PackFormat.INTERLEAVED):
                m = v > 0.0
                bits = plsc.bitcast(v, jnp.int32)
                idx = lax.shift_right_logical(bits, SHIFT)
                hi = lax.shift_right_logical(idx, 7)
                lo = idx & 127
                plsc.addupdate_scatter(hcnt, [hi, lo], ones16, mask=m)
                plsc.addupdate_scatter(hsum, [hi, lo], v, mask=m)

    copies = [None, None]
    copies[0] = start(0)
    for ci in range(NCHUNK):
        if ci + 1 < NCHUNK:
            copies[(ci + 1) % 2] = start(ci + 1)
        copies[ci % 2].wait()
        process(bufs[ci % 2])

    pltpu.sync_copy(hcnt, ocnt_hbm.at[wid])
    pltpu.sync_copy(hsum, osum_hbm.at[wid])


def _sc_hist(nl_flat):
    mesh = plsc.VectorSubcoreMesh(core_axis_name="c", subcore_axis_name="s")
    f = pl.kernel(
        _sc_hist_body,
        out_type=[
            jax.ShapeDtypeStruct((NW, HR, 128), jnp.float32),
            jax.ShapeDtypeStruct((NW, HR, 128), jnp.float32),
        ],
        mesh=mesh,
        compiler_params=pltpu.CompilerParams(needs_layout_passes=False),
        scratch_types=[
            pltpu.VMEM((CHUNK,), jnp.bfloat16),
            pltpu.VMEM((CHUNK,), jnp.bfloat16),
            pltpu.VMEM((HR, 128), jnp.float32),
            pltpu.VMEM((HR, 128), jnp.float32),
            pltpu.SemaphoreType.DMA,
            pltpu.SemaphoreType.DMA,
        ],
    )
    return f(nl_flat)


def _k3_select(cnt_ref, sm_ref, sp_ref, np_ref, out_ref):
    npos = np_ref[0, 0]
    cnt = jnp.sum(cnt_ref[...], axis=0)
    sm = jnp.sum(sm_ref[...], axis=0)

    col = lax.broadcasted_iota(jnp.int32, (128, 128), 0)
    row = lax.broadcasted_iota(jnp.int32, (128, 128), 1)
    upper = (col <= row).astype(jnp.float32)
    incl_row = lax.dot(cnt, upper, precision=lax.Precision.HIGHEST,
                       preferred_element_type=jnp.float32)
    row_tot = incl_row[:, 127:128]
    i2 = lax.broadcasted_iota(jnp.int32, (HR, HR), 0)
    j2 = lax.broadcasted_iota(jnp.int32, (HR, HR), 1)
    lstrict = (j2 < i2).astype(jnp.float32)
    pref_rows = lax.dot(lstrict, row_tot, precision=lax.Precision.HIGHEST,
                        preferred_element_type=jnp.float32)
    incl = incl_row + pref_rows
    tot = jnp.sum(cnt)
    above = tot - incl

    npi = npos.astype(jnp.int32)
    maxneg = N - npi
    k = jnp.minimum(jnp.maximum(MIN_NEG, 5 * npi), maxneg)
    kf = k.astype(jnp.float32)

    w = jnp.clip((kf - above) / cnt, 0.0, 1.0)
    w = jnp.where(cnt > 0.0, w, 0.0)
    sum_neg = jnp.sum(sm * w)
    count = npos + kf
    out_ref[0, 0] = (sp_ref[0, 0] + sum_neg) / count


def kernel(input, target):
    nl, sp, npos = pl.pallas_call(
        _k1_bce,
        grid=(GRID1,),
        in_specs=[
            pl.BlockSpec((BLK1,), lambda i: (i,)),
            pl.BlockSpec((BLK1,), lambda i: (i,)),
        ],
        out_specs=[
            pl.BlockSpec((BLK1,), lambda i: (i,)),
            pl.BlockSpec(memory_space=pltpu.SMEM),
            pl.BlockSpec(memory_space=pltpu.SMEM),
        ],
        out_shape=[
            jax.ShapeDtypeStruct((N,), jnp.bfloat16),
            jax.ShapeDtypeStruct((1, 1), jnp.float32),
            jax.ShapeDtypeStruct((1, 1), jnp.float32),
        ],
    )(input, target)

    ocnt, osum = _sc_hist(nl)

    out = pl.pallas_call(
        _k3_select,
        in_specs=[
            pl.BlockSpec((NW, HR, 128), lambda: (0, 0, 0)),
            pl.BlockSpec((NW, HR, 128), lambda: (0, 0, 0)),
            pl.BlockSpec(memory_space=pltpu.SMEM),
            pl.BlockSpec(memory_space=pltpu.SMEM),
        ],
        out_specs=pl.BlockSpec(memory_space=pltpu.SMEM),
        out_shape=jax.ShapeDtypeStruct((1, 1), jnp.float32),
    )(ocnt, osum, sp, npos)

    return out[0, 0]

# --- scband reference (transcript-rebuilt; emitter-appended) ---
"""Pipeline reference for scband-binary-cross-entropy-22711787061673 (READ-ONLY COPY).

The authoritative reference and input builder live on the scoring server;
editing this copy changes nothing except your own understanding.
"""

import jax, jax.numpy as jnp
import numpy as np

N = 4194304
OHEM_RATIO = 5
NEG_SELECT_RATIO = 10
MIN_NEG_RATIO = 0.01


def _bce_with_logits(x, t):
    # numerically stable binary_cross_entropy_with_logits, reduction='none'
    return jnp.maximum(x, 0.0) - x * t + jnp.log1p(jnp.exp(-jnp.abs(x)))


def setup_inputs(seed: int = 0) -> dict:
    key = jax.random.key(seed)
    k1, k2 = jax.random.split(key)
    inp = jax.random.normal(k1, (N,), dtype=jnp.float32)
    target = jax.random.randint(k2, (N,), 0, 2).astype(jnp.float32)
    return {"input": inp, "target": target}


def reference(input, target):
    loss = _bce_with_logits(input, target)
    pos_mask = target == 1
    neg_mask = target == 0
    num_pos = jnp.sum(pos_mask).astype(jnp.int32)
    max_neg = jnp.sum(neg_mask).astype(jnp.int32)
    min_neg = jnp.int32(target.shape[0] * MIN_NEG_RATIO)
    num_neg = num_pos * NEG_SELECT_RATIO
    num_neg = jnp.minimum(num_neg, num_pos * OHEM_RATIO)
    num_neg = jnp.maximum(min_neg, num_neg)
    num_neg = jnp.minimum(max_neg, num_neg)
    neg_masked = jnp.where(neg_mask, loss, -jnp.inf)
    neg_sorted = jnp.sort(neg_masked)[::-1]  # descending sort of negative losses (OHEM)
    sel_mask = jnp.arange(target.shape[0]) < num_neg
    sum_neg = jnp.sum(jnp.where(sel_mask, neg_sorted, 0.0))
    sum_pos = jnp.sum(jnp.where(pos_mask, loss, 0.0))
    count = (num_pos + num_neg).astype(loss.dtype)
    return (sum_pos + sum_neg) / count

if __name__ == "__main__":
    import jax
    _d = setup_inputs()
    print(jax.jit(kernel)(*tuple(_d.values())))

</pallas_src>

<mosaic_0001>
#map = affine_map<(d0, d1) -> (0)>
#map1 = affine_map<(d0, d1) -> (0, 0, 0)>
module attributes {stable_mosaic.version = 14 : i64} {
  func.func @_sc_hist_body(%arg0: i32, %arg1: i32, %arg2: memref<4194304xbf16, #tpu.memory_space<hbm>>, %arg3: memref<32x256x128xf32, #tpu.memory_space<hbm>>, %arg4: memref<32x256x128xf32, #tpu.memory_space<hbm>>, %arg5: memref<8192xbf16, #tpu.memory_space<vmem>>, %arg6: memref<8192xbf16, #tpu.memory_space<vmem>>, %arg7: memref<256x128xf32, #tpu.memory_space<vmem>>, %arg8: memref<256x128xf32, #tpu.memory_space<vmem>>, %arg9: memref<!tpu.dma_semaphore, #tpu.memory_space<semaphore_mem>>, %arg10: memref<!tpu.dma_semaphore, #tpu.memory_space<semaphore_mem>>) attributes {dimension_semantics = [#tpu.dimension_semantics<core_parallel>, #tpu.dimension_semantics<subcore_parallel>], iteration_bounds = array<i64: 2, 16>, scalar_prefetch = 0 : i64, scratch_operands = 6 : i64, tpu.core_type = #tpu.core_type<sc_vector_subcore>, window_params = [{transform_indices = #map}, {transform_indices = #map1}, {transform_indices = #map1}]} {
    %mul3A = arith.constant 2 : i32
    %mul3A_0 = arith.muli %arg1, %mul3A : i32
    %add3A = arith.addi %mul3A_0, %arg0 : i32
    %mul3A_1 = arith.constant 131072 : i32
    %mul3A_2 = arith.muli %add3A, %mul3A_1 : i32
    %broadcast_in_dim3A = arith.constant 0.000000e+00 : f32
    %broadcast_in_dim3A_3 = vector.broadcast %broadcast_in_dim3A : f32 to vector<16xf32>
    %broadcast_in_dim3A_4 = arith.constant 1.000000e+00 : f32
    %broadcast_in_dim3A_5 = vector.broadcast %broadcast_in_dim3A_4 : f32 to vector<16xf32>
    %parallel_loop3A = arith.constant 0 : i32
    %parallel_loop3A_6 = arith.constant 256 : i32
    %parallel_loop3A_7 = arith.constant 1 : i32
    scf.for %parallel_loop3A_150 = %parallel_loop3A to %parallel_loop3A_6 step %parallel_loop3A_7  : i32 {
      %parallel_loop3A_151 = arith.index_cast %parallel_loop3A_150 : i32 to index
      %parallel_loop3A_152 = arith.constant 0 : index
      %parallel_loop3A_153 = tpu.vector_load %arg7[%parallel_loop3A_151, %parallel_loop3A_152] {strides = array<i32>} : memref<256x128xf32, #tpu.memory_space<vmem>>, vector<16xf32>,
      tpu.vector_store %arg7[%parallel_loop3A_151, %parallel_loop3A_152], %broadcast_in_dim3A_3 {strides = array<i32>} : memref<256x128xf32, #tpu.memory_space<vmem>>, vector<16xf32>,
      %parallel_loop3A_154 = arith.index_cast %parallel_loop3A_150 : i32 to index
      %parallel_loop3A_155 = arith.constant 0 : index
      %parallel_loop3A_156 = tpu.vector_load %arg8[%parallel_loop3A_154, %parallel_loop3A_155] {strides = array<i32>} : memref<256x128xf32, #tpu.memory_space<vmem>>, vector<16xf32>,
      tpu.vector_store %arg8[%parallel_loop3A_154, %parallel_loop3A_155], %broadcast_in_dim3A_3 {strides = array<i32>} : memref<256x128xf32, #tpu.memory_space<vmem>>, vector<16xf32>,
      %parallel_loop3A_157 = arith.index_cast %parallel_loop3A_150 : i32 to index
      %parallel_loop3A_158 = arith.constant 16 : index
      %parallel_loop3A_159 = tpu.vector_load %arg7[%parallel_loop3A_157, %parallel_loop3A_158] {strides = array<i32>} : memref<256x128xf32, #tpu.memory_space<vmem>>, vector<16xf32>,
      tpu.vector_store %arg7[%parallel_loop3A_157, %parallel_loop3A_158], %broadcast_in_dim3A_3 {strides = array<i32>} : memref<256x128xf32, #tpu.memory_space<vmem>>, vector<16xf32>,
      %parallel_loop3A_160 = arith.index_cast %parallel_loop3A_150 : i32 to index
      %parallel_loop3A_161 = arith.constant 16 : index
      %parallel_loop3A_162 = tpu.vector_load %arg8[%parallel_loop3A_160, %parallel_loop3A_161] {strides = array<i32>} : memref<256x128xf32, #tpu.memory_space<vmem>>, vector<16xf32>,
      tpu.vector_store %arg8[%parallel_loop3A_160, %parallel_loop3A_161], %broadcast_in_dim3A_3 {strides = array<i32>} : memref<256x128xf32, #tpu.memory_space<vmem>>, vector<16xf32>,
      %parallel_loop3A_163 = arith.index_cast %parallel_loop3A_150 : i32 to index
      %parallel_loop3A_164 = arith.constant 32 : index
      %parallel_loop3A_165 = tpu.vector_load %arg7[%parallel_loop3A_163, %parallel_loop3A_164] {strides = array<i32>} : memref<256x128xf32, #tpu.memory_space<vmem>>, vector<16xf32>,
      tpu.vector_store %arg7[%parallel_loop3A_163, %parallel_loop3A_164], %broadcast_in_dim3A_3 {strides = array<i32>} : memref<256x128xf32, #tpu.memory_space<vmem>>, vector<16xf32>,
      %parallel_loop3A_166 = arith.index_cast %parallel_loop3A_150 : i32 to index
      %parallel_loop3A_167 = arith.constant 32 : index
      %parallel_loop3A_168 = tpu.vector_load %arg8[%parallel_loop3A_166, %parallel_loop3A_167] {strides = array<i32>} : memref<256x128xf32, #tpu.memory_space<vmem>>, vector<16xf32>,
      tpu.vector_store %arg8[%parallel_loop3A_166, %parallel_loop3A_167], %broadcast_in_dim3A_3 {strides = array<i32>} : memref<256x128xf32, #tpu.memory_space<vmem>>, vector<16xf32>,
      %parallel_loop3A_169 = arith.index_cast %parallel_loop3A_150 : i32 to index
      %parallel_loop3A_170 = arith.constant 48 : index
      %parallel_loop3A_171 = tpu.vector_load %arg7[%parallel_loop3A_169, %parallel_loop3A_170] {strides = array<i32>} : memref<256x128xf32, #tpu.memory_space<vmem>>, vector<16xf32>,
      tpu.vector_store %arg7[%parallel_loop3A_169, %parallel_loop3A_170], %broadcast_in_dim3A_3 {strides = array<i32>} : memref<256x128xf32, #tpu.memory_space<vmem>>, vector<16xf32>,
      %parallel_loop3A_172 = arith.index_cast %parallel_loop3A_150 : i32 to index
      %parallel_loop3A_173 = arith.constant 48 : index
      %parallel_loop3A_174 = tpu.vector_load %arg8[%parallel_loop3A_172, %parallel_loop3A_173] {strides = array<i32>} : memref<256x128xf32, #tpu.memory_space<vmem>>, vector<16xf32>,
      tpu.vector_store %arg8[%parallel_loop3A_172, %parallel_loop3A_173], %broadcast_in_dim3A_3 {strides = array<i32>} : memref<256x128xf32, #tpu.memory_space<vmem>>, vector<16xf32>,
      %parallel_loop3A_175 = arith.index_cast %parallel_loop3A_150 : i32 to index
      %parallel_loop3A_176 = arith.constant 64 : index
      %parallel_loop3A_177 = tpu.vector_load %arg7[%parallel_loop3A_175, %parallel_loop3A_176] {strides = array<i32>} : memref<256x128xf32, #tpu.memory_space<vmem>>, vector<16xf32>,
      tpu.vector_store %arg7[%parallel_loop3A_175, %parallel_loop3A_176], %broadcast_in_dim3A_3 {strides = array<i32>} : memref<256x128xf32, #tpu.memory_space<vmem>>, vector<16xf32>,
      %parallel_loop3A_178 = arith.index_cast %parallel_loop3A_150 : i32 to index
      %parallel_loop3A_179 = arith.constant 64 : index
      %parallel_loop3A_180 = tpu.vector_load %arg8[%parallel_loop3A_178, %parallel_loop3A_179] {strides = array<i32>} : memref<256x128xf32, #tpu.memory_space<vmem>>, vector<16xf32>,
      tpu.vector_store %arg8[%parallel_loop3A_178, %parallel_loop3A_179], %broadcast_in_dim3A_3 {strides = array<i32>} : memref<256x128xf32, #tpu.memory_space<vmem>>, vector<16xf32>,
      %parallel_loop3A_181 = arith.index_cast %parallel_loop3A_150 : i32 to index
      %parallel_loop3A_182 = arith.constant 80 : index
      %parallel_loop3A_183 = tpu.vector_load %arg7[%parallel_loop3A_181, %parallel_loop3A_182] {strides = array<i32>} : memref<256x128xf32, #tpu.memory_space<vmem>>, vector<16xf32>,
      tpu.vector_store %arg7[%parallel_loop3A_181, %parallel_loop3A_182], %broadcast_in_dim3A_3 {strides = array<i32>} : memref<256x128xf32, #tpu.memory_space<vmem>>, vector<16xf32>,
      %parallel_loop3A_184 = arith.index_cast %parallel_loop3A_150 : i32 to index
      %parallel_loop3A_185 = arith.constant 80 : index
      %parallel_loop3A_186 = tpu.vector_load %arg8[%parallel_loop3A_184, %parallel_loop3A_185] {strides = array<i32>} : memref<256x128xf32, #tpu.memory_space<vmem>>, vector<16xf32>,
      tpu.vector_store %arg8[%parallel_loop3A_184, %parallel_loop3A_185], %broadcast_in_dim3A_3 {strides = array<i32>} : memref<256x128xf32, #tpu.memory_space<vmem>>, vector<16xf32>,
      %parallel_loop3A_187 = arith.index_cast %parallel_loop3A_150 : i32 to index
      %parallel_loop3A_188 = arith.constant 96 : index
      %parallel_loop3A_189 = tpu.vector_load %arg7[%parallel_loop3A_187, %parallel_loop3A_188] {strides = array<i32>} : memref<256x128xf32, #tpu.memory_space<vmem>>, vector<16xf32>,
      tpu.vector_store %arg7[%parallel_loop3A_187, %parallel_loop3A_188], %broadcast_in_dim3A_3 {strides = array<i32>} : memref<256x128xf32, #tpu.memory_space<vmem>>, vector<16xf32>,
      %parallel_loop3A_190 = arith.index_cast %parallel_loop3A_150 : i32 to index
      %parallel_loop3A_191 = arith.constant 96 : index
      %parallel_loop3A_192 = tpu.vector_load %arg8[%parallel_loop3A_190, %parallel_loop3A_191] {strides = array<i32>} : memref<256x128xf32, #tpu.memory_space<vmem>>, vector<16xf32>,
      tpu.vector_store %arg8[%parallel_loop3A_190, %parallel_loop3A_191], %broadcast_in_dim3A_3 {strides = array<i32>} : memref<256x128xf32, #tpu.memory_space<vmem>>, vector<16xf32>,
      %parallel_loop3A_193 = arith.index_cast %parallel_loop3A_150 : i32 to index
      %parallel_loop3A_194 = arith.constant 112 : index
      %parallel_loop3A_195 = tpu.vector_load %arg7[%parallel_loop3A_193, %parallel_loop3A_194] {strides = array<i32>} : memref<256x128xf32, #tpu.memory_space<vmem>>, vector<16xf32>,
      tpu.vector_store %arg7[%parallel_loop3A_193, %parallel_loop3A_194], %broadcast_in_dim3A_3 {strides = array<i32>} : memref<256x128xf32, #tpu.memory_space<vmem>>, vector<16xf32>,
      %parallel_loop3A_196 = arith.index_cast %parallel_loop3A_150 : i32 to index
      %parallel_loop3A_197 = arith.constant 112 : index
      %parallel_loop3A_198 = tpu.vector_load %arg8[%parallel_loop3A_196, %parallel_loop3A_197] {strides = array<i32>} : memref<256x128xf32, #tpu.memory_space<vmem>>, vector<16xf32>,
      tpu.vector_store %arg8[%parallel_loop3A_196, %parallel_loop3A_197], %broadcast_in_dim3A_3 {strides = array<i32>} : memref<256x128xf32, #tpu.memory_space<vmem>>, vector<16xf32>,
    } {sc.loop_unroll_factor = 4 : i64, sc.parallel_access}
    %add3A_8 = arith.constant 0 : i32
    %add3A_9 = arith.addi %mul3A_2, %add3A_8 : i32
    %dma_start3A = tpu.memref_slice %arg2[%add3A_9] : memref<4194304xbf16, #tpu.memory_space<hbm>> -> memref<8192xbf16, #tpu.memory_space<hbm>>
    %dma_start3A_10 = tpu.memref_slice %arg2[%add3A_9] : memref<4194304xbf16, #tpu.memory_space<hbm>> -> memref<8192xbf16, #tpu.memory_space<hbm>>
    tpu.enqueue_dma source(%dma_start3A_10 : memref<8192xbf16, #tpu.memory_space<hbm>>) target(%arg5 : memref<8192xbf16, #tpu.memory_space<vmem>>) target_semaphore(%arg9 : memref<!tpu.dma_semaphore, #tpu.memory_space<semaphore_mem>>)
    %add3A_11 = arith.constant 8192 : i32
    %add3A_12 = arith.addi %mul3A_2, %add3A_11 : i32
    %dma_start3A_13 = tpu.memref_slice %arg2[%add3A_12] : memref<4194304xbf16, #tpu.memory_space<hbm>> -> memref<8192xbf16, #tpu.memory_space<hbm>>
    %dma_start3A_14 = tpu.memref_slice %arg2[%add3A_12] : memref<4194304xbf16, #tpu.memory_space<hbm>> -> memref<8192xbf16, #tpu.memory_space<hbm>>
    tpu.enqueue_dma source(%dma_start3A_14 : memref<8192xbf16, #tpu.memory_space<hbm>>) target(%arg6 : memref<8192xbf16, #tpu.memory_space<vmem>>) target_semaphore(%arg10 : memref<!tpu.dma_semaphore, #tpu.memory_space<semaphore_mem>>)
    %dma_wait3A = tpu.memref_slice %arg2[%add3A_9] : memref<4194304xbf16, #tpu.memory_space<hbm>> -> memref<8192xbf16, #tpu.memory_space<hbm>>
    %dma_wait3A_15 = tpu.memref_slice %arg2[%add3A_9] : memref<4194304xbf16, #tpu.memory_space<hbm>> -> memref<8192xbf16, #tpu.memory_space<hbm>>
    tpu.wait_dma2 semaphore(%arg9 : memref<!tpu.dma_semaphore, #tpu.memory_space<semaphore_mem>>) src(%dma_wait3A_15 : memref<8192xbf16, #tpu.memory_space<hbm>>) dst(%arg5 : memref<8192xbf16, #tpu.memory_space<vmem>>)
    %parallel_loop3A_16 = arith.constant 0 : i32
    %parallel_loop3A_17 = arith.constant 256 : i32
    %parallel_loop3A_18 = arith.constant 1 : i32
    scf.for %parallel_loop3A_150 = %parallel_loop3A_16 to %parallel_loop3A_17 step %parallel_loop3A_18  : i32 {
      %parallel_loop3A_151 = arith.constant 32 : i32
      %parallel_loop3A_152 = arith.muli %parallel_loop3A_150, %parallel_loop3A_151 : i32
      %parallel_loop3A_153 = arith.index_cast %parallel_loop3A_152 : i32 to index
      %parallel_loop3A_154 = tpu.vector_load %arg5[%parallel_loop3A_153] {strides = array<i32>} : memref<8192xbf16, #tpu.memory_space<vmem>>, vector<32xbf16>,
      %parallel_loop3A_155 = tpu.unpack_subelements %parallel_loop3A_154, 0 {pack_format = #tpu.pack_format<interleaved>} : vector<32xbf16> -> vector<16xf32>
      %parallel_loop3A_156 = tpu.unpack_subelements %parallel_loop3A_154, 1 {pack_format = #tpu.pack_format<interleaved>} : vector<32xbf16> -> vector<16xf32>
      %parallel_loop3A_157 = arith.constant 0.000000e+00 : f32
      %parallel_loop3A_158 = vector.broadcast %parallel_loop3A_157 : f32 to vector<16xf32>
      %parallel_loop3A_159 = arith.cmpf ogt, %parallel_loop3A_155, %parallel_loop3A_158 : vector<16xf32>
      %parallel_loop3A_160 = vector.bitcast %parallel_loop3A_155 : vector<16xf32> to vector<16xi32>
      %parallel_loop3A_161 = arith.constant 16 : i32
      %parallel_loop3A_162 = vector.broadcast %parallel_loop3A_161 : i32 to vector<16xi32>
      %parallel_loop3A_163 = arith.shrui %parallel_loop3A_160, %parallel_loop3A_162 : vector<16xi32>
      %parallel_loop3A_164 = arith.constant 7 : i32
      %parallel_loop3A_165 = vector.broadcast %parallel_loop3A_164 : i32 to vector<16xi32>
      %parallel_loop3A_166 = arith.shrui %parallel_loop3A_163, %parallel_loop3A_165 : vector<16xi32>
      %parallel_loop3A_167 = arith.constant 127 : i32
      %parallel_loop3A_168 = vector.broadcast %parallel_loop3A_167 : i32 to vector<16xi32>
      %parallel_loop3A_169 = arith.andi %parallel_loop3A_163, %parallel_loop3A_168 : vector<16xi32>
      tpu.vector_store_idx %arg7[%parallel_loop3A_166, %parallel_loop3A_169], %broadcast_in_dim3A_5 masked %parallel_loop3A_159 {add = true} : memref<256x128xf32, #tpu.memory_space<vmem>>[vector<16xi32>, vector<16xi32>], vector<16xf32>, vector<16xi1>
      tpu.vector_store_idx %arg8[%parallel_loop3A_166, %parallel_loop3A_169], %parallel_loop3A_155 masked %parallel_loop3A_159 {add = true} : memref<256x128xf32, #tpu.memory_space<vmem>>[vector<16xi32>, vector<16xi32>], vector<16xf32>, vector<16xi1>
      %parallel_loop3A_170 = arith.constant 0.000000e+00 : f32
      %parallel_loop3A_171 = vector.broadcast %parallel_loop3A_170 : f32 to vector<16xf32>
      %parallel_loop3A_172 = arith.cmpf ogt, %parallel_loop3A_156, %parallel_loop3A_171 : vector<16xf32>
      %parallel_loop3A_173 = vector.bitcast %parallel_loop3A_156 : vector<16xf32> to vector<16xi32>
      %parallel_loop3A_174 = arith.constant 16 : i32
      %parallel_loop3A_175 = vector.broadcast %parallel_loop3A_174 : i32 to vector<16xi32>
      %parallel_loop3A_176 = arith.shrui %parallel_loop3A_173, %parallel_loop3A_175 : vector<16xi32>
      %parallel_loop3A_177 = arith.constant 7 : i32
      %parallel_loop3A_178 = vector.broadcast %parallel_loop3A_177 : i32 to vector<16xi32>
      %parallel_loop3A_179 = arith.shrui %parallel_loop3A_176, %parallel_loop3A_178 : vector<16xi32>
      %parallel_loop3A_180 = arith.constant 127 : i32
      %parallel_loop3A_181 = vector.broadcast %parallel_loop3A_180 : i32 to vector<16xi32>
      %parallel_loop3A_182 = arith.andi %parallel_loop3A_176, %parallel_loop3A_181 : vector<16xi32>
      tpu.vector_store_idx %arg7[%parallel_loop3A_179, %parallel_loop3A_182], %broadcast_in_dim3A_5 masked %parallel_loop3A_172 {add = true} : memref<256x128xf32, #tpu.memory_space<vmem>>[vector<16xi32>, vector<16xi32>], vector<16xf32>, vector<16xi1>
      tpu.vector_store_idx %arg8[%parallel_loop3A_179, %parallel_loop3A_182], %parallel_loop3A_156 masked %parallel_loop3A_172 {add = true} : memref<256x128xf32, #tpu.memory_space<vmem>>[vector<16xi32>, vector<16xi32>], vector<16xf32>, vector<16xi1>
    } {sc.loop_unroll_factor = 4 : i64, sc.parallel_access}
    %add3A_19 = arith.constant 16384 : i32
    %add3A_20 = arith.addi %mul3A_2, %add3A_19 : i32
    %dma_start3A_21 = tpu.memref_slice %arg2[%add3A_20] : memref<4194304xbf16, #tpu.memory_space<hbm>> -> memref<8192xbf16, #tpu.memory_space<hbm>>
    %dma_start3A_22 = tpu.memref_slice %arg2[%add3A_20] : memref<4194304xbf16, #tpu.memory_space<hbm>> -> memref<8192xbf16, #tpu.memory_space<hbm>>
    tpu.enqueue_dma source(%dma_start3A_22 : memref<8192xbf16, #tpu.memory_space<hbm>>) target(%arg5 : memref<8192xbf16, #tpu.memory_space<vmem>>) target_semaphore(%arg9 : memref<!tpu.dma_semaphore, #tpu.memory_space<semaphore_mem>>)
    %dma_wait3A_23 = tpu.memref_slice %arg2[%add3A_12] : memref<4194304xbf16, #tpu.memory_space<hbm>> -> memref<8192xbf16, #tpu.memory_space<hbm>>
    %dma_wait3A_24 = tpu.memref_slice %arg2[%add3A_12] : memref<4194304xbf16, #tpu.memory_space<hbm>> -> memref<8192xbf16, #tpu.memory_space<hbm>>
    tpu.wait_dma2 semaphore(%arg10 : memref<!tpu.dma_semaphore, #tpu.memory_space<semaphore_mem>>) src(%dma_wait3A_24 : memref<8192xbf16, #tpu.memory_space<hbm>>) dst(%arg6 : memref<8192xbf16, #tpu.memory_space<vmem>>)
    %parallel_loop3A_25 = arith.constant 0 : i32
    %parallel_loop3A_26 = arith.constant 256 : i32
    %parallel_loop3A_27 = arith.constant 1 : i32
    scf.for %parallel_loop3A_150 = %parallel_loop3A_25 to %parallel_loop3A_26 step %parallel_loop3A_27  : i32 {
      %parallel_loop3A_151 = arith.constant 32 : i32
      %parallel_loop3A_152 = arith.muli %parallel_loop3A_150, %parallel_loop3A_151 : i32
      %parallel_loop3A_153 = arith.index_cast %parallel_loop3A_152 : i32 to index
      %parallel_loop3A_154 = tpu.vector_load %arg6[%parallel_loop3A_153] {strides = array<i32>} : memref<8192xbf16, #tpu.memory_space<vmem>>, vector<32xbf16>,
      %parallel_loop3A_155 = tpu.unpack_subelements %parallel_loop3A_154, 0 {pack_format = #tpu.pack_format<interleaved>} : vector<32xbf16> -> vector<16xf32>
      %parallel_loop3A_156 = tpu.unpack_subelements %parallel_loop3A_154, 1 {pack_format = #tpu.pack_format<interleaved>} : vector<32xbf16> -> vector<16xf32>
      %parallel_loop3A_157 = arith.constant 0.000000e+00 : f32
      %parallel_loop3A_158 = vector.broadcast %parallel_loop3A_157 : f32 to vector<16xf32>
      %parallel_loop3A_159 = arith.cmpf ogt, %parallel_loop3A_155, %parallel_loop3A_158 : vector<16xf32>
      %parallel_loop3A_160 = vector.bitcast %parallel_loop3A_155 : vector<16xf32> to vector<16xi32>
      %parallel_loop3A_161 = arith.constant 16 : i32
      %parallel_loop3A_162 = vector.broadcast %parallel_loop3A_161 : i32 to vector<16xi32>
      %parallel_loop3A_163 = arith.shrui %parallel_loop3A_160, %parallel_loop3A_162 : vector<16xi32>
      %parallel_loop3A_164 = arith.constant 7 : i32
      %parallel_loop3A_165 = vector.broadcast %parallel_loop3A_164 : i32 to vector<16xi32>
      %parallel_loop3A_166 = arith.shrui %parallel_loop3A_163, %parallel_loop3A_165 : vector<16xi32>
      %parallel_loop3A_167 = arith.constant 127 : i32
      %parallel_loop3A_168 = vector.broadcast %parallel_loop3A_167 : i32 to vector<16xi32>
      %parallel_loop3A_169 = arith.andi %parallel_loop3A_163, %parallel_loop3A_168 : vector<16xi32>
      tpu.vector_store_idx %arg7[%parallel_loop3A_166, %parallel_loop3A_169], %broadcast_in_dim3A_5 masked %parallel_loop3A_159 {add = true} : memref<256x128xf32, #tpu.memory_space<vmem>>[vector<16xi32>, vector<16xi32>], vector<16xf32>, vector<16xi1>
      tpu.vector_store_idx %arg8[%parallel_loop3A_166, %parallel_loop3A_169], %parallel_loop3A_155 masked %parallel_loop3A_159 {add = true} : memref<256x128xf32, #tpu.memory_space<vmem>>[vector<16xi32>, vector<16xi32>], vector<16xf32>, vector<16xi1>
      %parallel_loop3A_170 = arith.constant 0.000000e+00 : f32
      %parallel_loop3A_171 = vector.broadcast %parallel_loop3A_170 : f32 to vector<16xf32>
      %parallel_loop3A_172 = arith.cmpf ogt, %parallel_loop3A_156, %parallel_loop3A_171 : vector<16xf32>
      %parallel_loop3A_173 = vector.bitcast %parallel_loop3A_156 : vector<16xf32> to vector<16xi32>
      %parallel_loop3A_174 = arith.constant 16 : i32
      %parallel_loop3A_175 = vector.broadcast %parallel_loop3A_174 : i32 to vector<16xi32>
      %parallel_loop3A_176 = arith.shrui %parallel_loop3A_173, %parallel_loop3A_175 : vector<16xi32>
      %parallel_loop3A_177 = arith.constant 7 : i32
      %parallel_loop3A_178 = vector.broadcast %parallel_loop3A_177 : i32 to vector<16xi32>
      %parallel_loop3A_179 = arith.shrui %parallel_loop3A_176, %parallel_loop3A_178 : vector<16xi32>
      %parallel_loop3A_180 = arith.constant 127 : i32
      %parallel_loop3A_181 = vector.broadcast %parallel_loop3A_180 : i32 to vector<16xi32>
      %parallel_loop3A_182 = arith.andi %parallel_loop3A_176, %parallel_loop3A_181 : vector<16xi32>
      tpu.vector_store_idx %arg7[%parallel_loop3A_179, %parallel_loop3A_182], %broadcast_in_dim3A_5 masked %parallel_loop3A_172 {add = true} : memref<256x128xf32, #tpu.memory_space<vmem>>[vector<16xi32>, vector<16xi32>], vector<16xf32>, vector<16xi1>
      tpu.vector_store_idx %arg8[%parallel_loop3A_179, %parallel_loop3A_182], %parallel_loop3A_156 masked %parallel_loop3A_172 {add = true} : memref<256x128xf32, #tpu.memory_space<vmem>>[vector<16xi32>, vector<16xi32>], vector<16xf32>, vector<16xi1>
    } {sc.loop_unroll_factor = 4 : i64, sc.parallel_access}
    %add3A_28 = arith.constant 24576 : i32
    %add3A_29 = arith.addi %mul3A_2, %add3A_28 : i32
    %dma_start3A_30 = tpu.memref_slice %arg2[%add3A_29] : memref<4194304xbf16, #tpu.memory_space<hbm>> -> memref<8192xbf16, #tpu.memory_space<hbm>>
    %dma_start3A_31 = tpu.memref_slice %arg2[%add3A_29] : memref<4194304xbf16, #tpu.memory_space<hbm>> -> memref<8192xbf16, #tpu.memory_space<hbm>>
    tpu.enqueue_dma source(%dma_start3A_31 : memref<8192xbf16, #tpu.memory_space<hbm>>) target(%arg6 : memref<8192xbf16, #tpu.memory_space<vmem>>) target_semaphore(%arg10 : memref<!tpu.dma_semaphore, #tpu.memory_space<semaphore_mem>>)
    %dma_wait3A_32 = tpu.memref_slice %arg2[%add3A_20] : memref<4194304xbf16, #tpu.memory_space<hbm>> -> memref<8192xbf16, #tpu.memory_space<hbm>>
    %dma_wait3A_33 = tpu.memref_slice %arg2[%add3A_20] : memref<4194304xbf16, #tpu.memory_space<hbm>> -> memref<8192xbf16, #tpu.memory_space<hbm>>
    tpu.wait_dma2 semaphore(%arg9 : memref<!tpu.dma_semaphore, #tpu.memory_space<semaphore_mem>>) src(%dma_wait3A_33 : memref<8192xbf16, #tpu.memory_space<hbm>>) dst(%arg5 : memref<8192xbf16, #tpu.memory_space<vmem>>)
    %parallel_loop3A_34 = arith.constant 0 : i32
    %parallel_loop3A_35 = arith.constant 256 : i32
    %parallel_loop3A_36 = arith.constant 1 : i32
    scf.for %parallel_loop3A_150 = %parallel_loop3A_34 to %parallel_loop3A_35 step %parallel_loop3A_36  : i32 {
      %parallel_loop3A_151 = arith.constant 32 : i32
      %parallel_loop3A_152 = arith.muli %parallel_loop3A_150, %parallel_loop3A_151 : i32
      %parallel_loop3A_153 = arith.index_cast %parallel_loop3A_152 : i32 to index
      %parallel_loop3A_154 = tpu.vector_load %arg5[%parallel_loop3A_153] {strides = array<i32>} : memref<8192xbf16, #tpu.memory_space<vmem>>, vector<32xbf16>,
      %parallel_loop3A_155 = tpu.unpack_subelements %parallel_loop3A_154, 0 {pack_format = #tpu.pack_format<interleaved>} : vector<32xbf16> -> vector<16xf32>
      %parallel_loop3A_156 = tpu.unpack_subelements %parallel_loop3A_154, 1 {pack_format = #tpu.pack_format<interleaved>} : vector<32xbf16> -> vector<16xf32>
      %parallel_loop3A_157 = arith.constant 0.000000e+00 : f32
      %parallel_loop3A_158 = vector.broadcast %parallel_loop3A_157 : f32 to vector<16xf32>
      %parallel_loop3A_159 = arith.cmpf ogt, %parallel_loop3A_155, %parallel_loop3A_158 : vector<16xf32>
      %parallel_loop3A_160 = vector.bitcast %parallel_loop3A_155 : vector<16xf32> to vector<16xi32>
      %parallel_loop3A_161 = arith.constant 16 : i32
      %parallel_loop3A_162 = vector.broadcast %parallel_loop3A_161 : i32 to vector<16xi32>
      %parallel_loop3A_163 = arith.shrui %parallel_loop3A_160, %parallel_loop3A_162 : vector<16xi32>
      %parallel_loop3A_164 = arith.constant 7 : i32
      %parallel_loop3A_165 = vector.broadcast %parallel_loop3A_164 : i32 to vector<16xi32>
      %parallel_loop3A_166 = arith.shrui %parallel_loop3A_163, %parallel_loop3A_165 : vector<16xi32>
      %parallel_loop3A_167 = arith.constant 127 : i32
      %parallel_loop3A_168 = vector.broadcast %parallel_loop3A_167 : i32 to vector<16xi32>
      %parallel_loop3A_169 = arith.andi %parallel_loop3A_163, %parallel_loop3A_168 : vector<16xi32>
      tpu.vector_store_idx %arg7[%parallel_loop3A_166, %parallel_loop3A_169], %broadcast_in_dim3A_5 masked %parallel_loop3A_159 {add = true} : memref<256x128xf32, #tpu.memory_space<vmem>>[vector<16xi32>, vector<16xi32>], vector<16xf32>, vector<16xi1>
      tpu.vector_store_idx %arg8[%parallel_loop3A_166, %parallel_loop3A_169], %parallel_loop3A_155 masked %parallel_loop3A_159 {add = true} : memref<256x128xf32, #tpu.memory_space<vmem>>[vector<16xi32>, vector<16xi32>], vector<16xf32>, vector<16xi1>
      %parallel_loop3A_170 = arith.constant 0.000000e+00 : f32
      %parallel_loop3A_171 = vector.broadcast %parallel_loop3A_170 : f32 to vector<16xf32>
      %parallel_loop3A_172 = arith.cmpf ogt, %parallel_loop3A_156, %parallel_loop3A_171 : vector<16xf32>
      %parallel_loop3A_173 = vector.bitcast %parallel_loop3A_156 : vector<16xf32> to vector<16xi32>
      %parallel_loop3A_174 = arith.constant 16 : i32
      %parallel_loop3A_175 = vector.broadcast %parallel_loop3A_174 : i32 to vector<16xi32>
      %parallel_loop3A_176 = arith.shrui %parallel_loop3A_173, %parallel_loop3A_175 : vector<16xi32>
      %parallel_loop3A_177 = arith.constant 7 : i32
      %parallel_loop3A_178 = vector.broadcast %parallel_loop3A_177 : i32 to vector<16xi32>
      %parallel_loop3A_179 = arith.shrui %parallel_loop3A_176, %parallel_loop3A_178 : vector<16xi32>
      %parallel_loop3A_180 = arith.constant 127 : i32
      %parallel_loop3A_181 = vector.broadcast %parallel_loop3A_180 : i32 to vector<16xi32>
      %parallel_loop3A_182 = arith.andi %parallel_loop3A_176, %parallel_loop3A_181 : vector<16xi32>
      tpu.vector_store_idx %arg7[%parallel_loop3A_179, %parallel_loop3A_182], %broadcast_in_dim3A_5 masked %parallel_loop3A_172 {add = true} : memref<256x128xf32, #tpu.memory_space<vmem>>[vector<16xi32>, vector<16xi32>], vector<16xf32>, vector<16xi1>
      tpu.vector_store_idx %arg8[%parallel_loop3A_179, %parallel_loop3A_182], %parallel_loop3A_156 masked %parallel_loop3A_172 {add = true} : memref<256x128xf32, #tpu.memory_space<vmem>>[vector<16xi32>, vector<16xi32>], vector<16xf32>, vector<16xi1>
    } {sc.loop_unroll_factor = 4 : i64, sc.parallel_access}
    %add3A_37 = arith.constant 32768 : i32
    %add3A_38 = arith.addi %mul3A_2, %add3A_37 : i32
    %dma_start3A_39 = tpu.memref_slice %arg2[%add3A_38] : memref<4194304xbf16, #tpu.memory_space<hbm>> -> memref<8192xbf16, #tpu.memory_space<hbm>>
    %dma_start3A_40 = tpu.memref_slice %arg2[%add3A_38] : memref<4194304xbf16, #tpu.memory_space<hbm>> -> memref<8192xbf16, #tpu.memory_space<hbm>>
    tpu.enqueue_dma source(%dma_start3A_40 : memref<8192xbf16, #tpu.memory_space<hbm>>) target(%arg5 : memref<8192xbf16, #tpu.memory_space<vmem>>) target_semaphore(%arg9 : memref<!tpu.dma_semaphore, #tpu.memory_space<semaphore_mem>>)
    %dma_wait3A_41 = tpu.memref_slice %arg2[%add3A_29] : memref<4194304xbf16, #tpu.memory_space<hbm>> -> memref<8192xbf16, #tpu.memory_space<hbm>>
    %dma_wait3A_42 = tpu.memref_slice %arg2[%add3A_29] : memref<4194304xbf16, #tpu.memory_space<hbm>> -> memref<8192xbf16, #tpu.memory_space<hbm>>
    tpu.wait_dma2 semaphore(%arg10 : memref<!tpu.dma_semaphore, #tpu.memory_space<semaphore_mem>>) src(%dma_wait3A_42 : memref<8192xbf16, #tpu.memory_space<hbm>>) dst(%arg6 : memref<8192xbf16, #tpu.memory_space<vmem>>)
    %parallel_loop3A_43 = arith.constant 0 : i32
    %parallel_loop3A_44 = arith.constant 256 : i32
    %parallel_loop3A_45 = arith.constant 1 : i32
    scf.for %parallel_loop3A_150 = %parallel_loop3A_43 to %parallel_loop3A_44 step %parallel_loop3A_45  : i32 {
      %parallel_loop3A_151 = arith.constant 32 : i32
      %parallel_loop3A_152 = arith.muli %parallel_loop3A_150, %parallel_loop3A_151 : i32
      %parallel_loop3A_153 = arith.index_cast %parallel_loop3A_152 : i32 to index
      %parallel_loop3A_154 = tpu.vector_load %arg6[%parallel_loop3A_153] {strides = array<i32>} : memref<8192xbf16, #tpu.memory_space<vmem>>, vector<32xbf16>,
      %parallel_loop3A_155 = tpu.unpack_subelements %parallel_loop3A_154, 0 {pack_format = #tpu.pack_format<interleaved>} : vector<32xbf16> -> vector<16xf32>
      %parallel_loop3A_156 = tpu.unpack_subelements %parallel_loop3A_154, 1 {pack_format = #tpu.pack_format<interleaved>} : vector<32xbf16> -> vector<16xf32>
      %parallel_loop3A_157 = arith.constant 0.000000e+00 : f32
      %parallel_loop3A_158 = vector.broadcast %parallel_loop3A_157 : f32 to vector<16xf32>
      %parallel_loop3A_159 = arith.cmpf ogt, %parallel_loop3A_155, %parallel_loop3A_158 : vector<16xf32>
      %parallel_loop3A_160 = vector.bitcast %parallel_loop3A_155 : vector<16xf32> to vector<16xi32>
      %parallel_loop3A_161 = arith.constant 16 : i32
      %parallel_loop3A_162 = vector.broadcast %parallel_loop3A_161 : i32 to vector<16xi32>
      %parallel_loop3A_163 = arith.shrui %parallel_loop3A_160, %parallel_loop3A_162 : vector<16xi32>
      %parallel_loop3A_164 = arith.constant 7 : i32
      %parallel_loop3A_165 = vector.broadcast %parallel_loop3A_164 : i32 to vector<16xi32>
      %parallel_loop3A_166 = arith.shrui %parallel_loop3A_163, %parallel_loop3A_165 : vector<16xi32>
      %parallel_loop3A_167 = arith.constant 127 : i32
      %parallel_loop3A_168 = vector.broadcast %parallel_loop3A_167 : i32 to vector<16xi32>
      %parallel_loop3A_169 = arith.andi %parallel_loop3A_163, %parallel_loop3A_168 : vector<16xi32>
      tpu.vector_store_idx %arg7[%parallel_loop3A_166, %parallel_loop3A_169], %broadcast_in_dim3A_5 masked %parallel_loop3A_159 {add = true} : memref<256x128xf32, #tpu.memory_space<vmem>>[vector<16xi32>, vector<16xi32>], vector<16xf32>, vector<16xi1>
      tpu.vector_store_idx %arg8[%parallel_loop3A_166, %parallel_loop3A_169], %parallel_loop3A_155 masked %parallel_loop3A_159 {add = true} : memref<256x128xf32, #tpu.memory_space<vmem>>[vector<16xi32>, vector<16xi32>], vector<16xf32>, vector<16xi1>
      %parallel_loop3A_170 = arith.constant 0.000000e+00 : f32
      %parallel_loop3A_171 = vector.broadcast %parallel_loop3A_170 : f32 to vector<16xf32>
      %parallel_loop3A_172 = arith.cmpf ogt, %parallel_loop3A_156, %parallel_loop3A_171 : vector<16xf32>
      %parallel_loop3A_173 = vector.bitcast %parallel_loop3A_156 : vector<16xf32> to vector<16xi32>
      %parallel_loop3A_174 = arith.constant 16 : i32
      %parallel_loop3A_175 = vector.broadcast %parallel_loop3A_174 : i32 to vector<16xi32>
      %parallel_loop3A_176 = arith.shrui %parallel_loop3A_173, %parallel_loop3A_175 : vector<16xi32>
      %parallel_loop3A_177 = arith.constant 7 : i32
      %parallel_loop3A_178 = vector.broadcast %parallel_loop3A_177 : i32 to vector<16xi32>
      %parallel_loop3A_179 = arith.shrui %parallel_loop3A_176, %parallel_loop3A_178 : vector<16xi32>
      %parallel_loop3A_180 = arith.constant 127 : i32
      %parallel_loop3A_181 = vector.broadcast %parallel_loop3A_180 : i32 to vector<16xi32>
      %parallel_loop3A_182 = arith.andi %parallel_loop3A_176, %parallel_loop3A_181 : vector<16xi32>
      tpu.vector_store_idx %arg7[%parallel_loop3A_179, %parallel_loop3A_182], %broadcast_in_dim3A_5 masked %parallel_loop3A_172 {add = true} : memref<256x128xf32, #tpu.memory_space<vmem>>[vector<16xi32>, vector<16xi32>], vector<16xf32>, vector<16xi1>
      tpu.vector_store_idx %arg8[%parallel_loop3A_179, %parallel_loop3A_182], %parallel_loop3A_156 masked %parallel_loop3A_172 {add = true} : memref<256x128xf32, #tpu.memory_space<vmem>>[vector<16xi32>, vector<16xi32>], vector<16xf32>, vector<16xi1>
    } {sc.loop_unroll_factor = 4 : i64, sc.parallel_access}
    %add3A_46 = arith.constant 40960 : i32
    %add3A_47 = arith.addi %mul3A_2, %add3A_46 : i32
    %dma_start3A_48 = tpu.memref_slice %arg2[%add3A_47] : memref<4194304xbf16, #tpu.memory_space<hbm>> -> memref<8192xbf16, #tpu.memory_space<hbm>>
    %dma_start3A_49 = tpu.memref_slice %arg2[%add3A_47] : memref<4194304xbf16, #tpu.memory_space<hbm>> -> memref<8192xbf16, #tpu.memory_space<hbm>>
    tpu.enqueue_dma source(%dma_start3A_49 : memref<8192xbf16, #tpu.memory_space<hbm>>) target(%arg6 : memref<8192xbf16, #tpu.memory_space<vmem>>) target_semaphore(%arg10 : memref<!tpu.dma_semaphore, #tpu.memory_space<semaphore_mem>>)
    %dma_wait3A_50 = tpu.memref_slice %arg2[%add3A_38] : memref<4194304xbf16, #tpu.memory_space<hbm>> -> memref<8192xbf16, #tpu.memory_space<hbm>>
    %dma_wait3A_51 = tpu.memref_slice %arg2[%add3A_38] : memref<4194304xbf16, #tpu.memory_space<hbm>> -> memref<8192xbf16, #tpu.memory_space<hbm>>
    tpu.wait_dma2 semaphore(%arg9 : memref<!tpu.dma_semaphore, #tpu.memory_space<semaphore_mem>>) src(%dma_wait3A_51 : memref<8192xbf16, #tpu.memory_space<hbm>>) dst(%arg5 : memref<8192xbf16, #tpu.memory_space<vmem>>)
    %parallel_loop3A_52 = arith.constant 0 : i32
    %parallel_loop3A_53 = arith.constant 256 : i32
    %parallel_loop3A_54 = arith.constant 1 : i32
    scf.for %parallel_loop3A_150 = %parallel_loop3A_52 to %parallel_loop3A_53 step %parallel_loop3A_54  : i32 {
      %parallel_loop3A_151 = arith.constant 32 : i32
      %parallel_loop3A_152 = arith.muli %parallel_loop3A_150, %parallel_loop3A_151 : i32
      %parallel_loop3A_153 = arith.index_cast %parallel_loop3A_152 : i32 to index
      %parallel_loop3A_154 = tpu.vector_load %arg5[%parallel_loop3A_153] {strides = array<i32>} : memref<8192xbf16, #tpu.memory_space<vmem>>, vector<32xbf16>,
      %parallel_loop3A_155 = tpu.unpack_subelements %parallel_loop3A_154, 0 {pack_format = #tpu.pack_format<interleaved>} : vector<32xbf16> -> vector<16xf32>
      %parallel_loop3A_156 = tpu.unpack_subelements %parallel_loop3A_154, 1 {pack_format = #tpu.pack_format<interleaved>} : vector<32xbf16> -> vector<16xf32>
      %parallel_loop3A_157 = arith.constant 0.000000e+00 : f32
      %parallel_loop3A_158 = vector.broadcast %parallel_loop3A_157 : f32 to vector<16xf32>
      %parallel_loop3A_159 = arith.cmpf ogt, %parallel_loop3A_155, %parallel_loop3A_158 : vector<16xf32>
      %parallel_loop3A_160 = vector.bitcast %parallel_loop3A_155 : vector<16xf32> to vector<16xi32>
      %parallel_loop3A_161 = arith.constant 16 : i32
      %parallel_loop3A_162 = vector.broadcast %parallel_loop3A_161 : i32 to vector<16xi32>
      %parallel_loop3A_163 = arith.shrui %parallel_loop3A_160, %parallel_loop3A_162 : vector<16xi32>
      %parallel_loop3A_164 = arith.constant 7 : i32
      %parallel_loop3A_165 = vector.broadcast %parallel_loop3A_164 : i32 to vector<16xi32>
      %parallel_loop3A_166 = arith.shrui %parallel_loop3A_163, %parallel_loop3A_165 : vector<16xi32>
      %parallel_loop3A_167 = arith.constant 127 : i32
      %parallel_loop3A_168 = vector.broadcast %parallel_loop3A_167 : i32 to vector<16xi32>
      %parallel_loop3A_169 = arith.andi %parallel_loop3A_163, %parallel_loop3A_168 : vector<16xi32>
      tpu.vector_store_idx %arg7[%parallel_loop3A_166, %parallel_loop3A_169], %broadcast_in_dim3A_5 masked %parallel_loop3A_159 {add = true} : memref<256x128xf32, #tpu.memory_space<vmem>>[vector<16xi32>, vector<16xi32>], vector<16xf32>, vector<16xi1>
      tpu.vector_store_idx %arg8[%parallel_loop3A_166, %parallel_loop3A_169], %parallel_loop3A_155 masked %parallel_loop3A_159 {add = true} : memref<256x128xf32, #tpu.memory_space<vmem>>[vector<16xi32>, vector<16xi32>], vector<16xf32>, vector<16xi1>
      %parallel_loop3A_170 = arith.constant 0.000000e+00 : f32
      %parallel_loop3A_171 = vector.broadcast %parallel_loop3A_170 : f32 to vector<16xf32>
      %parallel_loop3A_172 = arith.cmpf ogt, %parallel_loop3A_156, %parallel_loop3A_171 : vector<16xf32>
      %parallel_loop3A_173 = vector.bitcast %parallel_loop3A_156 : vector<16xf32> to vector<16xi32>
      %parallel_loop3A_174 = arith.constant 16 : i32
      %parallel_loop3A_175 = vector.broadcast %parallel_loop3A_174 : i32 to vector<16xi32>
      %parallel_loop3A_176 = arith.shrui %parallel_loop3A_173, %parallel_loop3A_175 : vector<16xi32>
      %parallel_loop3A_177 = arith.constant 7 : i32
      %parallel_loop3A_178 = vector.broadcast %parallel_loop3A_177 : i32 to vector<16xi32>
      %parallel_loop3A_179 = arith.shrui %parallel_loop3A_176, %parallel_loop3A_178 : vector<16xi32>
      %parallel_loop3A_180 = arith.constant 127 : i32
      %parallel_loop3A_181 = vector.broadcast %parallel_loop3A_180 : i32 to vector<16xi32>
      %parallel_loop3A_182 = arith.andi %parallel_loop3A_176, %parallel_loop3A_181 : vector<16xi32>
      tpu.vector_store_idx %arg7[%parallel_loop3A_179, %parallel_loop3A_182], %broadcast_in_dim3A_5 masked %parallel_loop3A_172 {add = true} : memref<256x128xf32, #tpu.memory_space<vmem>>[vector<16xi32>, vector<16xi32>], vector<16xf32>, vector<16xi1>
      tpu.vector_store_idx %arg8[%parallel_loop3A_179, %parallel_loop3A_182], %parallel_loop3A_156 masked %parallel_loop3A_172 {add = true} : memref<256x128xf32, #tpu.memory_space<vmem>>[vector<16xi32>, vector<16xi32>], vector<16xf32>, vector<16xi1>
    } {sc.loop_unroll_factor = 4 : i64, sc.parallel_access}
    %add3A_55 = arith.constant 49152 : i32
    %add3A_56 = arith.addi %mul3A_2, %add3A_55 : i32
    %dma_start3A_57 = tpu.memref_slice %arg2[%add3A_56] : memref<4194304xbf16, #tpu.memory_space<hbm>> -> memref<8192xbf16, #tpu.memory_space<hbm>>
    %dma_start3A_58 = tpu.memref_slice %arg2[%add3A_56] : memref<4194304xbf16, #tpu.memory_space<hbm>> -> memref<8192xbf16, #tpu.memory_space<hbm>>
    tpu.enqueue_dma source(%dma_start3A_58 : memref<8192xbf16, #tpu.memory_space<hbm>>) target(%arg5 : memref<8192xbf16, #tpu.memory_space<vmem>>) target_semaphore(%arg9 : memref<!tpu.dma_semaphore, #tpu.memory_space<semaphore_mem>>)
    %dma_wait3A_59 = tpu.memref_slice %arg2[%add3A_47] : memref<4194304xbf16, #tpu.memory_space<hbm>> -> memref<8192xbf16, #tpu.memory_space<hbm>>
    %dma_wait3A_60 = tpu.memref_slice %arg2[%add3A_47] : memref<4194304xbf16, #tpu.memory_space<hbm>> -> memref<8192xbf16, #tpu.memory_space<hbm>>
    tpu.wait_dma2 semaphore(%arg10 : memref<!tpu.dma_semaphore, #tpu.memory_space<semaphore_mem>>) src(%dma_wait3A_60 : memref<8192xbf16, #tpu.memory_space<hbm>>) dst(%arg6 : memref<8192xbf16, #tpu.memory_space<vmem>>)
    %parallel_loop3A_61 = arith.constant 0 : i32
    %parallel_loop3A_62 = arith.constant 256 : i32
    %parallel_loop3A_63 = arith.constant 1 : i32
    scf.for %parallel_loop3A_150 = %parallel_loop3A_61 to %parallel_loop3A_62 step %parallel_loop3A_63  : i32 {
      %parallel_loop3A_151 = arith.constant 32 : i32
      %parallel_loop3A_152 = arith.muli %parallel_loop3A_150, %parallel_loop3A_151 : i32
      %parallel_loop3A_153 = arith.index_cast %parallel_loop3A_152 : i32 to index
      %parallel_loop3A_154 = tpu.vector_load %arg6[%parallel_loop3A_153] {strides = array<i32>} : memref<8192xbf16, #tpu.memory_space<vmem>>, vector<32xbf16>,
      %parallel_loop3A_155 = tpu.unpack_subelements %parallel_loop3A_154, 0 {pack_format = #tpu.pack_format<interleaved>} : vector<32xbf16> -> vector<16xf32>
      %parallel_loop3A_156 = tpu.unpack_subelements %parallel_loop3A_154, 1 {pack_format = #tpu.pack_format<interleaved>} : vector<32xbf16> -> vector<16xf32>
      %parallel_loop3A_157 = arith.constant 0.000000e+00 : f32
      %parallel_loop3A_158 = vector.broadcast %parallel_loop3A_157 : f32 to vector<16xf32>
      %parallel_loop3A_159 = arith.cmpf ogt, %parallel_loop3A_155, %parallel_loop3A_158 : vector<16xf32>
      %parallel_loop3A_160 = vector.bitcast %parallel_loop3A_155 : vector<16xf32> to vector<16xi32>
      %parallel_loop3A_161 = arith.constant 16 : i32
      %parallel_loop3A_162 = vector.broadcast %parallel_loop3A_161 : i32 to vector<16xi32>
      %parallel_loop3A_163 = arith.shrui %parallel_loop3A_160, %parallel_loop3A_162 : vector<16xi32>
      %parallel_loop3A_164 = arith.constant 7 : i32
      %parallel_loop3A_165 = vector.broadcast %parallel_loop3A_164 : i32 to vector<16xi32>
      %parallel_loop3A_166 = arith.shrui %parallel_loop3A_163, %parallel_loop3A_165 : vector<16xi32>
      %parallel_loop3A_167 = arith.constant 127 : i32
      %parallel_loop3A_168 = vector.broadcast %parallel_loop3A_167 : i32 to vector<16xi32>
      %parallel_loop3A_169 = arith.andi %parallel_loop3A_163, %parallel_loop3A_168 : vector<16xi32>
      tpu.vector_store_idx %arg7[%parallel_loop3A_166, %parallel_loop3A_169], %broadcast_in_dim3A_5 masked %parallel_loop3A_159 {add = true} : memref<256x128xf32, #tpu.memory_space<vmem>>[vector<16xi32>, vector<16xi32>], vector<16xf32>, vector<16xi1>
      tpu.vector_store_idx %arg8[%parallel_loop3A_166, %parallel_loop3A_169], %parallel_loop3A_155 masked %parallel_loop3A_159 {add = true} : memref<256x128xf32, #tpu.memory_space<vmem>>[vector<16xi32>, vector<16xi32>], vector<16xf32>, vector<16xi1>
      %parallel_loop3A_170 = arith.constant 0.000000e+00 : f32
      %parallel_loop3A_171 = vector.broadcast %parallel_loop3A_170 : f32 to vector<16xf32>
      %parallel_loop3A_172 = arith.cmpf ogt, %parallel_loop3A_156, %parallel_loop3A_171 : vector<16xf32>
      %parallel_loop3A_173 = vector.bitcast %parallel_loop3A_156 : vector<16xf32> to vector<16xi32>
      %parallel_loop3A_174 = arith.constant 16 : i32
      %parallel_loop3A_175 = vector.broadcast %parallel_loop3A_174 : i32 to vector<16xi32>
      %parallel_loop3A_176 = arith.shrui %parallel_loop3A_173, %parallel_loop3A_175 : vector<16xi32>
      %parallel_loop3A_177 = arith.constant 7 : i32
      %parallel_loop3A_178 = vector.broadcast %parallel_loop3A_177 : i32 to vector<16xi32>
      %parallel_loop3A_179 = arith.shrui %parallel_loop3A_176, %parallel_loop3A_178 : vector<16xi32>
      %parallel_loop3A_180 = arith.constant 127 : i32
      %parallel_loop3A_181 = vector.broadcast %parallel_loop3A_180 : i32 to vector<16xi32>
      %parallel_loop3A_182 = arith.andi %parallel_loop3A_176, %parallel_loop3A_181 : vector<16xi32>
      tpu.vector_store_idx %arg7[%parallel_loop3A_179, %parallel_loop3A_182], %broadcast_in_dim3A_5 masked %parallel_loop3A_172 {add = true} : memref<256x128xf32, #tpu.memory_space<vmem>>[vector<16xi32>, vector<16xi32>], vector<16xf32>, vector<16xi1>
      tpu.vector_store_idx %arg8[%parallel_loop3A_179, %parallel_loop3A_182], %parallel_loop3A_156 masked %parallel_loop3A_172 {add = true} : memref<256x128xf32, #tpu.memory_space<vmem>>[vector<16xi32>, vector<16xi32>], vector<16xf32>, vector<16xi1>
    } {sc.loop_unroll_factor = 4 : i64, sc.parallel_access}
    %add3A_64 = arith.constant 57344 : i32
    %add3A_65 = arith.addi %mul3A_2, %add3A_64 : i32
    %dma_start3A_66 = tpu.memref_slice %arg2[%add3A_65] : memref<4194304xbf16, #tpu.memory_space<hbm>> -> memref<8192xbf16, #tpu.memory_space<hbm>>
    %dma_start3A_67 = tpu.memref_slice %arg2[%add3A_65] : memref<4194304xbf16, #tpu.memory_space<hbm>> -> memref<8192xbf16, #tpu.memory_space<hbm>>
    tpu.enqueue_dma source(%dma_start3A_67 : memref<8192xbf16, #tpu.memory_space<hbm>>) target(%arg6 : memref<8192xbf16, #tpu.memory_space<vmem>>) target_semaphore(%arg10 : memref<!tpu.dma_semaphore, #tpu.memory_space<semaphore_mem>>)
    %dma_wait3A_68 = tpu.memref_slice %arg2[%add3A_56] : memref<4194304xbf16, #tpu.memory_space<hbm>> -> memref<8192xbf16, #tpu.memory_space<hbm>>
    %dma_wait3A_69 = tpu.memref_slice %arg2[%add3A_56] : memref<4194304xbf16, #tpu.memory_space<hbm>> -> memref<8192xbf16, #tpu.memory_space<hbm>>
    tpu.wait_dma2 semaphore(%arg9 : memref<!tpu.dma_semaphore, #tpu.memory_space<semaphore_mem>>) src(%dma_wait3A_69 : memref<8192xbf16, #tpu.memory_space<hbm>>) dst(%arg5 : memref<8192xbf16, #tpu.memory_space<vmem>>)
    %parallel_loop3A_70 = arith.constant 0 : i32
    %parallel_loop3A_71 = arith.constant 256 : i32
    %parallel_loop3A_72 = arith.constant 1 : i32
    scf.for %parallel_loop3A_150 = %parallel_loop3A_70 to %parallel_loop3A_71 step %parallel_loop3A_72  : i32 {
      %parallel_loop3A_151 = arith.constant 32 : i32
      %parallel_loop3A_152 = arith.muli %parallel_loop3A_150, %parallel_loop3A_151 : i32
      %parallel_loop3A_153 = arith.index_cast %parallel_loop3A_152 : i32 to index
      %parallel_loop3A_154 = tpu.vector_load %arg5[%parallel_loop3A_153] {strides = array<i32>} : memref<8192xbf16, #tpu.memory_space<vmem>>, vector<32xbf16>,
      %parallel_loop3A_155 = tpu.unpack_subelements %parallel_loop3A_154, 0 {pack_format = #tpu.pack_format<interleaved>} : vector<32xbf16> -> vector<16xf32>
      %parallel_loop3A_156 = tpu.unpack_subelements %parallel_loop3A_154, 1 {pack_format = #tpu.pack_format<interleaved>} : vector<32xbf16> -> vector<16xf32>
      %parallel_loop3A_157 = arith.constant 0.000000e+00 : f32
      %parallel_loop3A_158 = vector.broadcast %parallel_loop3A_157 : f32 to vector<16xf32>
      %parallel_loop3A_159 = arith.cmpf ogt, %parallel_loop3A_155, %parallel_loop3A_158 : vector<16xf32>
      %parallel_loop3A_160 = vector.bitcast %parallel_loop3A_155 : vector<16xf32> to vector<16xi32>
      %parallel_loop3A_161 = arith.constant 16 : i32
      %parallel_loop3A_162 = vector.broadcast %parallel_loop3A_161 : i32 to vector<16xi32>
      %parallel_loop3A_163 = arith.shrui %parallel_loop3A_160, %parallel_loop3A_162 : vector<16xi32>
      %parallel_loop3A_164 = arith.constant 7 : i32
      %parallel_loop3A_165 = vector.broadcast %parallel_loop3A_164 : i32 to vector<16xi32>
      %parallel_loop3A_166 = arith.shrui %parallel_loop3A_163, %parallel_loop3A_165 : vector<16xi32>
      %parallel_loop3A_167 = arith.constant 127 : i32
      %parallel_loop3A_168 = vector.broadcast %parallel_loop3A_167 : i32 to vector<16xi32>
      %parallel_loop3A_169 = arith.andi %parallel_loop3A_163, %parallel_loop3A_168 : vector<16xi32>
      tpu.vector_store_idx %arg7[%parallel_loop3A_166, %parallel_loop3A_169], %broadcast_in_dim3A_5 masked %parallel_loop3A_159 {add = true} : memref<256x128xf32, #tpu.memory_space<vmem>>[vector<16xi32>, vector<16xi32>], vector<16xf32>, vector<16xi1>
      tpu.vector_store_idx %arg8[%parallel_loop3A_166, %parallel_loop3A_169], %parallel_loop3A_155 masked %parallel_loop3A_159 {add = true} : memref<256x128xf32, #tpu.memory_space<vmem>>[vector<16xi32>, vector<16xi32>], vector<16xf32>, vector<16xi1>
      %parallel_loop3A_170 = arith.constant 0.000000e+00 : f32
      %parallel_loop3A_171 = vector.broadcast %parallel_loop3A_170 : f32 to vector<16xf32>
      %parallel_loop3A_172 = arith.cmpf ogt, %parallel_loop3A_156, %parallel_loop3A_171 : vector<16xf32>
      %parallel_loop3A_173 = vector.bitcast %parallel_loop3A_156 : vector<16xf32> to vector<16xi32>
      %parallel_loop3A_174 = arith.constant 16 : i32
      %parallel_loop3A_175 = vector.broadcast %parallel_loop3A_174 : i32 to vector<16xi32>
      %parallel_loop3A_176 = arith.shrui %parallel_loop3A_173, %parallel_loop3A_175 : vector<16xi32>
      %parallel_loop3A_177 = arith.constant 7 : i32
      %parallel_loop3A_178 = vector.broadcast %parallel_loop3A_177 : i32 to vector<16xi32>
      %parallel_loop3A_179 = arith.shrui %parallel_loop3A_176, %parallel_loop3A_178 : vector<16xi32>
      %parallel_loop3A_180 = arith.constant 127 : i32
      %parallel_loop3A_181 = vector.broadcast %parallel_loop3A_180 : i32 to vector<16xi32>
      %parallel_loop3A_182 = arith.andi %parallel_loop3A_176, %parallel_loop3A_181 : vector<16xi32>
      tpu.vector_store_idx %arg7[%parallel_loop3A_179, %parallel_loop3A_182], %broadcast_in_dim3A_5 masked %parallel_loop3A_172 {add = true} : memref<256x128xf32, #tpu.memory_space<vmem>>[vector<16xi32>, vector<16xi32>], vector<16xf32>, vector<16xi1>
      tpu.vector_store_idx %arg8[%parallel_loop3A_179, %parallel_loop3A_182], %parallel_loop3A_156 masked %parallel_loop3A_172 {add = true} : memref<256x128xf32, #tpu.memory_space<vmem>>[vector<16xi32>, vector<16xi32>], vector<16xf32>, vector<16xi1>
    } {sc.loop_unroll_factor = 4 : i64, sc.parallel_access}
    %add3A_73 = arith.constant 65536 : i32
    %add3A_74 = arith.addi %mul3A_2, %add3A_73 : i32
    %dma_start3A_75 = tpu.memref_slice %arg2[%add3A_74] : memref<4194304xbf16, #tpu.memory_space<hbm>> -> memref<8192xbf16, #tpu.memory_space<hbm>>
    %dma_start3A_76 = tpu.memref_slice %arg2[%add3A_74] : memref<4194304xbf16, #tpu.memory_space<hbm>> -> memref<8192xbf16, #tpu.memory_space<hbm>>
    tpu.enqueue_dma source(%dma_start3A_76 : memref<8192xbf16, #tpu.memory_space<hbm>>) target(%arg5 : memref<8192xbf16, #tpu.memory_space<vmem>>) target_semaphore(%arg9 : memref<!tpu.dma_semaphore, #tpu.memory_space<semaphore_mem>>)
    %dma_wait3A_77 = tpu.memref_slice %arg2[%add3A_65] : memref<4194304xbf16, #tpu.memory_space<hbm>> -> memref<8192xbf16, #tpu.memory_space<hbm>>
    %dma_wait3A_78 = tpu.memref_slice %arg2[%add3A_65] : memref<4194304xbf16, #tpu.memory_space<hbm>> -> memref<8192xbf16, #tpu.memory_space<hbm>>
    tpu.wait_dma2 semaphore(%arg10 : memref<!tpu.dma_semaphore, #tpu.memory_space<semaphore_mem>>) src(%dma_wait3A_78 : memref<8192xbf16, #tpu.memory_space<hbm>>) dst(%arg6 : memref<8192xbf16, #tpu.memory_space<vmem>>)
    %parallel_loop3A_79 = arith.constant 0 : i32
    %parallel_loop3A_80 = arith.constant 256 : i32
    %parallel_loop3A_81 = arith.constant 1 : i32
    scf.for %parallel_loop3A_150 = %parallel_loop3A_79 to %parallel_loop3A_80 step %parallel_loop3A_81  : i32 {
      %parallel_loop3A_151 = arith.constant 32 : i32
      %parallel_loop3A_152 = arith.muli %parallel_loop3A_150, %parallel_loop3A_151 : i32
      %parallel_loop3A_153 = arith.index_cast %parallel_loop3A_152 : i32 to index
      %parallel_loop3A_154 = tpu.vector_load %arg6[%parallel_loop3A_153] {strides = array<i32>} : memref<8192xbf16, #tpu.memory_space<vmem>>, vector<32xbf16>,
      %parallel_loop3A_155 = tpu.unpack_subelements %parallel_loop3A_154, 0 {pack_format = #tpu.pack_format<interleaved>} : vector<32xbf16> -> vector<16xf32>
      %parallel_loop3A_156 = tpu.unpack_subelements %parallel_loop3A_154, 1 {pack_format = #tpu.pack_format<interleaved>} : vector<32xbf16> -> vector<16xf32>
      %parallel_loop3A_157 = arith.constant 0.000000e+00 : f32
      %parallel_loop3A_158 = vector.broadcast %parallel_loop3A_157 : f32 to vector<16xf32>
      %parallel_loop3A_159 = arith.cmpf ogt, %parallel_loop3A_155, %parallel_loop3A_158 : vector<16xf32>
      %parallel_loop3A_160 = vector.bitcast %parallel_loop3A_155 : vector<16xf32> to vector<16xi32>
      %parallel_loop3A_161 = arith.constant 16 : i32
      %parallel_loop3A_162 = vector.broadcast %parallel_loop3A_161 : i32 to vector<16xi32>
      %parallel_loop3A_163 = arith.shrui %parallel_loop3A_160, %parallel_loop3A_162 : vector<16xi32>
      %parallel_loop3A_164 = arith.constant 7 : i32
      %parallel_loop3A_165 = vector.broadcast %parallel_loop3A_164 : i32 to vector<16xi32>
      %parallel_loop3A_166 = arith.shrui %parallel_loop3A_163, %parallel_loop3A_165 : vector<16xi32>
      %parallel_loop3A_167 = arith.constant 127 : i32
      %parallel_loop3A_168 = vector.broadcast %parallel_loop3A_167 : i32 to vector<16xi32>
      %parallel_loop3A_169 = arith.andi %parallel_loop3A_163, %parallel_loop3A_168 : vector<16xi32>
      tpu.vector_store_idx %arg7[%parallel_loop3A_166, %parallel_loop3A_169], %broadcast_in_dim3A_5 masked %parallel_loop3A_159 {add = true} : memref<256x128xf32, #tpu.memory_space<vmem>>[vector<16xi32>, vector<16xi32>], vector<16xf32>, vector<16xi1>
      tpu.vector_store_idx %arg8[%parallel_loop3A_166, %parallel_loop3A_169], %parallel_loop3A_155 masked %parallel_loop3A_159 {add = true} : memref<256x128xf32, #tpu.memory_space<vmem>>[vector<16xi32>, vector<16xi32>], vector<16xf32>, vector<16xi1>
      %parallel_loop3A_170 = arith.constant 0.000000e+00 : f32
      %parallel_loop3A_171 = vector.broadcast %parallel_loop3A_170 : f32 to vector<16xf32>
      %parallel_loop3A_172 = arith.cmpf ogt, %parallel_loop3A_156, %parallel_loop3A_171 : vector<16xf32>
      %parallel_loop3A_173 = vector.bitcast %parallel_loop3A_156 : vector<16xf32> to vector<16xi32>
      %parallel_loop3A_174 = arith.constant 16 : i32
      %parallel_loop3A_175 = vector.broadcast %parallel_loop3A_174 : i32 to vector<16xi32>
      %parallel_loop3A_176 = arith.shrui %parallel_loop3A_173, %parallel_loop3A_175 : vector<16xi32>
      %parallel_loop3A_177 = arith.constant 7 : i32
      %parallel_loop3A_178 = vector.broadcast %parallel_loop3A_177 : i32 to vector<16xi32>
      %parallel_loop3A_179 = arith.shrui %parallel_loop3A_176, %parallel_loop3A_178 : vector<16xi32>
      %parallel_loop3A_180 = arith.constant 127 : i32
      %parallel_loop3A_181 = vector.broadcast %parallel_loop3A_180 : i32 to vector<16xi32>
      %parallel_loop3A_182 = arith.andi %parallel_loop3A_176, %parallel_loop3A_181 : vector<16xi32>
      tpu.vector_store_idx %arg7[%parallel_loop3A_179, %parallel_loop3A_182], %broadcast_in_dim3A_5 masked %parallel_loop3A_172 {add = true} : memref<256x128xf32, #tpu.memory_space<vmem>>[vector<16xi32>, vector<16xi32>], vector<16xf32>, vector<16xi1>
      tpu.vector_store_idx %arg8[%parallel_loop3A_179, %parallel_loop3A_182], %parallel_loop3A_156 masked %parallel_loop3A_172 {add = true} : memref<256x128xf32, #tpu.memory_space<vmem>>[vector<16xi32>, vector<16xi32>], vector<16xf32>, vector<16xi1>
    } {sc.loop_unroll_factor = 4 : i64, sc.parallel_access}
    %add3A_82 = arith.constant 73728 : i32
    %add3A_83 = arith.addi %mul3A_2, %add3A_82 : i32
    %dma_start3A_84 = tpu.memref_slice %arg2[%add3A_83] : memref<4194304xbf16, #tpu.memory_space<hbm>> -> memref<8192xbf16, #tpu.memory_space<hbm>>
    %dma_start3A_85 = tpu.memref_slice %arg2[%add3A_83] : memref<4194304xbf16, #tpu.memory_space<hbm>> -> memref<8192xbf16, #tpu.memory_space<hbm>>
    tpu.enqueue_dma source(%dma_start3A_85 : memref<8192xbf16, #tpu.memory_space<hbm>>) target(%arg6 : memref<8192xbf16, #tpu.memory_space<vmem>>) target_semaphore(%arg10 : memref<!tpu.dma_semaphore, #tpu.memory_space<semaphore_mem>>)
    %dma_wait3A_86 = tpu.memref_slice %arg2[%add3A_74] : memref<4194304xbf16, #tpu.memory_space<hbm>> -> memref<8192xbf16, #tpu.memory_space<hbm>>
    %dma_wait3A_87 = tpu.memref_slice %arg2[%add3A_74] : memref<4194304xbf16, #tpu.memory_space<hbm>> -> memref<8192xbf16, #tpu.memory_space<hbm>>
    tpu.wait_dma2 semaphore(%arg9 : memref<!tpu.dma_semaphore, #tpu.memory_space<semaphore_mem>>) src(%dma_wait3A_87 : memref<8192xbf16, #tpu.memory_space<hbm>>) dst(%arg5 : memref<8192xbf16, #tpu.memory_space<vmem>>)
    %parallel_loop3A_88 = arith.constant 0 : i32
    %parallel_loop3A_89 = arith.constant 256 : i32
    %parallel_loop3A_90 = arith.constant 1 : i32
    scf.for %parallel_loop3A_150 = %parallel_loop3A_88 to %parallel_loop3A_89 step %parallel_loop3A_90  : i32 {
      %parallel_loop3A_151 = arith.constant 32 : i32
      %parallel_loop3A_152 = arith.muli %parallel_loop3A_150, %parallel_loop3A_151 : i32
      %parallel_loop3A_153 = arith.index_cast %parallel_loop3A_152 : i32 to index
      %parallel_loop3A_154 = tpu.vector_load %arg5[%parallel_loop3A_153] {strides = array<i32>} : memref<8192xbf16, #tpu.memory_space<vmem>>, vector<32xbf16>,
      %parallel_loop3A_155 = tpu.unpack_subelements %parallel_loop3A_154, 0 {pack_format = #tpu.pack_format<interleaved>} : vector<32xbf16> -> vector<16xf32>
      %parallel_loop3A_156 = tpu.unpack_subelements %parallel_loop3A_154, 1 {pack_format = #tpu.pack_format<interleaved>} : vector<32xbf16> -> vector<16xf32>
      %parallel_loop3A_157 = arith.constant 0.000000e+00 : f32
      %parallel_loop3A_158 = vector.broadcast %parallel_loop3A_157 : f32 to vector<16xf32>
      %parallel_loop3A_159 = arith.cmpf ogt, %parallel_loop3A_155, %parallel_loop3A_158 : vector<16xf32>
      %parallel_loop3A_160 = vector.bitcast %parallel_loop3A_155 : vector<16xf32> to vector<16xi32>
      %parallel_loop3A_161 = arith.constant 16 : i32
      %parallel_loop3A_162 = vector.broadcast %parallel_loop3A_161 : i32 to vector<16xi32>
      %parallel_loop3A_163 = arith.shrui %parallel_loop3A_160, %parallel_loop3A_162 : vector<16xi32>
      %parallel_loop3A_164 = arith.constant 7 : i32
      %parallel_loop3A_165 = vector.broadcast %parallel_loop3A_164 : i32 to vector<16xi32>
      %parallel_loop3A_166 = arith.shrui %parallel_loop3A_163, %parallel_loop3A_165 : vector<16xi32>
      %parallel_loop3A_167 = arith.constant 127 : i32
      %parallel_loop3A_168 = vector.broadcast %parallel_loop3A_167 : i32 to vector<16xi32>
      %parallel_loop3A_169 = arith.andi %parallel_loop3A_163, %parallel_loop3A_168 : vector<16xi32>
      tpu.vector_store_idx %arg7[%parallel_loop3A_166, %parallel_loop3A_169], %broadcast_in_dim3A_5 masked %parallel_loop3A_159 {add = true} : memref<256x128xf32, #tpu.memory_space<vmem>>[vector<16xi32>, vector<16xi32>], vector<16xf32>, vector<16xi1>
      tpu.vector_store_idx %arg8[%parallel_loop3A_166, %parallel_loop3A_169], %parallel_loop3A_155 masked %parallel_loop3A_159 {add = true} : memref<256x128xf32, #tpu.memory_space<vmem>>[vector<16xi32>, vector<16xi32>], vector<16xf32>, vector<16xi1>
      %parallel_loop3A_170 = arith.constant 0.000000e+00 : f32
      %parallel_loop3A_171 = vector.broadcast %parallel_loop3A_170 : f32 to vector<16xf32>
      %parallel_loop3A_172 = arith.cmpf ogt, %parallel_loop3A_156, %parallel_loop3A_171 : vector<16xf32>
      %parallel_loop3A_173 = vector.bitcast %parallel_loop3A_156 : vector<16xf32> to vector<16xi32>
      %parallel_loop3A_174 = arith.constant 16 : i32
      %parallel_loop3A_175 = vector.broadcast %parallel_loop3A_174 : i32 to vector<16xi32>
      %parallel_loop3A_176 = arith.shrui %parallel_loop3A_173, %parallel_loop3A_175 : vector<16xi32>
      %parallel_loop3A_177 = arith.constant 7 : i32
      %parallel_loop3A_178 = vector.broadcast %parallel_loop3A_177 : i32 to vector<16xi32>
      %parallel_loop3A_179 = arith.shrui %parallel_loop3A_176, %parallel_loop3A_178 : vector<16xi32>
      %parallel_loop3A_180 = arith.constant 127 : i32
      %parallel_loop3A_181 = vector.broadcast %parallel_loop3A_180 : i32 to vector<16xi32>
      %parallel_loop3A_182 = arith.andi %parallel_loop3A_176, %parallel_loop3A_181 : vector<16xi32>
      tpu.vector_store_idx %arg7[%parallel_loop3A_179, %parallel_loop3A_182], %broadcast_in_dim3A_5 masked %parallel_loop3A_172 {add = true} : memref<256x128xf32, #tpu.memory_space<vmem>>[vector<16xi32>, vector<16xi32>], vector<16xf32>, vector<16xi1>
      tpu.vector_store_idx %arg8[%parallel_loop3A_179, %parallel_loop3A_182], %parallel_loop3A_156 masked %parallel_loop3A_172 {add = true} : memref<256x128xf32, #tpu.memory_space<vmem>>[vector<16xi32>, vector<16xi32>], vector<16xf32>, vector<16xi1>
    } {sc.loop_unroll_factor = 4 : i64, sc.parallel_access}
    %add3A_91 = arith.constant 81920 : i32
    %add3A_92 = arith.addi %mul3A_2, %add3A_91 : i32
    %dma_start3A_93 = tpu.memref_slice %arg2[%add3A_92] : memref<4194304xbf16, #tpu.memory_space<hbm>> -> memref<8192xbf16, #tpu.memory_space<hbm>>
    %dma_start3A_94 = tpu.memref_slice %arg2[%add3A_92] : memref<4194304xbf16, #tpu.memory_space<hbm>> -> memref<8192xbf16, #tpu.memory_space<hbm>>
    tpu.enqueue_dma source(%dma_start3A_94 : memref<8192xbf16, #tpu.memory_space<hbm>>) target(%arg5 : memref<8192xbf16, #tpu.memory_space<vmem>>) target_semaphore(%arg9 : memref<!tpu.dma_semaphore, #tpu.memory_space<semaphore_mem>>)
    %dma_wait3A_95 = tpu.memref_slice %arg2[%add3A_83] : memref<4194304xbf16, #tpu.memory_space<hbm>> -> memref<8192xbf16, #tpu.memory_space<hbm>>
    %dma_wait3A_96 = tpu.memref_slice %arg2[%add3A_83] : memref<4194304xbf16, #tpu.memory_space<hbm>> -> memref<8192xbf16, #tpu.memory_space<hbm>>
    tpu.wait_dma2 semaphore(%arg10 : memref<!tpu.dma_semaphore, #tpu.memory_space<semaphore_mem>>) src(%dma_wait3A_96 : memref<8192xbf16, #tpu.memory_space<hbm>>) dst(%arg6 : memref<8192xbf16, #tpu.memory_space<vmem>>)
    %parallel_loop3A_97 = arith.constant 0 : i32
    %parallel_loop3A_98 = arith.constant 256 : i32
    %parallel_loop3A_99 = arith.constant 1 : i32
    scf.for %parallel_loop3A_150 = %parallel_loop3A_97 to %parallel_loop3A_98 step %parallel_loop3A_99  : i32 {
      %parallel_loop3A_151 = arith.constant 32 : i32
      %parallel_loop3A_152 = arith.muli %parallel_loop3A_150, %parallel_loop3A_151 : i32
      %parallel_loop3A_153 = arith.index_cast %parallel_loop3A_152 : i32 to index
      %parallel_loop3A_154 = tpu.vector_load %arg6[%parallel_loop3A_153] {strides = array<i32>} : memref<8192xbf16, #tpu.memory_space<vmem>>, vector<32xbf16>,
      %parallel_loop3A_155 = tpu.unpack_subelements %parallel_loop3A_154, 0 {pack_format = #tpu.pack_format<interleaved>} : vector<32xbf16> -> vector<16xf32>
      %parallel_loop3A_156 = tpu.unpack_subelements %parallel_loop3A_154, 1 {pack_format = #tpu.pack_format<interleaved>} : vector<32xbf16> -> vector<16xf32>
      %parallel_loop3A_157 = arith.constant 0.000000e+00 : f32
      %parallel_loop3A_158 = vector.broadcast %parallel_loop3A_157 : f32 to vector<16xf32>
      %parallel_loop3A_159 = arith.cmpf ogt, %parallel_loop3A_155, %parallel_loop3A_158 : vector<16xf32>
      %parallel_loop3A_160 = vector.bitcast %parallel_loop3A_155 : vector<16xf32> to vector<16xi32>
      %parallel_loop3A_161 = arith.constant 16 : i32
      %parallel_loop3A_162 = vector.broadcast %parallel_loop3A_161 : i32 to vector<16xi32>
      %parallel_loop3A_163 = arith.shrui %parallel_loop3A_160, %parallel_loop3A_162 : vector<16xi32>
      %parallel_loop3A_164 = arith.constant 7 : i32
      %parallel_loop3A_165 = vector.broadcast %parallel_loop3A_164 : i32 to vector<16xi32>
      %parallel_loop3A_166 = arith.shrui %parallel_loop3A_163, %parallel_loop3A_165 : vector<16xi32>
      %parallel_loop3A_167 = arith.constant 127 : i32
      %parallel_loop3A_168 = vector.broadcast %parallel_loop3A_167 : i32 to vector<16xi32>
      %parallel_loop3A_169 = arith.andi %parallel_loop3A_163, %parallel_loop3A_168 : vector<16xi32>
      tpu.vector_store_idx %arg7[%parallel_loop3A_166, %parallel_loop3A_169], %broadcast_in_dim3A_5 masked %parallel_loop3A_159 {add = true} : memref<256x128xf32, #tpu.memory_space<vmem>>[vector<16xi32>, vector<16xi32>], vector<16xf32>, vector<16xi1>
      tpu.vector_store_idx %arg8[%parallel_loop3A_166, %parallel_loop3A_169], %parallel_loop3A_155 masked %parallel_loop3A_159 {add = true} : memref<256x128xf32, #tpu.memory_space<vmem>>[vector<16xi32>, vector<16xi32>], vector<16xf32>, vector<16xi1>
      %parallel_loop3A_170 = arith.constant 0.000000e+00 : f32
      %parallel_loop3A_171 = vector.broadcast %parallel_loop3A_170 : f32 to vector<16xf32>
      %parallel_loop3A_172 = arith.cmpf ogt, %parallel_loop3A_156, %parallel_loop3A_171 : vector<16xf32>
      %parallel_loop3A_173 = vector.bitcast %parallel_loop3A_156 : vector<16xf32> to vector<16xi32>
      %parallel_loop3A_174 = arith.constant 16 : i32
      %parallel_loop3A_175 = vector.broadcast %parallel_loop3A_174 : i32 to vector<16xi32>
      %parallel_loop3A_176 = arith.shrui %parallel_loop3A_173, %parallel_loop3A_175 : vector<16xi32>
      %parallel_loop3A_177 = arith.constant 7 : i32
      %parallel_loop3A_178 = vector.broadcast %parallel_loop3A_177 : i32 to vector<16xi32>
      %parallel_loop3A_179 = arith.shrui %parallel_loop3A_176, %parallel_loop3A_178 : vector<16xi32>
      %parallel_loop3A_180 = arith.constant 127 : i32
      %parallel_loop3A_181 = vector.broadcast %parallel_loop3A_180 : i32 to vector<16xi32>
      %parallel_loop3A_182 = arith.andi %parallel_loop3A_176, %parallel_loop3A_181 : vector<16xi32>
      tpu.vector_store_idx %arg7[%parallel_loop3A_179, %parallel_loop3A_182], %broadcast_in_dim3A_5 masked %parallel_loop3A_172 {add = true} : memref<256x128xf32, #tpu.memory_space<vmem>>[vector<16xi32>, vector<16xi32>], vector<16xf32>, vector<16xi1>
      tpu.vector_store_idx %arg8[%parallel_loop3A_179, %parallel_loop3A_182], %parallel_loop3A_156 masked %parallel_loop3A_172 {add = true} : memref<256x128xf32, #tpu.memory_space<vmem>>[vector<16xi32>, vector<16xi32>], vector<16xf32>, vector<16xi1>
    } {sc.loop_unroll_factor = 4 : i64, sc.parallel_access}
    %add3A_100 = arith.constant 90112 : i32
    %add3A_101 = arith.addi %mul3A_2, %add3A_100 : i32
    %dma_start3A_102 = tpu.memref_slice %arg2[%add3A_101] : memref<4194304xbf16, #tpu.memory_space<hbm>> -> memref<8192xbf16, #tpu.memory_space<hbm>>
    %dma_start3A_103 = tpu.memref_slice %arg2[%add3A_101] : memref<4194304xbf16, #tpu.memory_space<hbm>> -> memref<8192xbf16, #tpu.memory_space<hbm>>
    tpu.enqueue_dma source(%dma_start3A_103 : memref<8192xbf16, #tpu.memory_space<hbm>>) target(%arg6 : memref<8192xbf16, #tpu.memory_space<vmem>>) target_semaphore(%arg10 : memref<!tpu.dma_semaphore, #tpu.memory_space<semaphore_mem>>)
    %dma_wait3A_104 = tpu.memref_slice %arg2[%add3A_92] : memref<4194304xbf16, #tpu.memory_space<hbm>> -> memref<8192xbf16, #tpu.memory_space<hbm>>
    %dma_wait3A_105 = tpu.memref_slice %arg2[%add3A_92] : memref<4194304xbf16, #tpu.memory_space<hbm>> -> memref<8192xbf16, #tpu.memory_space<hbm>>
    tpu.wait_dma2 semaphore(%arg9 : memref<!tpu.dma_semaphore, #tpu.memory_space<semaphore_mem>>) src(%dma_wait3A_105 : memref<8192xbf16, #tpu.memory_space<hbm>>) dst(%arg5 : memref<8192xbf16, #tpu.memory_space<vmem>>)
    %parallel_loop3A_106 = arith.constant 0 : i32
    %parallel_loop3A_107 = arith.constant 256 : i32
    %parallel_loop3A_108 = arith.constant 1 : i32
    scf.for %parallel_loop3A_150 = %parallel_loop3A_106 to %parallel_loop3A_107 step %parallel_loop3A_108  : i32 {
      %parallel_loop3A_151 = arith.constant 32 : i32
      %parallel_loop3A_152 = arith.muli %parallel_loop3A_150, %parallel_loop3A_151 : i32
      %parallel_loop3A_153 = arith.index_cast %parallel_loop3A_152 : i32 to index
      %parallel_loop3A_154 = tpu.vector_load %arg5[%parallel_loop3A_153] {strides = array<i32>} : memref<8192xbf16, #tpu.memory_space<vmem>>, vector<32xbf16>,
      %parallel_loop3A_155 = tpu.unpack_subelements %parallel_loop3A_154, 0 {pack_format = #tpu.pack_format<interleaved>} : vector<32xbf16> -> vector<16xf32>
      %parallel_loop3A_156 = tpu.unpack_subelements %parallel_loop3A_154, 1 {pack_format = #tpu.pack_format<interleaved>} : vector<32xbf16> -> vector<16xf32>
      %parallel_loop3A_157 = arith.constant 0.000000e+00 : f32
      %parallel_loop3A_158 = vector.broadcast %parallel_loop3A_157 : f32 to vector<16xf32>
      %parallel_loop3A_159 = arith.cmpf ogt, %parallel_loop3A_155, %parallel_loop3A_158 : vector<16xf32>
      %parallel_loop3A_160 = vector.bitcast %parallel_loop3A_155 : vector<16xf32> to vector<16xi32>
      %parallel_loop3A_161 = arith.constant 16 : i32
      %parallel_loop3A_162 = vector.broadcast %parallel_loop3A_161 : i32 to vector<16xi32>
      %parallel_loop3A_163 = arith.shrui %parallel_loop3A_160, %parallel_loop3A_162 : vector<16xi32>
      %parallel_loop3A_164 = arith.constant 7 : i32
      %parallel_loop3A_165 = vector.broadcast %parallel_loop3A_164 : i32 to vector<16xi32>
      %parallel_loop3A_166 = arith.shrui %parallel_loop3A_163, %parallel_loop3A_165 : vector<16xi32>
      %parallel_loop3A_167 = arith.constant 127 : i32
      %parallel_loop3A_168 = vector.broadcast %parallel_loop3A_167 : i32 to vector<16xi32>
      %parallel_loop3A_169 = arith.andi %parallel_loop3A_163, %parallel_loop3A_168 : vector<16xi32>
      tpu.vector_store_idx %arg7[%parallel_loop3A_166, %parallel_loop3A_169], %broadcast_in_dim3A_5 masked %parallel_loop3A_159 {add = true} : memref<256x128xf32, #tpu.memory_space<vmem>>[vector<16xi32>, vector<16xi32>], vector<16xf32>, vector<16xi1>
      tpu.vector_store_idx %arg8[%parallel_loop3A_166, %parallel_loop3A_169], %parallel_loop3A_155 masked %parallel_loop3A_159 {add = true} : memref<256x128xf32, #tpu.memory_space<vmem>>[vector<16xi32>, vector<16xi32>], vector<16xf32>, vector<16xi1>
      %parallel_loop3A_170 = arith.constant 0.000000e+00 : f32
      %parallel_loop3A_171 = vector.broadcast %parallel_loop3A_170 : f32 to vector<16xf32>
      %parallel_loop3A_172 = arith.cmpf ogt, %parallel_loop3A_156, %parallel_loop3A_171 : vector<16xf32>
      %parallel_loop3A_173 = vector.bitcast %parallel_loop3A_156 : vector<16xf32> to vector<16xi32>
      %parallel_loop3A_174 = arith.constant 16 : i32
      %parallel_loop3A_175 = vector.broadcast %parallel_loop3A_174 : i32 to vector<16xi32>
      %parallel_loop3A_176 = arith.shrui %parallel_loop3A_173, %parallel_loop3A_175 : vector<16xi32>
      %parallel_loop3A_177 = arith.constant 7 : i32
      %parallel_loop3A_178 = vector.broadcast %parallel_loop3A_177 : i32 to vector<16xi32>
      %parallel_loop3A_179 = arith.shrui %parallel_loop3A_176, %parallel_loop3A_178 : vector<16xi32>
      %parallel_loop3A_180 = arith.constant 127 : i32
      %parallel_loop3A_181 = vector.broadcast %parallel_loop3A_180 : i32 to vector<16xi32>
      %parallel_loop3A_182 = arith.andi %parallel_loop3A_176, %parallel_loop3A_181 : vector<16xi32>
      tpu.vector_store_idx %arg7[%parallel_loop3A_179, %parallel_loop3A_182], %broadcast_in_dim3A_5 masked %parallel_loop3A_172 {add = true} : memref<256x128xf32, #tpu.memory_space<vmem>>[vector<16xi32>, vector<16xi32>], vector<16xf32>, vector<16xi1>
      tpu.vector_store_idx %arg8[%parallel_loop3A_179, %parallel_loop3A_182], %parallel_loop3A_156 masked %parallel_loop3A_172 {add = true} : memref<256x128xf32, #tpu.memory_space<vmem>>[vector<16xi32>, vector<16xi32>], vector<16xf32>, vector<16xi1>
    } {sc.loop_unroll_factor = 4 : i64, sc.parallel_access}
    %add3A_109 = arith.constant 98304 : i32
    %add3A_110 = arith.addi %mul3A_2, %add3A_109 : i32
    %dma_start3A_111 = tpu.memref_slice %arg2[%add3A_110] : memref<4194304xbf16, #tpu.memory_space<hbm>> -> memref<8192xbf16, #tpu.memory_space<hbm>>
    %dma_start3A_112 = tpu.memref_slice %arg2[%add3A_110] : memref<4194304xbf16, #tpu.memory_space<hbm>> -> memref<8192xbf16, #tpu.memory_space<hbm>>
    tpu.enqueue_dma source(%dma_start3A_112 : memref<8192xbf16, #tpu.memory_space<hbm>>) target(%arg5 : memref<8192xbf16, #tpu.memory_space<vmem>>) target_semaphore(%arg9 : memref<!tpu.dma_semaphore, #tpu.memory_space<semaphore_mem>>)
    %dma_wait3A_113 = tpu.memref_slice %arg2[%add3A_101] : memref<4194304xbf16, #tpu.memory_space<hbm>> -> memref<8192xbf16, #tpu.memory_space<hbm>>
    %dma_wait3A_114 = tpu.memref_slice %arg2[%add3A_101] : memref<4194304xbf16, #tpu.memory_space<hbm>> -> memref<8192xbf16, #tpu.memory_space<hbm>>
    tpu.wait_dma2 semaphore(%arg10 : memref<!tpu.dma_semaphore, #tpu.memory_space<semaphore_mem>>) src(%dma_wait3A_114 : memref<8192xbf16, #tpu.memory_space<hbm>>) dst(%arg6 : memref<8192xbf16, #tpu.memory_space<vmem>>)
    %parallel_loop3A_115 = arith.constant 0 : i32
    %parallel_loop3A_116 = arith.constant 256 : i32
    %parallel_loop3A_117 = arith.constant 1 : i32
    scf.for %parallel_loop3A_150 = %parallel_loop3A_115 to %parallel_loop3A_116 step %parallel_loop3A_117  : i32 {
      %parallel_loop3A_151 = arith.constant 32 : i32
      %parallel_loop3A_152 = arith.muli %parallel_loop3A_150, %parallel_loop3A_151 : i32
      %parallel_loop3A_153 = arith.index_cast %parallel_loop3A_152 : i32 to index
      %parallel_loop3A_154 = tpu.vector_load %arg6[%parallel_loop3A_153] {strides = array<i32>} : memref<8192xbf16, #tpu.memory_space<vmem>>, vector<32xbf16>,
      %parallel_loop3A_155 = tpu.unpack_subelements %parallel_loop3A_154, 0 {pack_format = #tpu.pack_format<interleaved>} : vector<32xbf16> -> vector<16xf32>
      %parallel_loop3A_156 = tpu.unpack_subelements %parallel_loop3A_154, 1 {pack_format = #tpu.pack_format<interleaved>} : vector<32xbf16> -> vector<16xf32>
      %parallel_loop3A_157 = arith.constant 0.000000e+00 : f32
      %parallel_loop3A_158 = vector.broadcast %parallel_loop3A_157 : f32 to vector<16xf32>
      %parallel_loop3A_159 = arith.cmpf ogt, %parallel_loop3A_155, %parallel_loop3A_158 : vector<16xf32>
      %parallel_loop3A_160 = vector.bitcast %parallel_loop3A_155 : vector<16xf32> to vector<16xi32>
      %parallel_loop3A_161 = arith.constant 16 : i32
      %parallel_loop3A_162 = vector.broadcast %parallel_loop3A_161 : i32 to vector<16xi32>
      %parallel_loop3A_163 = arith.shrui %parallel_loop3A_160, %parallel_loop3A_162 : vector<16xi32>
      %parallel_loop3A_164 = arith.constant 7 : i32
      %parallel_loop3A_165 = vector.broadcast %parallel_loop3A_164 : i32 to vector<16xi32>
      %parallel_loop3A_166 = arith.shrui %parallel_loop3A_163, %parallel_loop3A_165 : vector<16xi32>
      %parallel_loop3A_167 = arith.constant 127 : i32
      %parallel_loop3A_168 = vector.broadcast %parallel_loop3A_167 : i32 to vector<16xi32>
      %parallel_loop3A_169 = arith.andi %parallel_loop3A_163, %parallel_loop3A_168 : vector<16xi32>
      tpu.vector_store_idx %arg7[%parallel_loop3A_166, %parallel_loop3A_169], %broadcast_in_dim3A_5 masked %parallel_loop3A_159 {add = true} : memref<256x128xf32, #tpu.memory_space<vmem>>[vector<16xi32>, vector<16xi32>], vector<16xf32>, vector<16xi1>
      tpu.vector_store_idx %arg8[%parallel_loop3A_166, %parallel_loop3A_169], %parallel_loop3A_155 masked %parallel_loop3A_159 {add = true} : memref<256x128xf32, #tpu.memory_space<vmem>>[vector<16xi32>, vector<16xi32>], vector<16xf32>, vector<16xi1>
      %parallel_loop3A_170 = arith.constant 0.000000e+00 : f32
      %parallel_loop3A_171 = vector.broadcast %parallel_loop3A_170 : f32 to vector<16xf32>
      %parallel_loop3A_172 = arith.cmpf ogt, %parallel_loop3A_156, %parallel_loop3A_171 : vector<16xf32>
      %parallel_loop3A_173 = vector.bitcast %parallel_loop3A_156 : vector<16xf32> to vector<16xi32>
      %parallel_loop3A_174 = arith.constant 16 : i32
      %parallel_loop3A_175 = vector.broadcast %parallel_loop3A_174 : i32 to vector<16xi32>
      %parallel_loop3A_176 = arith.shrui %parallel_loop3A_173, %parallel_loop3A_175 : vector<16xi32>
      %parallel_loop3A_177 = arith.constant 7 : i32
      %parallel_loop3A_178 = vector.broadcast %parallel_loop3A_177 : i32 to vector<16xi32>
      %parallel_loop3A_179 = arith.shrui %parallel_loop3A_176, %parallel_loop3A_178 : vector<16xi32>
      %parallel_loop3A_180 = arith.constant 127 : i32
      %parallel_loop3A_181 = vector.broadcast %parallel_loop3A_180 : i32 to vector<16xi32>
      %parallel_loop3A_182 = arith.andi %parallel_loop3A_176, %parallel_loop3A_181 : vector<16xi32>
      tpu.vector_store_idx %arg7[%parallel_loop3A_179, %parallel_loop3A_182], %broadcast_in_dim3A_5 masked %parallel_loop3A_172 {add = true} : memref<256x128xf32, #tpu.memory_space<vmem>>[vector<16xi32>, vector<16xi32>], vector<16xf32>, vector<16xi1>
      tpu.vector_store_idx %arg8[%parallel_loop3A_179, %parallel_loop3A_182], %parallel_loop3A_156 masked %parallel_loop3A_172 {add = true} : memref<256x128xf32, #tpu.memory_space<vmem>>[vector<16xi32>, vector<16xi32>], vector<16xf32>, vector<16xi1>
    } {sc.loop_unroll_factor = 4 : i64, sc.parallel_access}
    %add3A_118 = arith.constant 106496 : i32
    %add3A_119 = arith.addi %mul3A_2, %add3A_118 : i32
    %dma_start3A_120 = tpu.memref_slice %arg2[%add3A_119] : memref<4194304xbf16, #tpu.memory_space<hbm>> -> memref<8192xbf16, #tpu.memory_space<hbm>>
    %dma_start3A_121 = tpu.memref_slice %arg2[%add3A_119] : memref<4194304xbf16, #tpu.memory_space<hbm>> -> memref<8192xbf16, #tpu.memory_space<hbm>>
    tpu.enqueue_dma source(%dma_start3A_121 : memref<8192xbf16, #tpu.memory_space<hbm>>) target(%arg6 : memref<8192xbf16, #tpu.memory_space<vmem>>) target_semaphore(%arg10 : memref<!tpu.dma_semaphore, #tpu.memory_space<semaphore_mem>>)
    %dma_wait3A_122 = tpu.memref_slice %arg2[%add3A_110] : memref<4194304xbf16, #tpu.memory_space<hbm>> -> memref<8192xbf16, #tpu.memory_space<hbm>>
    %dma_wait3A_123 = tpu.memref_slice %arg2[%add3A_110] : memref<4194304xbf16, #tpu.memory_space<hbm>> -> memref<8192xbf16, #tpu.memory_space<hbm>>
    tpu.wait_dma2 semaphore(%arg9 : memref<!tpu.dma_semaphore, #tpu.memory_space<semaphore_mem>>) src(%dma_wait3A_123 : memref<8192xbf16, #tpu.memory_space<hbm>>) dst(%arg5 : memref<8192xbf16, #tpu.memory_space<vmem>>)
    %parallel_loop3A_124 = arith.constant 0 : i32
    %parallel_loop3A_125 = arith.constant 256 : i32
    %parallel_loop3A_126 = arith.constant 1 : i32
    scf.for %parallel_loop3A_150 = %parallel_loop3A_124 to %parallel_loop3A_125 step %parallel_loop3A_126  : i32 {
      %parallel_loop3A_151 = arith.constant 32 : i32
      %parallel_loop3A_152 = arith.muli %parallel_loop3A_150, %parallel_loop3A_151 : i32
      %parallel_loop3A_153 = arith.index_cast %parallel_loop3A_152 : i32 to index
      %parallel_loop3A_154 = tpu.vector_load %arg5[%parallel_loop3A_153] {strides = array<i32>} : memref<8192xbf16, #tpu.memory_space<vmem>>, vector<32xbf16>,
      %parallel_loop3A_155 = tpu.unpack_subelements %parallel_loop3A_154, 0 {pack_format = #tpu.pack_format<interleaved>} : vector<32xbf16> -> vector<16xf32>
      %parallel_loop3A_156 = tpu.unpack_subelements %parallel_loop3A_154, 1 {pack_format = #tpu.pack_format<interleaved>} : vector<32xbf16> -> vector<16xf32>
      %parallel_loop3A_157 = arith.constant 0.000000e+00 : f32
      %parallel_loop3A_158 = vector.broadcast %parallel_loop3A_157 : f32 to vector<16xf32>
      %parallel_loop3A_159 = arith.cmpf ogt, %parallel_loop3A_155, %parallel_loop3A_158 : vector<16xf32>
      %parallel_loop3A_160 = vector.bitcast %parallel_loop3A_155 : vector<16xf32> to vector<16xi32>
      %parallel_loop3A_161 = arith.constant 16 : i32
      %parallel_loop3A_162 = vector.broadcast %parallel_loop3A_161 : i32 to vector<16xi32>
      %parallel_loop3A_163 = arith.shrui %parallel_loop3A_160, %parallel_loop3A_162 : vector<16xi32>
      %parallel_loop3A_164 = arith.constant 7 : i32
      %parallel_loop3A_165 = vector.broadcast %parallel_loop3A_164 : i32 to vector<16xi32>
      %parallel_loop3A_166 = arith.shrui %parallel_loop3A_163, %parallel_loop3A_165 : vector<16xi32>
      %parallel_loop3A_167 = arith.constant 127 : i32
      %parallel_loop3A_168 = vector.broadcast %parallel_loop3A_167 : i32 to vector<16xi32>
      %parallel_loop3A_169 = arith.andi %parallel_loop3A_163, %parallel_loop3A_168 : vector<16xi32>
      tpu.vector_store_idx %arg7[%parallel_loop3A_166, %parallel_loop3A_169], %broadcast_in_dim3A_5 masked %parallel_loop3A_159 {add = true} : memref<256x128xf32, #tpu.memory_space<vmem>>[vector<16xi32>, vector<16xi32>], vector<16xf32>, vector<16xi1>
      tpu.vector_store_idx %arg8[%parallel_loop3A_166, %parallel_loop3A_169], %parallel_loop3A_155 masked %parallel_loop3A_159 {add = true} : memref<256x128xf32, #tpu.memory_space<vmem>>[vector<16xi32>, vector<16xi32>], vector<16xf32>, vector<16xi1>
      %parallel_loop3A_170 = arith.constant 0.000000e+00 : f32
      %parallel_loop3A_171 = vector.broadcast %parallel_loop3A_170 : f32 to vector<16xf32>
      %parallel_loop3A_172 = arith.cmpf ogt, %parallel_loop3A_156, %parallel_loop3A_171 : vector<16xf32>
      %parallel_loop3A_173 = vector.bitcast %parallel_loop3A_156 : vector<16xf32> to vector<16xi32>
      %parallel_loop3A_174 = arith.constant 16 : i32
      %parallel_loop3A_175 = vector.broadcast %parallel_loop3A_174 : i32 to vector<16xi32>
      %parallel_loop3A_176 = arith.shrui %parallel_loop3A_173, %parallel_loop3A_175 : vector<16xi32>
      %parallel_loop3A_177 = arith.constant 7 : i32
      %parallel_loop3A_178 = vector.broadcast %parallel_loop3A_177 : i32 to vector<16xi32>
      %parallel_loop3A_179 = arith.shrui %parallel_loop3A_176, %parallel_loop3A_178 : vector<16xi32>
      %parallel_loop3A_180 = arith.constant 127 : i32
      %parallel_loop3A_181 = vector.broadcast %parallel_loop3A_180 : i32 to vector<16xi32>
      %parallel_loop3A_182 = arith.andi %parallel_loop3A_176, %parallel_loop3A_181 : vector<16xi32>
      tpu.vector_store_idx %arg7[%parallel_loop3A_179, %parallel_loop3A_182], %broadcast_in_dim3A_5 masked %parallel_loop3A_172 {add = true} : memref<256x128xf32, #tpu.memory_space<vmem>>[vector<16xi32>, vector<16xi32>], vector<16xf32>, vector<16xi1>
      tpu.vector_store_idx %arg8[%parallel_loop3A_179, %parallel_loop3A_182], %parallel_loop3A_156 masked %parallel_loop3A_172 {add = true} : memref<256x128xf32, #tpu.memory_space<vmem>>[vector<16xi32>, vector<16xi32>], vector<16xf32>, vector<16xi1>
    } {sc.loop_unroll_factor = 4 : i64, sc.parallel_access}
    %add3A_127 = arith.constant 114688 : i32
    %add3A_128 = arith.addi %mul3A_2, %add3A_127 : i32
    %dma_start3A_129 = tpu.memref_slice %arg2[%add3A_128] : memref<4194304xbf16, #tpu.memory_space<hbm>> -> memref<8192xbf16, #tpu.memory_space<hbm>>
    %dma_start3A_130 = tpu.memref_slice %arg2[%add3A_128] : memref<4194304xbf16, #tpu.memory_space<hbm>> -> memref<8192xbf16, #tpu.memory_space<hbm>>
    tpu.enqueue_dma source(%dma_start3A_130 : memref<8192xbf16, #tpu.memory_space<hbm>>) target(%arg5 : memref<8192xbf16, #tpu.memory_space<vmem>>) target_semaphore(%arg9 : memref<!tpu.dma_semaphore, #tpu.memory_space<semaphore_mem>>)
    %dma_wait3A_131 = tpu.memref_slice %arg2[%add3A_119] : memref<4194304xbf16, #tpu.memory_space<hbm>> -> memref<8192xbf16, #tpu.memory_space<hbm>>
    %dma_wait3A_132 = tpu.memref_slice %arg2[%add3A_119] : memref<4194304xbf16, #tpu.memory_space<hbm>> -> memref<8192xbf16, #tpu.memory_space<hbm>>
    tpu.wait_dma2 semaphore(%arg10 : memref<!tpu.dma_semaphore, #tpu.memory_space<semaphore_mem>>) src(%dma_wait3A_132 : memref<8192xbf16, #tpu.memory_space<hbm>>) dst(%arg6 : memref<8192xbf16, #tpu.memory_space<vmem>>)
    %parallel_loop3A_133 = arith.constant 0 : i32
    %parallel_loop3A_134 = arith.constant 256 : i32
    %parallel_loop3A_135 = arith.constant 1 : i32
    scf.for %parallel_loop3A_150 = %parallel_loop3A_133 to %parallel_loop3A_134 step %parallel_loop3A_135  : i32 {
      %parallel_loop3A_151 = arith.constant 32 : i32
      %parallel_loop3A_152 = arith.muli %parallel_loop3A_150, %parallel_loop3A_151 : i32
      %parallel_loop3A_153 = arith.index_cast %parallel_loop3A_152 : i32 to index
      %parallel_loop3A_154 = tpu.vector_load %arg6[%parallel_loop3A_153] {strides = array<i32>} : memref<8192xbf16, #tpu.memory_space<vmem>>, vector<32xbf16>,
      %parallel_loop3A_155 = tpu.unpack_subelements %parallel_loop3A_154, 0 {pack_format = #tpu.pack_format<interleaved>} : vector<32xbf16> -> vector<16xf32>
      %parallel_loop3A_156 = tpu.unpack_subelements %parallel_loop3A_154, 1 {pack_format = #tpu.pack_format<interleaved>} : vector<32xbf16> -> vector<16xf32>
      %parallel_loop3A_157 = arith.constant 0.000000e+00 : f32
      %parallel_loop3A_158 = vector.broadcast %parallel_loop3A_157 : f32 to vector<16xf32>
      %parallel_loop3A_159 = arith.cmpf ogt, %parallel_loop3A_155, %parallel_loop3A_158 : vector<16xf32>
      %parallel_loop3A_160 = vector.bitcast %parallel_loop3A_155 : vector<16xf32> to vector<16xi32>
      %parallel_loop3A_161 = arith.constant 16 : i32
      %parallel_loop3A_162 = vector.broadcast %parallel_loop3A_161 : i32 to vector<16xi32>
      %parallel_loop3A_163 = arith.shrui %parallel_loop3A_160, %parallel_loop3A_162 : vector<16xi32>
      %parallel_loop3A_164 = arith.constant 7 : i32
      %parallel_loop3A_165 = vector.broadcast %parallel_loop3A_164 : i32 to vector<16xi32>
      %parallel_loop3A_166 = arith.shrui %parallel_loop3A_163, %parallel_loop3A_165 : vector<16xi32>
      %parallel_loop3A_167 = arith.constant 127 : i32
      %parallel_loop3A_168 = vector.broadcast %parallel_loop3A_167 : i32 to vector<16xi32>
      %parallel_loop3A_169 = arith.andi %parallel_loop3A_163, %parallel_loop3A_168 : vector<16xi32>
      tpu.vector_store_idx %arg7[%parallel_loop3A_166, %parallel_loop3A_169], %broadcast_in_dim3A_5 masked %parallel_loop3A_159 {add = true} : memref<256x128xf32, #tpu.memory_space<vmem>>[vector<16xi32>, vector<16xi32>], vector<16xf32>, vector<16xi1>
      tpu.vector_store_idx %arg8[%parallel_loop3A_166, %parallel_loop3A_169], %parallel_loop3A_155 masked %parallel_loop3A_159 {add = true} : memref<256x128xf32, #tpu.memory_space<vmem>>[vector<16xi32>, vector<16xi32>], vector<16xf32>, vector<16xi1>
      %parallel_loop3A_170 = arith.constant 0.000000e+00 : f32
      %parallel_loop3A_171 = vector.broadcast %parallel_loop3A_170 : f32 to vector<16xf32>
      %parallel_loop3A_172 = arith.cmpf ogt, %parallel_loop3A_156, %parallel_loop3A_171 : vector<16xf32>
      %parallel_loop3A_173 = vector.bitcast %parallel_loop3A_156 : vector<16xf32> to vector<16xi32>
      %parallel_loop3A_174 = arith.constant 16 : i32
      %parallel_loop3A_175 = vector.broadcast %parallel_loop3A_174 : i32 to vector<16xi32>
      %parallel_loop3A_176 = arith.shrui %parallel_loop3A_173, %parallel_loop3A_175 : vector<16xi32>
      %parallel_loop3A_177 = arith.constant 7 : i32
      %parallel_loop3A_178 = vector.broadcast %parallel_loop3A_177 : i32 to vector<16xi32>
      %parallel_loop3A_179 = arith.shrui %parallel_loop3A_176, %parallel_loop3A_178 : vector<16xi32>
      %parallel_loop3A_180 = arith.constant 127 : i32
      %parallel_loop3A_181 = vector.broadcast %parallel_loop3A_180 : i32 to vector<16xi32>
      %parallel_loop3A_182 = arith.andi %parallel_loop3A_176, %parallel_loop3A_181 : vector<16xi32>
      tpu.vector_store_idx %arg7[%parallel_loop3A_179, %parallel_loop3A_182], %broadcast_in_dim3A_5 masked %parallel_loop3A_172 {add = true} : memref<256x128xf32, #tpu.memory_space<vmem>>[vector<16xi32>, vector<16xi32>], vector<16xf32>, vector<16xi1>
      tpu.vector_store_idx %arg8[%parallel_loop3A_179, %parallel_loop3A_182], %parallel_loop3A_156 masked %parallel_loop3A_172 {add = true} : memref<256x128xf32, #tpu.memory_space<vmem>>[vector<16xi32>, vector<16xi32>], vector<16xf32>, vector<16xi1>
    } {sc.loop_unroll_factor = 4 : i64, sc.parallel_access}
    %add3A_136 = arith.constant 122880 : i32
    %add3A_137 = arith.addi %mul3A_2, %add3A_136 : i32
    %dma_start3A_138 = tpu.memref_slice %arg2[%add3A_137] : memref<4194304xbf16, #tpu.memory_space<hbm>> -> memref<8192xbf16, #tpu.memory_space<hbm>>
    %dma_start3A_139 = tpu.memref_slice %arg2[%add3A_137] : memref<4194304xbf16, #tpu.memory_space<hbm>> -> memref<8192xbf16, #tpu.memory_space<hbm>>
    tpu.enqueue_dma source(%dma_start3A_139 : memref<8192xbf16, #tpu.memory_space<hbm>>) target(%arg6 : memref<8192xbf16, #tpu.memory_space<vmem>>) target_semaphore(%arg10 : memref<!tpu.dma_semaphore, #tpu.memory_space<semaphore_mem>>)
    %dma_wait3A_140 = tpu.memref_slice %arg2[%add3A_128] : memref<4194304xbf16, #tpu.memory_space<hbm>> -> memref<8192xbf16, #tpu.memory_space<hbm>>
    %dma_wait3A_141 = tpu.memref_slice %arg2[%add3A_128] : memref<4194304xbf16, #tpu.memory_space<hbm>> -> memref<8192xbf16, #tpu.memory_space<hbm>>
    tpu.wait_dma2 semaphore(%arg9 : memref<!tpu.dma_semaphore, #tpu.memory_space<semaphore_mem>>) src(%dma_wait3A_141 : memref<8192xbf16, #tpu.memory_space<hbm>>) dst(%arg5 : memref<8192xbf16, #tpu.memory_space<vmem>>)
    %parallel_loop3A_142 = arith.constant 0 : i32
    %parallel_loop3A_143 = arith.constant 256 : i32
    %parallel_loop3A_144 = arith.constant 1 : i32
    scf.for %parallel_loop3A_150 = %parallel_loop3A_142 to %parallel_loop3A_143 step %parallel_loop3A_144  : i32 {
      %parallel_loop3A_151 = arith.constant 32 : i32
      %parallel_loop3A_152 = arith.muli %parallel_loop3A_150, %parallel_loop3A_151 : i32
      %parallel_loop3A_153 = arith.index_cast %parallel_loop3A_152 : i32 to index
      %parallel_loop3A_154 = tpu.vector_load %arg5[%parallel_loop3A_153] {strides = array<i32>} : memref<8192xbf16, #tpu.memory_space<vmem>>, vector<32xbf16>,
      %parallel_loop3A_155 = tpu.unpack_subelements %parallel_loop3A_154, 0 {pack_format = #tpu.pack_format<interleaved>} : vector<32xbf16> -> vector<16xf32>
      %parallel_loop3A_156 = tpu.unpack_subelements %parallel_loop3A_154, 1 {pack_format = #tpu.pack_format<interleaved>} : vector<32xbf16> -> vector<16xf32>
      %parallel_loop3A_157 = arith.constant 0.000000e+00 : f32
      %parallel_loop3A_158 = vector.broadcast %parallel_loop3A_157 : f32 to vector<16xf32>
      %parallel_loop3A_159 = arith.cmpf ogt, %parallel_loop3A_155, %parallel_loop3A_158 : vector<16xf32>
      %parallel_loop3A_160 = vector.bitcast %parallel_loop3A_155 : vector<16xf32> to vector<16xi32>
      %parallel_loop3A_161 = arith.constant 16 : i32
      %parallel_loop3A_162 = vector.broadcast %parallel_loop3A_161 : i32 to vector<16xi32>
      %parallel_loop3A_163 = arith.shrui %parallel_loop3A_160, %parallel_loop3A_162 : vector<16xi32>
      %parallel_loop3A_164 = arith.constant 7 : i32
      %parallel_loop3A_165 = vector.broadcast %parallel_loop3A_164 : i32 to vector<16xi32>
      %parallel_loop3A_166 = arith.shrui %parallel_loop3A_163, %parallel_loop3A_165 : vector<16xi32>
      %parallel_loop3A_167 = arith.constant 127 : i32
      %parallel_loop3A_168 = vector.broadcast %parallel_loop3A_167 : i32 to vector<16xi32>
      %parallel_loop3A_169 = arith.andi %parallel_loop3A_163, %parallel_loop3A_168 : vector<16xi32>
      tpu.vector_store_idx %arg7[%parallel_loop3A_166, %parallel_loop3A_169], %broadcast_in_dim3A_5 masked %parallel_loop3A_159 {add = true} : memref<256x128xf32, #tpu.memory_space<vmem>>[vector<16xi32>, vector<16xi32>], vector<16xf32>, vector<16xi1>
      tpu.vector_store_idx %arg8[%parallel_loop3A_166, %parallel_loop3A_169], %parallel_loop3A_155 masked %parallel_loop3A_159 {add = true} : memref<256x128xf32, #tpu.memory_space<vmem>>[vector<16xi32>, vector<16xi32>], vector<16xf32>, vector<16xi1>
      %parallel_loop3A_170 = arith.constant 0.000000e+00 : f32
      %parallel_loop3A_171 = vector.broadcast %parallel_loop3A_170 : f32 to vector<16xf32>
      %parallel_loop3A_172 = arith.cmpf ogt, %parallel_loop3A_156, %parallel_loop3A_171 : vector<16xf32>
      %parallel_loop3A_173 = vector.bitcast %parallel_loop3A_156 : vector<16xf32> to vector<16xi32>
      %parallel_loop3A_174 = arith.constant 16 : i32
      %parallel_loop3A_175 = vector.broadcast %parallel_loop3A_174 : i32 to vector<16xi32>
      %parallel_loop3A_176 = arith.shrui %parallel_loop3A_173, %parallel_loop3A_175 : vector<16xi32>
      %parallel_loop3A_177 = arith.constant 7 : i32
      %parallel_loop3A_178 = vector.broadcast %parallel_loop3A_177 : i32 to vector<16xi32>
      %parallel_loop3A_179 = arith.shrui %parallel_loop3A_176, %parallel_loop3A_178 : vector<16xi32>
      %parallel_loop3A_180 = arith.constant 127 : i32
      %parallel_loop3A_181 = vector.broadcast %parallel_loop3A_180 : i32 to vector<16xi32>
      %parallel_loop3A_182 = arith.andi %parallel_loop3A_176, %parallel_loop3A_181 : vector<16xi32>
      tpu.vector_store_idx %arg7[%parallel_loop3A_179, %parallel_loop3A_182], %broadcast_in_dim3A_5 masked %parallel_loop3A_172 {add = true} : memref<256x128xf32, #tpu.memory_space<vmem>>[vector<16xi32>, vector<16xi32>], vector<16xf32>, vector<16xi1>
      tpu.vector_store_idx %arg8[%parallel_loop3A_179, %parallel_loop3A_182], %parallel_loop3A_156 masked %parallel_loop3A_172 {add = true} : memref<256x128xf32, #tpu.memory_space<vmem>>[vector<16xi32>, vector<16xi32>], vector<16xf32>, vector<16xi1>
    } {sc.loop_unroll_factor = 4 : i64, sc.parallel_access}
    %dma_wait3A_145 = tpu.memref_slice %arg2[%add3A_137] : memref<4194304xbf16, #tpu.memory_space<hbm>> -> memref<8192xbf16, #tpu.memory_space<hbm>>
    %dma_wait3A_146 = tpu.memref_slice %arg2[%add3A_137] : memref<4194304xbf16, #tpu.memory_space<hbm>> -> memref<8192xbf16, #tpu.memory_space<hbm>>
    tpu.wait_dma2 semaphore(%arg10 : memref<!tpu.dma_semaphore, #tpu.memory_space<semaphore_mem>>) src(%dma_wait3A_146 : memref<8192xbf16, #tpu.memory_space<hbm>>) dst(%arg6 : memref<8192xbf16, #tpu.memory_space<vmem>>)
    %parallel_loop3A_147 = arith.constant 0 : i32
    %parallel_loop3A_148 = arith.constant 256 : i32
    %parallel_loop3A_149 = arith.constant 1 : i32
    scf.for %parallel_loop3A_150 = %parallel_loop3A_147 to %parallel_loop3A_148 step %parallel_loop3A_149  : i32 {
      %parallel_loop3A_151 = arith.constant 32 : i32
      %parallel_loop3A_152 = arith.muli %parallel_loop3A_150, %parallel_loop3A_151 : i32
      %parallel_loop3A_153 = arith.index_cast %parallel_loop3A_152 : i32 to index
      %parallel_loop3A_154 = tpu.vector_load %arg6[%parallel_loop3A_153] {strides = array<i32>} : memref<8192xbf16, #tpu.memory_space<vmem>>, vector<32xbf16>,
      %parallel_loop3A_155 = tpu.unpack_subelements %parallel_loop3A_154, 0 {pack_format = #tpu.pack_format<interleaved>} : vector<32xbf16> -> vector<16xf32>
      %parallel_loop3A_156 = tpu.unpack_subelements %parallel_loop3A_154, 1 {pack_format = #tpu.pack_format<interleaved>} : vector<32xbf16> -> vector<16xf32>
      %parallel_loop3A_157 = arith.constant 0.000000e+00 : f32
      %parallel_loop3A_158 = vector.broadcast %parallel_loop3A_157 : f32 to vector<16xf32>
      %parallel_loop3A_159 = arith.cmpf ogt, %parallel_loop3A_155, %parallel_loop3A_158 : vector<16xf32>
      %parallel_loop3A_160 = vector.bitcast %parallel_loop3A_155 : vector<16xf32> to vector<16xi32>
      %parallel_loop3A_161 = arith.constant 16 : i32
      %parallel_loop3A_162 = vector.broadcast %parallel_loop3A_161 : i32 to vector<16xi32>
      %parallel_loop3A_163 = arith.shrui %parallel_loop3A_160, %parallel_loop3A_162 : vector<16xi32>
      %parallel_loop3A_164 = arith.constant 7 : i32
      %parallel_loop3A_165 = vector.broadcast %parallel_loop3A_164 : i32 to vector<16xi32>
      %parallel_loop3A_166 = arith.shrui %parallel_loop3A_163, %parallel_loop3A_165 : vector<16xi32>
      %parallel_loop3A_167 = arith.constant 127 : i32
      %parallel_loop3A_168 = vector.broadcast %parallel_loop3A_167 : i32 to vector<16xi32>
      %parallel_loop3A_169 = arith.andi %parallel_loop3A_163, %parallel_loop3A_168 : vector<16xi32>
      tpu.vector_store_idx %arg7[%parallel_loop3A_166, %parallel_loop3A_169], %broadcast_in_dim3A_5 masked %parallel_loop3A_159 {add = true} : memref<256x128xf32, #tpu.memory_space<vmem>>[vector<16xi32>, vector<16xi32>], vector<16xf32>, vector<16xi1>
      tpu.vector_store_idx %arg8[%parallel_loop3A_166, %parallel_loop3A_169], %parallel_loop3A_155 masked %parallel_loop3A_159 {add = true} : memref<256x128xf32, #tpu.memory_space<vmem>>[vector<16xi32>, vector<16xi32>], vector<16xf32>, vector<16xi1>
      %parallel_loop3A_170 = arith.constant 0.000000e+00 : f32
      %parallel_loop3A_171 = vector.broadcast %parallel_loop3A_170 : f32 to vector<16xf32>
      %parallel_loop3A_172 = arith.cmpf ogt, %parallel_loop3A_156, %parallel_loop3A_171 : vector<16xf32>
      %parallel_loop3A_173 = vector.bitcast %parallel_loop3A_156 : vector<16xf32> to vector<16xi32>
      %parallel_loop3A_174 = arith.constant 16 : i32
      %parallel_loop3A_175 = vector.broadcast %parallel_loop3A_174 : i32 to vector<16xi32>
      %parallel_loop3A_176 = arith.shrui %parallel_loop3A_173, %parallel_loop3A_175 : vector<16xi32>
      %parallel_loop3A_177 = arith.constant 7 : i32
      %parallel_loop3A_178 = vector.broadcast %parallel_loop3A_177 : i32 to vector<16xi32>
      %parallel_loop3A_179 = arith.shrui %parallel_loop3A_176, %parallel_loop3A_178 : vector<16xi32>
      %parallel_loop3A_180 = arith.constant 127 : i32
      %parallel_loop3A_181 = vector.broadcast %parallel_loop3A_180 : i32 to vector<16xi32>
      %parallel_loop3A_182 = arith.andi %parallel_loop3A_176, %parallel_loop3A_181 : vector<16xi32>
      tpu.vector_store_idx %arg7[%parallel_loop3A_179, %parallel_loop3A_182], %broadcast_in_dim3A_5 masked %parallel_loop3A_172 {add = true} : memref<256x128xf32, #tpu.memory_space<vmem>>[vector<16xi32>, vector<16xi32>], vector<16xf32>, vector<16xi1>
      tpu.vector_store_idx %arg8[%parallel_loop3A_179, %parallel_loop3A_182], %parallel_loop3A_156 masked %parallel_loop3A_172 {add = true} : memref<256x128xf32, #tpu.memory_space<vmem>>[vector<16xi32>, vector<16xi32>], vector<16xf32>, vector<16xi1>
    } {sc.loop_unroll_factor = 4 : i64, sc.parallel_access}
    "tpu.region"() ({
      %run_scoped3A = tpu.sem_alloc : memref<!tpu.dma_semaphore, #tpu.memory_space<semaphore_mem>>
      %dma_start3A_150 = arith.constant 0 : i32
      %dma_start3A_151 = arith.constant 0 : i32
      %dma_start3A_152 = tpu.memref_slice %arg3[%add3A, %dma_start3A_150, %dma_start3A_151] : memref<32x256x128xf32, #tpu.memory_space<hbm>> -> memref<1x256x128xf32, #tpu.memory_space<hbm>>
      %dma_start3A_153 = tpu.memref_squeeze %dma_start3A_152 : memref<1x256x128xf32, #tpu.memory_space<hbm>> -> memref<256x128xf32, #tpu.memory_space<hbm>>
      %dma_start3A_154 = arith.constant 0 : i32
      %dma_start3A_155 = arith.constant 0 : i32
      %dma_start3A_156 = tpu.memref_slice %arg3[%add3A, %dma_start3A_154, %dma_start3A_155] : memref<32x256x128xf32, #tpu.memory_space<hbm>> -> memref<1x256x128xf32, #tpu.memory_space<hbm>>
      %dma_start3A_157 = tpu.memref_squeeze %dma_start3A_156 : memref<1x256x128xf32, #tpu.memory_space<hbm>> -> memref<256x128xf32, #tpu.memory_space<hbm>>
      tpu.enqueue_dma source(%arg7 : memref<256x128xf32, #tpu.memory_space<vmem>>) target(%dma_start3A_157 : memref<256x128xf32, #tpu.memory_space<hbm>>) target_semaphore(%run_scoped3A : memref<!tpu.dma_semaphore, #tpu.memory_space<semaphore_mem>>)
      %dma_wait3A_158 = arith.constant 0 : i32
      %dma_wait3A_159 = arith.constant 0 : i32
      %dma_wait3A_160 = tpu.memref_slice %arg3[%add3A, %dma_wait3A_158, %dma_wait3A_159] : memref<32x256x128xf32, #tpu.memory_space<hbm>> -> memref<1x256x128xf32, #tpu.memory_space<hbm>>
      %dma_wait3A_161 = tpu.memref_squeeze %dma_wait3A_160 : memref<1x256x128xf32, #tpu.memory_space<hbm>> -> memref<256x128xf32, #tpu.memory_space<hbm>>
      %dma_wait3A_162 = arith.constant 0 : i32
      %dma_wait3A_163 = arith.constant 0 : i32
      %dma_wait3A_164 = tpu.memref_slice %arg3[%add3A, %dma_wait3A_162, %dma_wait3A_163] : memref<32x256x128xf32, #tpu.memory_space<hbm>> -> memref<1x256x128xf32, #tpu.memory_space<hbm>>
      %dma_wait3A_165 = tpu.memref_squeeze %dma_wait3A_164 : memref<1x256x128xf32, #tpu.memory_space<hbm>> -> memref<256x128xf32, #tpu.memory_space<hbm>>
      tpu.wait_dma2 semaphore(%run_scoped3A : memref<!tpu.dma_semaphore, #tpu.memory_space<semaphore_mem>>) src(%arg7 : memref<256x128xf32, #tpu.memory_space<vmem>>) dst(%dma_wait3A_165 : memref<256x128xf32, #tpu.memory_space<hbm>>)
      tpu.yield
    }) : () -> ()
    "tpu.region"() ({
      %run_scoped3A = tpu.sem_alloc : memref<!tpu.dma_semaphore, #tpu.memory_space<semaphore_mem>>
      %dma_start3A_150 = arith.constant 0 : i32
      %dma_start3A_151 = arith.constant 0 : i32
      %dma_start3A_152 = tpu.memref_slice %arg4[%add3A, %dma_start3A_150, %dma_start3A_151] : memref<32x256x128xf32, #tpu.memory_space<hbm>> -> memref<1x256x128xf32, #tpu.memory_space<hbm>>
      %dma_start3A_153 = tpu.memref_squeeze %dma_start3A_152 : memref<1x256x128xf32, #tpu.memory_space<hbm>> -> memref<256x128xf32, #tpu.memory_space<hbm>>
      %dma_start3A_154 = arith.constant 0 : i32
      %dma_start3A_155 = arith.constant 0 : i32
      %dma_start3A_156 = tpu.memref_slice %arg4[%add3A, %dma_start3A_154, %dma_start3A_155] : memref<32x256x128xf32, #tpu.memory_space<hbm>> -> memref<1x256x128xf32, #tpu.memory_space<hbm>>
      %dma_start3A_157 = tpu.memref_squeeze %dma_start3A_156 : memref<1x256x128xf32, #tpu.memory_space<hbm>> -> memref<256x128xf32, #tpu.memory_space<hbm>>
      tpu.enqueue_dma source(%arg8 : memref<256x128xf32, #tpu.memory_space<vmem>>) target(%dma_start3A_157 : memref<256x128xf32, #tpu.memory_space<hbm>>) target_semaphore(%run_scoped3A : memref<!tpu.dma_semaphore, #tpu.memory_space<semaphore_mem>>)
      %dma_wait3A_158 = arith.constant 0 : i32
      %dma_wait3A_159 = arith.constant 0 : i32
      %dma_wait3A_160 = tpu.memref_slice %arg4[%add3A, %dma_wait3A_158, %dma_wait3A_159] : memref<32x256x128xf32, #tpu.memory_space<hbm>> -> memref<1x256x128xf32, #tpu.memory_space<hbm>>
      %dma_wait3A_161 = tpu.memref_squeeze %dma_wait3A_160 : memref<1x256x128xf32, #tpu.memory_space<hbm>> -> memref<256x128xf32, #tpu.memory_space<hbm>>
      %dma_wait3A_162 = arith.constant 0 : i32
      %dma_wait3A_163 = arith.constant 0 : i32
      %dma_wait3A_164 = tpu.memref_slice %arg4[%add3A, %dma_wait3A_162, %dma_wait3A_163] : memref<32x256x128xf32, #tpu.memory_space<hbm>> -> memref<1x256x128xf32, #tpu.memory_space<hbm>>
      %dma_wait3A_165 = tpu.memref_squeeze %dma_wait3A_164 : memref<1x256x128xf32, #tpu.memory_space<hbm>> -> memref<256x128xf32, #tpu.memory_space<hbm>>
      tpu.wait_dma2 semaphore(%run_scoped3A : memref<!tpu.dma_semaphore, #tpu.memory_space<semaphore_mem>>) src(%arg8 : memref<256x128xf32, #tpu.memory_space<vmem>>) dst(%dma_wait3A_165 : memref<256x128xf32, #tpu.memory_space<hbm>>)
      tpu.yield
    }) : () -> ()
    return
  }
}

module attributes {stable_mosaic.version = 14 : i64} {
  func.func @_k1_bce(%arg0: i32, %arg1: memref<524288xf32, #tpu.memory_space<vmem>>, %arg2: memref<524288xf32, #tpu.memory_space<vmem>>, %arg3: memref<524288xbf16, #tpu.memory_space<vmem>>, %arg4: memref<1x1xf32, #tpu.memory_space<smem>>, %arg5: memref<1x1xf32, #tpu.memory_space<smem>>) attributes {dimension_semantics = [#tpu.dimension_semantics<arbitrary>], iteration_bounds = array<i64: 8>, scalar_prefetch = 0 : i64, scratch_operands = 0 : i64, tpu.core_type = #tpu.core_type<tc>, window_params = [{transform_indices = @transform_0, window_bounds = array<i64: 524288>}, {transform_indices = @transform_1, window_bounds = array<i64: 524288>}, {transform_indices = @transform_2, window_bounds = array<i64: 524288>}, {transform_indices = @transform_3, window_bounds = array<i64: 1, 1>}, {transform_indices = @transform_4, window_bounds = array<i64: 1, 1>}]} {
    %get3A = arith.constant 0 : index
    %get3A_0 = vector.load %arg1[%get3A] : memref<524288xf32, #tpu.memory_space<vmem>>, vector<524288xf32>
    %reshape3A = vector.shape_cast %get3A_0 : vector<524288xf32> to vector<4096x128xf32>
    %get3A_1 = arith.constant 0 : index
    %get3A_2 = vector.load %arg2[%get3A_1] : memref<524288xf32, #tpu.memory_space<vmem>>, vector<524288xf32>
    %reshape3A_3 = vector.shape_cast %get3A_2 : vector<524288xf32> to vector<4096x128xf32>
    %max3A = arith.constant 0.000000e+00 : f32
    %max3A_4 = vector.broadcast %max3A : f32 to vector<4096x128xf32>
    %max3A_5 = arith.maximumf %reshape3A, %max3A_4 : vector<4096x128xf32>
    %mul3A = arith.mulf %reshape3A, %reshape3A_3 : vector<4096x128xf32>
    %sub3A = arith.subf %max3A_5, %mul3A : vector<4096x128xf32>
    %abs3A = math.absf %reshape3A : vector<4096x128xf32>
    %neg3A = arith.constant 0.000000e+00 : f32
    %neg3A_6 = vector.broadcast %neg3A : f32 to vector<4096x128xf32>
    %neg3A_7 = arith.subf %neg3A_6, %abs3A : vector<4096x128xf32>
    %exp3A = math.exp %neg3A_7 : vector<4096x128xf32>
    %log1p3A = math.log1p %exp3A : vector<4096x128xf32>
    %add3A = arith.addf %sub3A, %log1p3A : vector<4096x128xf32>
    %eq3A = arith.constant 0.000000e+00 : f32
    %eq3A_8 = vector.broadcast %eq3A : f32 to vector<4096x128xf32>
    %eq3A_9 = arith.cmpf oeq, %reshape3A_3, %eq3A_8 : vector<4096x128xf32>
    %jit3A = arith.constant 0.000000e+00 : f32
    %broadcast_in_dim3A = vector.broadcast %jit3A : f32 to vector<4096x128xf32>
    %select_n3A = arith.select %eq3A_9, %add3A, %broadcast_in_dim3A : vector<4096x128xi1>, vector<4096x128xf32>
    %convert_element_type3A = arith.truncf %select_n3A : vector<4096x128xf32> to vector<4096x128xbf16>
    %reshape3A_10 = vector.shape_cast %convert_element_type3A : vector<4096x128xbf16> to vector<524288xbf16>
    %swap3A = arith.constant 0 : index
    %swap3A_11 = vector.load %arg3[%swap3A] : memref<524288xbf16, #tpu.memory_space<vmem>>, vector<524288xbf16>
    tpu.vector_store %arg3[%swap3A], %reshape3A_10 {strides = array<i32>} : memref<524288xbf16, #tpu.memory_space<vmem>>, vector<524288xbf16>,
    %mul3A_12 = arith.mulf %add3A, %reshape3A_3 : vector<4096x128xf32>
    %reduce_sum3A = vector.shape_cast %mul3A_12 : vector<4096x128xf32> to vector<1x4096x128xf32>
    %reduce_sum3A_13 = arith.constant dense<0.000000e+00> : vector<1xf32>
    %reduce_sum3A_14 = vector.multi_reduction <add>, %reduce_sum3A, %reduce_sum3A_13 [1, 2] : vector<1x4096x128xf32> to vector<1xf32>
    %reduce_sum3A_15 = vector.shape_cast %reduce_sum3A_14 : vector<1xf32> to vector<1x1x1xf32>
    %reduce_sum3A_16 = vector.extract %reduce_sum3A_15[0, 0, 0] : f32 from vector<1x1x1xf32>
    %reduce_sum3A_17 = vector.shape_cast %reshape3A_3 : vector<4096x128xf32> to vector<1x4096x128xf32>
    %reduce_sum3A_18 = arith.constant dense<0.000000e+00> : vector<1xf32>
    %reduce_sum3A_19 = vector.multi_reduction <add>, %reduce_sum3A_17, %reduce_sum3A_18 [1, 2] : vector<1x4096x128xf32> to vector<1xf32>
    %reduce_sum3A_20 = vector.shape_cast %reduce_sum3A_19 : vector<1xf32> to vector<1x1x1xf32>
    %reduce_sum3A_21 = vector.extract %reduce_sum3A_20[0, 0, 0] : f32 from vector<1x1x1xf32>
    %eq3A_22 = arith.constant 0 : i32
    %eq3A_23 = arith.cmpi eq, %arg0, %eq3A_22 : i32
    %convert_element_type3A_24 = arith.extui %eq3A_23 : i1 to i32
    %cond3A = arith.constant 0 : i32
    %cond3A_25 = arith.cmpi ne, %convert_element_type3A_24, %cond3A : i32
    scf.if %cond3A_25 {
      %swap3A_30 = arith.constant 0 : index
      %swap3A_31 = arith.constant 0 : index
      %swap3A_32 = memref.load %arg4[%swap3A_30, %swap3A_31] : memref<1x1xf32, #tpu.memory_space<smem>>
      memref.store %reduce_sum3A_16, %arg4[%swap3A_30, %swap3A_31] : memref<1x1xf32, #tpu.memory_space<smem>>
      %swap3A_33 = arith.constant 0 : index
      %swap3A_34 = arith.constant 0 : index
      %swap3A_35 = memref.load %arg5[%swap3A_33, %swap3A_34] : memref<1x1xf32, #tpu.memory_space<smem>>
      memref.store %reduce_sum3A_21, %arg5[%swap3A_33, %swap3A_34] : memref<1x1xf32, #tpu.memory_space<smem>>
    } else {
    }
    %gt3A = arith.constant 0 : i32
    %gt3A_26 = arith.cmpi sgt, %arg0, %gt3A : i32
    %convert_element_type3A_27 = arith.extui %gt3A_26 : i1 to i32
    %cond3A_28 = arith.constant 0 : i32
    %cond3A_29 = arith.cmpi ne, %convert_element_type3A_27, %cond3A_28 : i32
    scf.if %cond3A_29 {
      %get3A_30 = arith.constant 0 : index
      %get3A_31 = arith.constant 0 : index
      %get3A_32 = memref.load %arg4[%get3A_30, %get3A_31] : memref<1x1xf32, #tpu.memory_space<smem>>
      %add3A_33 = arith.addf %get3A_32, %reduce_sum3A_16 : f32
      %swap3A_34 = arith.constant 0 : index
      %swap3A_35 = arith.constant 0 : index
      %swap3A_36 = memref.load %arg4[%swap3A_34, %swap3A_35] : memref<1x1xf32, #tpu.memory_space<smem>>
      memref.store %add3A_33, %arg4[%swap3A_34, %swap3A_35] : memref<1x1xf32, #tpu.memory_space<smem>>
      %get3A_37 = arith.constant 0 : index
      %get3A_38 = arith.constant 0 : index
      %get3A_39 = memref.load %arg5[%get3A_37, %get3A_38] : memref<1x1xf32, #tpu.memory_space<smem>>
      %add3A_40 = arith.addf %get3A_39, %reduce_sum3A_21 : f32
      %swap3A_41 = arith.constant 0 : index
      %swap3A_42 = arith.constant 0 : index
      %swap3A_43 = memref.load %arg5[%swap3A_41, %swap3A_42] : memref<1x1xf32, #tpu.memory_space<smem>>
      memref.store %add3A_40, %arg5[%swap3A_41, %swap3A_42] : memref<1x1xf32, #tpu.memory_space<smem>>
    } else {
    }
    return
  }
  func.func @transform_0(%arg0: i32) -> i32 {
    %c0_i32 = arith.constant 0 : i32
    return %arg0 : i32
  }
  func.func @transform_1(%arg0: i32) -> i32 {
    %c0_i32 = arith.constant 0 : i32
    return %arg0 : i32
  }
  func.func @transform_2(%arg0: i32) -> i32 {
    %c0_i32 = arith.constant 0 : i32
    return %arg0 : i32
  }
  func.func @transform_3(%arg0: i32) -> (i32, i32) {
    %c0_i32 = arith.constant 0 : i32
    %c0_i32_0 = arith.constant 0 : i32
    %c0_i32_1 = arith.constant 0 : i32
    return %c0_i32, %c0_i32_0 : i32, i32
  }
  func.func @transform_4(%arg0: i32) -> (i32, i32) {
    %c0_i32 = arith.constant 0 : i32
    %c0_i32_0 = arith.constant 0 : i32
    %c0_i32_1 = arith.constant 0 : i32
    return %c0_i32, %c0_i32_0 : i32, i32
  }
}

module attributes {stable_mosaic.version = 14 : i64} {
  func.func @_k3_select(%arg0: memref<32x256x128xf32, #tpu.memory_space<vmem>>, %arg1: memref<32x256x128xf32, #tpu.memory_space<vmem>>, %arg2: memref<1x1xf32, #tpu.memory_space<smem>>, %arg3: memref<1x1xf32, #tpu.memory_space<smem>>, %arg4: memref<1x1xf32, #tpu.memory_space<smem>>) attributes {dimension_semantics = [], scalar_prefetch = 0 : i64, scratch_operands = 0 : i64, tpu.core_type = #tpu.core_type<tc>} {
    %get3A = arith.constant 0 : index
    %get3A_0 = arith.constant 0 : index
    %get3A_1 = memref.load %arg3[%get3A, %get3A_0] : memref<1x1xf32, #tpu.memory_space<smem>>
    %get3A_2 = arith.constant 0 : index
    %get3A_3 = arith.constant 0 : index
    %get3A_4 = arith.constant 0 : index
    %get3A_5 = vector.load %arg0[%get3A_2, %get3A_3, %get3A_4] : memref<32x256x128xf32, #tpu.memory_space<vmem>>, vector<32x256x128xf32>
    %reduce_sum3A = arith.constant dense<0.000000e+00> : vector<256x128xf32>
    %reduce_sum3A_6 = vector.multi_reduction <add>, %get3A_5, %reduce_sum3A [0] : vector<32x256x128xf32> to vector<256x128xf32>
    %get3A_7 = arith.constant 0 : index
    %get3A_8 = arith.constant 0 : index
    %get3A_9 = arith.constant 0 : index
    %get3A_10 = vector.load %arg1[%get3A_7, %get3A_8, %get3A_9] : memref<32x256x128xf32, #tpu.memory_space<vmem>>, vector<32x256x128xf32>
    %reduce_sum3A_11 = arith.constant dense<0.000000e+00> : vector<256x128xf32>
    %reduce_sum3A_12 = vector.multi_reduction <add>, %get3A_10, %reduce_sum3A_11 [0] : vector<32x256x128xf32> to vector<256x128xf32>
    %iota3A = tpu.iota {dimensions = array<i32: 0>} : vector<128x128xi32>
    %iota3A_13 = tpu.iota {dimensions = array<i32: 1>} : vector<128x128xi32>
    %le3A = arith.cmpi sle, %iota3A, %iota3A_13 : vector<128x128xi32>
    %convert_element_type3A = arith.extui %le3A : vector<128x128xi1> to vector<128x128xi32>
    %convert_element_type3A_14 = arith.sitofp %convert_element_type3A : vector<128x128xi32> to vector<128x128xf32>
    %dot_general3A = arith.constant dense<0.000000e+00> : vector<256x128xf32>
    %dot_general3A_15 = tpu.matmul %reduce_sum3A_6, %convert_element_type3A_14, %dot_general3A {dimension_numbers = #tpu.dot_dimension_numbers<[1], [0], [0], [1], [0, 0, 1, 1], [], []>, precision = #tpu.contract_precision<fp32>, transpose_lhs_hint = false} : vector<256x128xf32>, vector<128x128xf32>, vector<256x128xf32> -> vector<256x128xf32>
    %slice3A = vector.extract_strided_slice %dot_general3A_15 {offsets = [0, 127], sizes = [256, 1], strides = [1, 1]} : vector<256x128xf32> to vector<256x1xf32>
    %iota3A_16 = tpu.iota {dimensions = array<i32: 0>} : vector<256x256xi32>
    %iota3A_17 = tpu.iota {dimensions = array<i32: 1>} : vector<256x256xi32>
    %lt3A = arith.cmpi slt, %iota3A_17, %iota3A_16 : vector<256x256xi32>
    %convert_element_type3A_18 = arith.extui %lt3A : vector<256x256xi1> to vector<256x256xi32>
    %convert_element_type3A_19 = arith.sitofp %convert_element_type3A_18 : vector<256x256xi32> to vector<256x256xf32>
    %dot_general3A_20 = arith.constant dense<0.000000e+00> : vector<256x1xf32>
    %dot_general3A_21 = tpu.matmul %convert_element_type3A_19, %slice3A, %dot_general3A_20 {dimension_numbers = #tpu.dot_dimension_numbers<[1], [0], [0], [1], [0, 0, 1, 1], [], []>, precision = #tpu.contract_precision<fp32>, transpose_lhs_hint = false} : vector<256x256xf32>, vector<256x1xf32>, vector<256x1xf32> -> vector<256x1xf32>
    %add3A = vector.broadcast %dot_general3A_21 : vector<256x1xf32> to vector<256x128xf32>
    %add3A_22 = arith.addf %dot_general3A_15, %add3A : vector<256x128xf32>
    %reduce_sum3A_23 = vector.shape_cast %reduce_sum3A_6 : vector<256x128xf32> to vector<1x256x128xf32>
    %reduce_sum3A_24 = arith.constant dense<0.000000e+00> : vector<1xf32>
    %reduce_sum3A_25 = vector.multi_reduction <add>, %reduce_sum3A_23, %reduce_sum3A_24 [1, 2] : vector<1x256x128xf32> to vector<1xf32>
    %reduce_sum3A_26 = vector.shape_cast %reduce_sum3A_25 : vector<1xf32> to vector<1x1x1xf32>
    %reduce_sum3A_27 = vector.extract %reduce_sum3A_26[0, 0, 0] : f32 from vector<1x1x1xf32>
    %sub3A = vector.broadcast %reduce_sum3A_27 : f32 to vector<256x128xf32>
    %sub3A_28 = arith.subf %sub3A, %add3A_22 : vector<256x128xf32>
    %convert_element_type3A_29 = arith.fptosi %get3A_1 : f32 to i32
    %sub3A_30 = arith.constant 4194304 : i32
    %sub3A_31 = arith.subi %sub3A_30, %convert_element_type3A_29 : i32
    %mul3A = arith.constant 5 : i32
    %mul3A_32 = arith.muli %mul3A, %convert_element_type3A_29 : i32
    %max3A = arith.constant 41943 : i32
    %max3A_33 = arith.maxsi %max3A, %mul3A_32 : i32
    %min3A = arith.minsi %max3A_33, %sub3A_31 : i32
    %convert_element_type3A_34 = arith.sitofp %min3A : i32 to f32
    %sub3A_35 = vector.broadcast %convert_element_type3A_34 : f32 to vector<256x128xf32>
    %sub3A_36 = arith.subf %sub3A_35, %sub3A_28 : vector<256x128xf32>
    %div3A = arith.divf %sub3A_36, %reduce_sum3A_6 : vector<256x128xf32>
    %jit3A = arith.constant 0.000000e+00 : f32
    %jit3A_37 = arith.constant 1.000000e+00 : f32
    %max3A_38 = vector.broadcast %jit3A : f32 to vector<256x128xf32>
    %max3A_39 = arith.maximumf %max3A_38, %div3A : vector<256x128xf32>
    %min3A_40 = vector.broadcast %jit3A_37 : f32 to vector<256x128xf32>
    %min3A_41 = arith.minimumf %min3A_40, %max3A_39 : vector<256x128xf32>
    %gt3A = arith.constant 0.000000e+00 : f32
    %gt3A_42 = vector.broadcast %gt3A : f32 to vector<256x128xf32>
    %gt3A_43 = arith.cmpf ogt, %reduce_sum3A_6, %gt3A_42 : vector<256x128xf32>
    %jit3A_44 = arith.constant 0.000000e+00 : f32
    %broadcast_in_dim3A = vector.broadcast %jit3A_44 : f32 to vector<256x128xf32>
    %select_n3A = arith.select %gt3A_43, %min3A_41, %broadcast_in_dim3A : vector<256x128xi1>, vector<256x128xf32>
    %mul3A_45 = arith.mulf %reduce_sum3A_12, %select_n3A : vector<256x128xf32>
    %reduce_sum3A_46 = vector.shape_cast %mul3A_45 : vector<256x128xf32> to vector<1x256x128xf32>
    %reduce_sum3A_47 = arith.constant dense<0.000000e+00> : vector<1xf32>
    %reduce_sum3A_48 = vector.multi_reduction <add>, %reduce_sum3A_46, %reduce_sum3A_47 [1, 2] : vector<1x256x128xf32> to vector<1xf32>
    %reduce_sum3A_49 = vector.shape_cast %reduce_sum3A_48 : vector<1xf32> to vector<1x1x1xf32>
    %reduce_sum3A_50 = vector.extract %reduce_sum3A_49[0, 0, 0] : f32 from vector<1x1x1xf32>
    %add3A_51 = arith.addf %get3A_1, %convert_element_type3A_34 : f32
    %get3A_52 = arith.constant 0 : index
    %get3A_53 = arith.constant 0 : index
    %get3A_54 = memref.load %arg2[%get3A_52, %get3A_53] : memref<1x1xf32, #tpu.memory_space<smem>>
    %add3A_55 = arith.addf %get3A_54, %reduce_sum3A_50 : f32
    %div3A_56 = arith.divf %add3A_55, %add3A_51 : f32
    %swap3A = arith.constant 0 : index
    %swap3A_57 = arith.constant 0 : index
    %swap3A_58 = memref.load %arg4[%swap3A, %swap3A_57] : memref<1x1xf32, #tpu.memory_space<smem>>
    memref.store %div3A_56, %arg4[%swap3A, %swap3A_57] : memref<1x1xf32, #tpu.memory_space<smem>>
    return
  }
}

</mosaic_0001>

<sc_bundles>
// kernel: kernel.5.cloned.1.call-start
scs
__scs_entry_jumppad:
0x0: {  	(pc) =	sbr.rel $0x88, $3  }
0x1: {  	(tag) =	ssettag $0x0;
	lr =	simm.s32 $0x1  }
0x2: {  	[smem:$0x3F9F] =	sst lr;
	_ =	strace $0xD0000000  }
0x3: {  	_ = 	snop  }
0x4: {  	_ = 	snop  }
0x5: {  	_ = 	snop  }
0x6: {  	_ = 	snop  }
0x7: {  	_ = 	snop  }
__scs_overlays_trampoline_lowered:
0x8: {  	[smem:$0x3FAE] =	sst s0  }
0x9: {  	[smem:$0x3FAF] =	sst s1  }
0xa: {  	[smem:$0x3FB0] =	sst s2  }
0xb: {  	[smem:$0x3FB1] =	sst s3  }
0xc: {  	[smem:$0x3FB2] =	sst s4  }
0xd: {  	[smem:$0x3FB3] =	sst s5  }
0xe: {  	[smem:$0x3FB4] =	sst s6  }
0xf: {  	[smem:$0x3FB5] =	sst s7  }
0x10: {  	[smem:$0x3FB6] =	sst s8  }
0x11: {  	[smem:$0x3FB7] =	sst s9;
	s0 =	simm.s32 @!p0 $0x0  }
0x12: {  	s1 =	sld [smem:$0x3F9D];
	s0 =	simm.s32 @p0 $0x1  }
0x13: {  	[smem:$0x3FB8] =	sst s0;
	s0 =	simm.s32 @!p1 $0x0  }
0x14: {  	s2 =	sld [smem:$0x3F9C];
	s0 =	simm.s32 @p1 $0x1  }
0x15: {  	[smem:$0x3FB9] =	sst s0;
	s0 =	simm.s32 @!p2 $0x0  }
0x16: {  	s3 =	sld [smem:$0x3FDB];
	s0 =	simm.s32 @p2 $0x1  }
0x17: {  	s4 =	simm.s32 $0x1BF5;
	[smem:$0x3FBB] =	sst s0  }
0x18: {  	s0 =	sld [smem:$0x3F9E];
	_ =	swait.ge [sflag:s4], $0x0  }
0x19: {  	s7 =	sld [smem:$0x3F9F]  }
0x1a: {  	s8 =	sadd.s32 $0xFFFFE003, lr  }
0x1b: {  	s9 =	sadd.s32 $0xFFFFFEF7, lr;
	s5 =	simm.s32 $0xFFFFFFFF;
	p2 =	slt.u32 s8, $0xFFFFF086  }
0x1c: {  	p1 =	slt.u32 s9, $0xF7A;
	s5 =	simm.s32 @!p2 $0x0  }
0x1d: {  	s5 =	simm.s32 @p1 $0x1;
	p0 =	seq.s32 s7, s2  }
0x1e: {  	s7 =	smul.u32 @!p0 $0xF7A, s2;
	p2 =	seq.s32 @!p0 s5, $0x0  }
0x1f: {  	s9 =	smul.u32 $0xF7A, s1;
	s8 =	simm.s32 @!p0 $0x1BF5;
	p2 =	por !p2, p0  }
0x20: {  	[sflag:s8] =	ssyncset.s32 @!p0 $0xFFFFF086;
	s6 =	sadd.s32 @!p0 s3, s7;
	s7 =	simm.s32 @!p0 $0x108  }
0x21: {  	s3 =	sadd.s32 s3, s9;
	s6 =	sadd.s32 @!p0 $0x88, s6;
	s7 =	simm.s32 @p2 $0x1082  }
0x22: {  	[simem:s7], [sflag:s8] =	dma.local @!p0 [hbm:s6], $0xF7A  }
0x23: {  	s9 =	sor.u32 $0xD0000000, s2;
	s6 =	simm.s32 $0x108;
	_ =	swait.ge @!p0 [sflag:s8], $0x0  }
0x24: {  	s3 =	sadd.s32 $0x88, s3;
	s6 =	simm.s32 @!p1 $0x1082;
	[sflag:s4] =	ssyncset.s32 $0xFFFFF086  }
0x25: {  	[simem:s6], [sflag:s4] =	dma.local [hbm:s3], $0xF7A  }
0x26: {  	[smem:$0x3F9F] =	sst s1;
	(tag) =	ssettag s2;
	_ =	strace s9  }
0x27: {  	s1 =	sld [smem:$0x3FAF]  }
0x28: {  	s2 =	sld [smem:$0x3FB0]  }
0x29: {  	s4 =	sld [smem:$0x3FB2]  }
0x2a: {  	p0 =	seq.s32 s5, $0x0;
	s5 =	sld [smem:$0x3FB3]  }
0x2b: {  	s6 =	sld [smem:$0x3FB4]  }
0x2c: {  	s7 =	sld [smem:$0x3FB5]  }
0x2d: {  	s3 =	simm.s32 $0x108;
	s8 =	sld [smem:$0x3FB6]  }
0x2e: {  	s3 =	simm.s32 @!p0 $0x1082;
	s9 =	sld [smem:$0x3FB7]  }
0x2f: {  	lr =	sadd.s32 s0, s3;
	s0 =	sld [smem:$0x3FAE]  }
0x30: {  	s3 =	sld [smem:$0x3FB1]  }
0x31: {  	[smem:$0x3FBA] =	sst s10  }
0x32: {  	s10 =	sld [smem:$0x3FB8];
	_ =	sdelay $0x3  }
0x33: {  	p0 =	seq.s32 s10, $0x1;
	s10 =	sld [smem:$0x3FBA];
	_ =	sdelay $0x3  }
0x34: {  	[smem:$0x3FBA] =	sst s10  }
0x35: {  	s10 =	sld [smem:$0x3FB9];
	_ =	sdelay $0x3  }
0x36: {  	p1 =	seq.s32 s10, $0x1;
	s10 =	sld [smem:$0x3FBA];
	_ =	sdelay $0x3  }
0x37: {  	[smem:$0x3FBA] =	sst s10  }
0x38: {  	s10 =	sld [smem:$0x3FBB]  }
0x39: {  	_ = 	snop;
	(pc) =	sbr.ind lr, $3  }
0x3a: {  	_ = 	snop  }
0x3b: {  	_ = 	snop  }
0x3c: {  	p2 =	seq.s32 s10, $0x1;
	s10 =	sld [smem:$0x3FBA]  }
0x3d: {  	_ =	shalt  }
0x3e: {  	_ =	shalt  }
0x3f: {  	_ =	shalt  }
0x40: {  	_ =	shalt  }
0x41: {  	_ =	shalt  }
0x42: {  	_ =	shalt  }
0x43: {  	_ =	shalt  }
0x44: {  	_ =	shalt  }
0x45: {  	_ =	shalt  }
0x46: {  	_ =	shalt  }
0x47: {  	_ =	shalt  }
0x48: {  	_ =	shalt  }
0x49: {  	_ =	shalt  }
0x4a: {  	_ =	shalt  }
0x4b: {  	_ =	shalt  }
0x4c: {  	_ =	shalt  }
0x4d: {  	_ =	shalt  }
0x4e: {  	_ =	shalt  }
0x4f: {  	_ =	shalt  }
0x50: {  	_ =	shalt  }
0x51: {  	_ =	shalt  }
0x52: {  	_ =	shalt  }
0x53: {  	_ =	shalt  }
0x54: {  	_ =	shalt  }
0x55: {  	_ =	shalt  }
0x56: {  	_ =	shalt  }
0x57: {  	_ =	shalt  }
0x58: {  	_ =	shalt  }
0x59: {  	_ =	shalt  }
0x5a: {  	_ =	shalt  }
0x5b: {  	_ =	shalt  }
0x5c: {  	_ =	shalt  }
0x5d: {  	_ =	shalt  }
0x5e: {  	_ =	shalt  }
0x5f: {  	_ =	shalt  }
0x60: {  	_ =	shalt  }
0x61: {  	_ =	shalt  }
0x62: {  	_ =	shalt  }
0x63: {  	_ =	shalt  }
0x64: {  	_ =	shalt  }
0x65: {  	_ =	shalt  }
0x66: {  	_ =	shalt  }
0x67: {  	_ =	shalt  }
0x68: {  	_ =	shalt  }
0x69: {  	_ =	shalt  }
0x6a: {  	_ =	shalt  }
0x6b: {  	_ =	shalt  }
0x6c: {  	_ =	shalt  }
0x6d: {  	_ =	shalt  }
0x6e: {  	_ =	shalt  }
0x6f: {  	_ =	shalt  }
0x70: {  	_ =	shalt  }
0x71: {  	_ =	shalt  }
0x72: {  	_ =	shalt  }
0x73: {  	_ =	shalt  }
0x74: {  	_ =	shalt  }
0x75: {  	_ =	shalt  }
0x76: {  	_ =	shalt  }
0x77: {  	_ =	shalt  }
0x78: {  	_ =	shalt  }
0x79: {  	_ =	shalt  }
0x7a: {  	_ =	shalt  }
0x7b: {  	_ =	shalt  }
0x7c: {  	_ =	shalt  }
0x7d: {  	_ =	shalt  }
0x7e: {  	_ =	shalt  }
0x7f: {  	_ =	shalt  }
0x80: {  	_ =	shalt  }
0x81: {  	_ =	shalt  }
0x82: {  	_ =	shalt  }
0x83: {  	_ =	shalt  }
0x84: {  	_ =	shalt  }
0x85: {  	_ =	shalt  }
0x86: {  	_ =	shalt  }
0x87: {  	_ =	shalt  }
.Lfunc_end0:
.L_simem_size_0:
called_computation_lowered:
.L_overlay_start_0:
0x88: {  	s2 =	sld [smem:$0x3FD9]  }
0x89: {  	s3 =	sld [smem:$0x3FFE];
	_ =	sdelay $0x1  }
0x8a: {  	s1 =	srdreg.scid  }
0x8b: {  	s0 =	sand.u32 $0x1, s1  }
0x8c: {  	s16 =	sshll.u32 s0, $0xA;
	s2 =	sadd.s32 s3, s2  }
0x8d: {  	s2 =	sadd.s32 s2, s16  }
0x8e: {  	[smem:$0x3FC6] =	sst s2  }
0x8f: {  	_ = 	snop  }
0x90: {  	(tm) =	ssettm $0x1  }
0x91: {  	s17 =	sld [smem:$0x3FFB];
	_ =	sdelay $0x3  }
0x92: {  	_ =	strace s17  }
0x93: {  	s2 =	sld [smem:$0x3FFC];
	_ =	sdelay $0x3  }
0x94: {  	_ =	strace s2  }
0x95: {  	s2 =	sld [smem:$0x3FFD];
	_ =	sdelay $0x3  }
0x96: {  	_ =	strace s2  }
0x97: {  	_ =	strace $0x8FFFFFFF  }
0x98: {  	s18 =	sld [smem:$0x3FDB];
	_ =	sdelay $0x1  }
0x99: {  	s19 =	simm.s32 $_scs_section_size  }
0x9a: {  	s4 =	simm.s32 $_size__tile_overlayer_lowered;
	s5 =	simm.s32 $_tile_overlayer_lowered  }
0x9b: {  	s22 =	simm.s32 $0x1BFF;
	s21 =	sshll.u32 s5, $0x1;
	s2 =	sadd.s32 s19, s18  }
0x9c: {  	s6 =	simm.s32 $0x0;
	s20 =	sshll.u32 s4, $0x1;
	s4 =	sadd.s32 s21, s2  }
0x9d: {  	[timem:s6], [sflag:s22] =	dma.local [hbm:s4], s20  }
0x9e: {  	_ =	swait.ge [sflag:s22], s20  }
0x9f: {  	s3 =	ssub.s32 $0x0, s20;
	[sflag:s22] =	ssyncset.done $0x0  }
0xa0: {  	[sflag:s22] =	ssyncadd.s32 s3;
	_ =	sdelay $0x1  }
0xa1: {  	s23 =	simm.s32 $0x1B8B  }
0xa2: {  	_ =	swait.ge [sflag:s23], $0x1  }
0xa3: {  	[sflag:s23] =	ssyncset.done $0x0  }
0xa4: {  	s25 =	simm.s32 $0x1B8E;
	s24 =	sld [smem:$0x3FFE];
	[sflag:s23] =	ssyncadd.s32 $0xFFFFFFFF  }
0xa5: {  	s26 =	simm.s32 $execute0_lowered;
	[smem:$0x3FD2] =	sst s25  }
0xa6: {  	s4 =	sshll.u32 s26, $0x1;
	_ =	strace $0x80000046;
	[dreg:$0x1] =	wrdreg $0xFFFFFFFF  }
0xa7: {  	s28 =	simm.s32 $_size_execute0_lowered;
	s2 =	sadd.s32 s2, s4;
	[dreg:$0x0] =	wrdreg $0x0  }
0xa8: {  	s4 =	sshll.u32 s28, $0x1;
	[dreg:$0x2] =	wrdreg s2  }
0xa9: {  	[dreg:$0x3] =	wrdreg s4  }
0xaa: {  	[dreg:$0x4] =	wrdreg $0xC0  }
0xab: {  	_ =	task [dreg:s6], $0x5FFFF  }
0xac: {  	[dreg:$0x1] =	wrdreg $0xFFFFFFFF  }
0xad: {  	[dreg:$0x0] =	wrdreg $0x60  }
0xae: {  	[dreg:$0x2] =	wrdreg s24  }
0xaf: {  	[dreg:$0x3] =	wrdreg $0x9  }
0xb0: {  	_ =	task.clear_ibuf [dreg:s6], $0x4FFFF;
	_ =	strace $0x90000046  }
0xb1: {  	s29 =	simm.s32 $0x9;
	_ =	strace $0x80000048  }
0xb2: {  	_ =	swait.ge [sflag:s29], $0x1  }
0xb3: {  	[sflag:s29] =	ssyncadd.s32 $0xFFFFFFFF  }
0xb4: {  	_ =	strace $0x90000048  }
0xb5: {  	_ =	sfence  }
0xb6: {  	s30 =	sld [smem:$0x0];
	_ =	sdelay $0x2  }
0xb7: {  	s31 =	sshll.u32 s1, $0xD;
	s1 =	sshrl.u32 s1, $0x2  }
0xb8: {  	s3 =	sand.u32 $0x4000, s31;
	s1 =	sadd.s32 s1, s30  }
0xb9: {  	s0 =	sor.u32 s3, s0;
	s1 =	sshll.u32 s1, $0x11  }
0xba: {  	s0 =	sor.u32 s1, s0  }
0xbb: {  	s0 =	sadd.s32 $0x8F2B, s0  }
0xbc: {  	[sflag:s0] =	ssyncadd.remote.s32 $0x1  }
0xbd: {  	_ =	sfence.sel $0xFFFF  }
0xbe: {  	[dreg:$0x0] =	wrdreg $0xFFFFFFFF;
	(pc) =	sbr.abs _section_cstart, $3  }
0xbf: {  	[dreg:$0x1] =	wrdreg $0xFFFFFFFF  }
0xc0: {  	_ =	task.clear_ibuf [dreg:s6], $0x2FFFF;
	_ =	strace $0x9FFFFFFF  }
0xc1: {  	(tm) =	ssettm $0x7FFFFFFF  }
tec
execute0_lowered:
.L_overlay_start_1:
0x0: {  	(tag) =	ssettag $0x1  }
0x1: {  	s0 =	rddreg [dreg:$0x0]  }
0x2: {  	s3 =	simm.s32 $0x0;
	s1 =	srdreg.scid;
	s2 =	stileid.u32  }
0x3: {  	s22 =	simm.s32 $0x1000;
	s23 =	simm.s32 $0x1;
	s24 =	simm.s32 $0x2000  }
0x4: {  	s25 =	simm.s32 $0xA000;
	s28 =	simm.s32 $0x3;
	s29 =	simm.s32 $0x0  }
0x5: {  	[smem:$0x7FF] =	sst s3;
	s1 =	sand.u32 $0x1, s1;
	s2 =	sshll.u32 s2, $0x1  }
0x6: {  	_ =	strace $0x80000047;
	s2 =	sor.u32 s1, s2;
	s1 =	ssub.s32 $0x2, s1  }
0x7: {  	s26 =	sshll.u32 s2, $0xD;
	s2 =	sshll.u32 s2, $0xC;
	s30 =	sshrl.u32 s1, $0x1  }
0x8: {  	s18 =	sadd.s32 s26, s0;
	s0 =	sadd.s32 s2, s0;
	s1 =	ssub.s32 s1, s30  }
0x9: {  	s26 =	simm.s32 $0x2;
	s31 =	sadd.s32 $0x1400, s18;
	s4 =	sadd.s32 $0x1600, s18  }
0xa: {  	s5 =	sadd.s32 $0x1800, s18;
	s6 =	sadd.s32 $0x1A00, s18;
	s7 =	sadd.s32 $0x1C00, s18  }
0xb: {  	s8 =	sadd.s32 $0x1E00, s18;
	s9 =	sadd.s32 $0x2000, s18;
	s10 =	sadd.s32 $0x2200, s18  }
0xc: {  	s11 =	sadd.s32 $0x2400, s18;
	s12 =	sadd.s32 $0x2600, s18;
	s13 =	sadd.s32 $0x2800, s18  }
0xd: {  	s14 =	sadd.s32 $0x2A00, s18;
	s15 =	sadd.s32 $0x2C00, s18;
	s16 =	sadd.s32 $0x2E00, s18  }
0xe: {  	s17 =	sadd.s32 $0x3000, s18;
	s18 =	sadd.s32 $0x3200, s18;
	s19 =	sadd.s32 $0x41400, s0  }
0xf: {  	v0 =	vimm.f32 $0.0e+00;
	v1 =	vimm.f32 $1.000000000e+00;
	s20 =	sadd.s32 $0x61400, s0;
	s21 =	smax.u32 s1, $0x1;
	[dreg:$0x2] =	wrdreg s31  }
.LBB2_1:
0x10: {  	s0 =	simm.s32 $0x2100  }
0x11: {  	[tilespmem:s0+$0xFFFFFF80] =	vst v0  }
0x12: {  	[tilespmem:s0+$0xFFFFFF00] =	vst v0  }
0x13: {  	[tilespmem:s0+$0x0] =	vst v0  }
0x14: {  	s30 =	simm.s32 $0xA100;
	[tilespmem:s0+$0x80] =	vst v0  }
0x15: {  	[tilespmem:s30+$0x80] =	vst v0  }
0x16: {  	[tilespmem:s30+$0xFFFFFF00] =	vst v0  }
0x17: {  	[tilespmem:s30+$0xFFFFFF80] =	vst v0  }
0x18: {  	[tilespmem:s30+$0x0] =	vst v0  }
0x19: {  	[tilespmem:s0+$0x90] =	vst v0  }
0x1a: {  	[tilespmem:s0+$0xFFFFFF10] =	vst v0  }
0x1b: {  	[tilespmem:s0+$0xFFFFFF90] =	vst v0  }
0x1c: {  	[tilespmem:s30+$0x90] =	vst v0  }
0x1d: {  	[tilespmem:s30+$0xFFFFFF10] =	vst v0  }
0x1e: {  	[tilespmem:s30+$0xFFFFFF90] =	vst v0  }
0x1f: {  	[tilespmem:s0+$0xA0] =	vst v0  }
0x20: {  	[tilespmem:s0+$0xFFFFFFA0] =	vst v0  }
0x21: {  	[tilespmem:s0+$0xFFFFFF20] =	vst v0  }
0x22: {  	[tilespmem:s30+$0xA0] =	vst v0  }
0x23: {  	[tilespmem:s30+$0xFFFFFFA0] =	vst v0  }
0x24: {  	[tilespmem:s30+$0xFFFFFF20] =	vst v0  }
0x25: {  	[tilespmem:s0+$0xB0] =	vst v0  }
0x26: {  	[tilespmem:s0+$0xFFFFFFB0] =	vst v0  }
0x27: {  	[tilespmem:s0+$0xFFFFFF30] =	vst v0  }
0x28: {  	s1 =	simm.s32 $0x0;
	s2 =	simm.s32 $0xA100;
	s31 =	simm.s32 $0x2100;
	[tilespmem:s30+$0xB0] =	vst v0  }
.LBB2_2:
0x29: {  	s1 =	sadd.s32 $0x4, s1;
	[tilespmem:s30+$0xFFFFFFB0] =	vst v0;
	s0 =	sadd.s32 $0x200, s0;
	s2 =	sadd.s32 $0x200, s2  }
0x2a: {  	p0 =	slt.u32 s1, $0xFC;
	[tilespmem:s31+$0x10] =	vst v0  }
0x2b: {  	[tilespmem:s31+$0xFFFFFFC0] =	vst v0  }
0x2c: {  	[tilespmem:s30+$0xFFFFFFC0] =	vst v0  }
0x2d: {  	[tilespmem:s31+$0xFFFFFFD0] =	vst v0  }
0x2e: {  	[tilespmem:s30+$0xFFFFFFD0] =	vst v0  }
0x2f: {  	[tilespmem:s31+$0xFFFFFFE0] =	vst v0  }
0x30: {  	[tilespmem:s30+$0x10] =	vst v0  }
0x31: {  	[tilespmem:s31+$0x20] =	vst v0  }
0x32: {  	[tilespmem:s30+$0x20] =	vst v0  }
0x33: {  	[tilespmem:s31+$0x30] =	vst v0  }
0x34: {  	[tilespmem:s30+$0x30] =	vst v0  }
0x35: {  	[tilespmem:s0+$0xFFFFFF80] =	vst v0  }
0x36: {  	[tilespmem:s30+$0xFFFFFF30] =	vst v0  }
0x37: {  	[tilespmem:s31+$0xC0] =	vst v0  }
0x38: {  	[tilespmem:s30+$0xC0] =	vst v0  }
0x39: {  	[tilespmem:s31+$0xD0] =	vst v0  }
0x3a: {  	[tilespmem:s31+$0x40] =	vst v0  }
0x3b: {  	[tilespmem:s30+$0x40] =	vst v0  }
0x3c: {  	[tilespmem:s31+$0x50] =	vst v0  }
0x3d: {  	[tilespmem:s30+$0xFFFFFFE0] =	vst v0  }
0x3e: {  	[tilespmem:s31+$0xFFFFFFF0] =	vst v0  }
0x3f: {  	[tilespmem:s30+$0x50] =	vst v0  }
0x40: {  	[tilespmem:s31+$0xFFFFFF40] =	vst v0  }
0x41: {  	[tilespmem:s30+$0xFFFFFF40] =	vst v0  }
0x42: {  	[tilespmem:s31+$0xFFFFFF50] =	vst v0  }
0x43: {  	[tilespmem:s30+$0xFFFFFF50] =	vst v0  }
0x44: {  	[tilespmem:s31+$0x60] =	vst v0  }
0x45: {  	[tilespmem:s30+$0xFFFFFFF0] =	vst v0  }
0x46: {  	[tilespmem:s30+$0xD0] =	vst v0  }
0x47: {  	[tilespmem:s31+$0xFFFFFF60] =	vst v0  }
0x48: {  	[tilespmem:s30+$0x60] =	vst v0  }
0x49: {  	[tilespmem:s31+$0x70] =	vst v0  }
0x4a: {  	[tilespmem:s31+$0xE0] =	vst v0  }
0x4b: {  	[tilespmem:s30+$0xE0] =	vst v0  }
0x4c: {  	[tilespmem:s31+$0xF0] =	vst v0  }
0x4d: {  	[tilespmem:s30+$0x70] =	vst v0  }
0x4e: {  	[tilespmem:s30+$0xFFFFFF60] =	vst v0  }
0x4f: {  	[tilespmem:s31+$0xFFFFFF70] =	vst v0;
	s31 =	smov.u32 s0  }
0x50: {  	[tilespmem:s30+$0xFFFFFF70] =	vst v0  }
0x51: {  	[tilespmem:s30+$0xF0] =	vst v0;
	s30 =	smov.u32 s2  }
0x52: {  	[tilespmem:s0+$0xFFFFFF00] =	vst v0  }
0x53: {  	[tilespmem:s0+$0x0] =	vst v0  }
0x54: {  	[tilespmem:s0+$0x80] =	vst v0  }
0x55: {  	[tilespmem:s2+$0x80] =	vst v0  }
0x56: {  	[tilespmem:s0+$0x90] =	vst v0  }
0x57: {  	[tilespmem:s2+$0x90] =	vst v0  }
0x58: {  	[tilespmem:s0+$0xA0] =	vst v0  }
0x59: {  	[tilespmem:s2+$0xFFFFFF00] =	vst v0  }
0x5a: {  	[tilespmem:s0+$0xFFFFFF10] =	vst v0  }
0x5b: {  	[tilespmem:s2+$0xFFFFFF10] =	vst v0  }
0x5c: {  	[tilespmem:s2+$0xA0] =	vst v0  }
0x5d: {  	[tilespmem:s0+$0xB0] =	vst v0  }
0x5e: {  	[tilespmem:s2+$0xFFFFFF80] =	vst v0  }
0x5f: {  	[tilespmem:s2+$0xB0] =	vst v0  }
0x60: {  	[tilespmem:s2+$0x0] =	vst v0  }
0x61: {  	[tilespmem:s0+$0xFFFFFF90] =	vst v0  }
0x62: {  	[tilespmem:s2+$0xFFFFFF90] =	vst v0  }
0x63: {  	[tilespmem:s0+$0xFFFFFFA0] =	vst v0  }
.Ltmp0:
0x64: {  	[tilespmem:s2+$0xFFFFFFA0] =	vst v0;
	(pc) =	sbr.rel @p0 .LBB2_2-.Ltmp0, $4  }
0x65: {  	[tilespmem:s0+$0xFFFFFFB0] =	vst v0  }
0x66: {  	[tilespmem:s0+$0xFFFFFF20] =	vst v0  }
0x67: {  	[tilespmem:s2+$0xFFFFFF20] =	vst v0  }
0x68: {  	[tilespmem:s0+$0xFFFFFF30] =	vst v0  }
0x69: {  	[tilespmem:s30+$0xFFFFFFB0] =	vst v0  }
0x6a: {  	[tilespmem:s31+$0x10] =	vst v0  }
0x6b: {  	[tilespmem:s30+$0xFFFFFF30] =	vst v0  }
0x6c: {  	[tilespmem:s31+$0xC0] =	vst v0  }
0x6d: {  	[tilespmem:s31+$0xFFFFFFC0] =	vst v0  }
0x6e: {  	[tilespmem:s30+$0x10] =	vst v0  }
0x6f: {  	[tilespmem:s30+$0xC0] =	vst v0  }
0x70: {  	[tilespmem:s31+$0xFFFFFF40] =	vst v0  }
0x71: {  	[tilespmem:s30+$0xFFFFFFC0] =	vst v0  }
0x72: {  	[tilespmem:s31+$0x20] =	vst v0  }
0x73: {  	[tilespmem:s31+$0xD0] =	vst v0  }
0x74: {  	[tilespmem:s30+$0xFFFFFF40] =	vst v0  }
0x75: {  	[tilespmem:s31+$0xFFFFFFD0] =	vst v0  }
0x76: {  	[tilespmem:s30+$0x20] =	vst v0  }
0x77: {  	[tilespmem:s31+$0xFFFFFF50] =	vst v0  }
0x78: {  	[tilespmem:s30+$0xD0] =	vst v0  }
0x79: {  	[tilespmem:s30+$0xFFFFFFD0] =	vst v0  }
0x7a: {  	[tilespmem:s31+$0x30] =	vst v0  }
0x7b: {  	[tilespmem:s30+$0xFFFFFF50] =	vst v0  }
0x7c: {  	[tilespmem:s31+$0xE0] =	vst v0  }
0x7d: {  	[tilespmem:s31+$0xFFFFFFE0] =	vst v0  }
0x7e: {  	[tilespmem:s30+$0x30] =	vst v0  }
0x7f: {  	[tilespmem:s31+$0xFFFFFF60] =	vst v0  }
0x80: {  	[tilespmem:s30+$0xE0] =	vst v0  }
0x81: {  	[tilespmem:s31+$0x40] =	vst v0  }
0x82: {  	[tilespmem:s30+$0xFFFFFFE0] =	vst v0  }
0x83: {  	[tilespmem:s31+$0xF0] =	vst v0  }
0x84: {  	[tilespmem:s30+$0xFFFFFF60] =	vst v0  }
0x85: {  	[tilespmem:s30+$0x40] =	vst v0  }
0x86: {  	[tilespmem:s31+$0xFFFFFFF0] =	vst v0  }
0x87: {  	[tilespmem:s31+$0xFFFFFF70] =	vst v0  }
0x88: {  	[tilespmem:s30+$0xF0] =	vst v0  }
0x89: {  	[tilespmem:s31+$0x50] =	vst v0  }
0x8a: {  	[tilespmem:s30+$0xFFFFFFF0] =	vst v0  }
0x8b: {  	[tilespmem:s30+$0xFFFFFF70] =	vst v0  }
0x8c: {  	[tilespmem:s30+$0x50] =	vst v0  }
0x8d: {  	[tilespmem:s31+$0x60] =	vst v0  }
0x8e: {  	[tilespmem:s30+$0x60] =	vst v0  }
0x8f: {  	[tilespmem:s31+$0x70] =	vst v0  }
0x90: {  	[tilespmem:s30+$0x70] =	vst v0  }
0x91: {  	s0 =	simm.s32 $0x0;
	s1 =	rddreg [dreg:$0x2]  }
0x92: {  	[tilespmem:s0], [sflag:$0x1] =	stream.linear.gather [hbm4b:s1+s0], $0x1000, $0x38;
	[tilespmem:$0x12000] =	vst v63  }
0x93: {  	p0 =	por $0x0, $0x0;
	s1 =	simm.s32 $0x1  }
0x94: {  	s1 =	simm.s32 @!p0 $0x0  }
0x95: {  	[tilespmem:s22], [sflag:$0x2] =	stream.linear.gather [hbm4b:s4+s0], $0x1000, $0x38;
	[tilespmem:$0x12000] =	vst v63  }
0x96: {  	s1 =	sadd.s32 $0x0, s1;
	_ =	swait.ge [sflag:s23], $0x1000  }
0x97: {  	s2 =	sor.u32 $0xC0, s1;
	[sflag:s23] =	ssyncset.done $0x0  }
0x98: {  	s2 =	sshra.s32 s2, $0x1;
	[sflag:s23] =	ssyncadd.s32 $0xFFFFF000  }
0x99: {  	v2 =	vld [tilespmem:s2+$0x0]  }
0x9a: {  	s1 =	sor.u32 $0x80, s1  }
0x9b: {  	s31 =	simm.s32 $0x0;
	s1 =	sshra.s32 s1, $0x1  }
0x9c: {  	s2 =	sand.u32 $0xF80, s31;
	v5 =	vld [tilespmem:s1+$0x0]  }
0x9d: {  	v3 =	vld [tilespmem:s2+$0x0]  }
0x9e: {  	v8 =	vld [tilespmem:s2+$0x20];
	v7 =	vunpack.i.l.bf16.f32 v2  }
0x9f: {  	vm2 =	vgt.f32 v7, $0.0e+00  }
0xa0: {  	v14 =	vunpack.i.u.bf16.f32 v2;
	v9 =	vshrl.u32 v7, $0x10  }
0xa1: {  	vm6 =	vgt.f32 v14, $0.0e+00  }
0xa2: {  	v6 =	vunpack.i.u.bf16.f32 v5;
	v10 =	vunpack.i.l.bf16.f32 v5;
	v15 =	vshrl.u32 v14, $0x10  }
0xa3: {  	v2 =	vunpack.i.u.bf16.f32 v3;
	v4 =	vunpack.i.l.bf16.f32 v3;
	v3 =	vunpack.i.u.bf16.f32 v8  }
0xa4: {  	v5 =	vunpack.i.l.bf16.f32 v8;
	vm5 =	vgt.f32 v10, $0.0e+00;
	v13 =	vshrl.u32 v10, $0x10  }
0xa5: {  	vm3 =	vgt.f32 v6, $0.0e+00;
	v12 =	vshrl.u32 v6, $0x10;
	vm0 =	vgt.f32 v4, $0.0e+00;
	[tilespmem:v9+s24+$0x0] =	vst.idx.add.f32.msk vm2, v1  }
0xa6: {  	vm4 =	vgt.f32 v2, $0.0e+00;
	vm1 =	vgt.f32 v5, $0.0e+00;
	vm7 =	vgt.f32 v3, $0.0e+00;
	[tilespmem:v9+s25+$0x0] =	vst.idx.add.f32.msk vm2, v7  }
0xa7: {  	v11 =	vshrl.u32 v4, $0x10;
	v8 =	vshrl.u32 v5, $0x10;
	vm4 =	vmmov vm4;
	[tilespmem:v15+s24+$0x0] =	vst.idx.add.f32.msk vm6, v1  }
0xa8: {  	p0 =	por !p0, !p0;
	s1 =	simm.s32 $0x0;
	s2 =	simm.s32 $0x1;
	v9 =	vshrl.u32 v2, $0x10;
	v7 =	vshrl.u32 v3, $0x10;
	vm2 =	vmmov vm7;
	[tilespmem:v15+s25+$0x0] =	vst.idx.add.f32.msk vm6, v14  }
.LBB2_4:
0xa9: {  	s30 =	simm.s32 $0x1  }
0xaa: {  	[tilespmem:v13+s24+$0x0] =	vst.idx.add.f32.msk vm5, v1;
	s0 =	sadd.s32 $0x80, s0;
	s30 =	simm.s32 @!p0 $0x0  }
0xab: {  	s31 =	sshrl.u32 s0, $0x1;
	s30 =	sadd.s32 s30, s0;
	[tilespmem:v13+s25+$0x0] =	vst.idx.add.f32.msk vm5, v10  }
0xac: {  	s31 =	sand.u32 $0xF80, s31;
	s3 =	sor.u32 $0x80, s30;
	s30 =	sor.u32 $0xC0, s30;
	[tilespmem:v12+s24+$0x0] =	vst.idx.add.f32.msk vm3, v1  }
0xad: {  	s1 =	sadd.s32 $0x4, s1;
	v10 =	vld [tilespmem:s31+$0x0];
	s3 =	sshra.s32 s3, $0x1;
	s30 =	sshra.s32 s30, $0x1  }
0xae: {  	p1 =	slt.u32 s1, $0xFC;
	v13 =	vld [tilespmem:s30+$0x0]  }
0xaf: {  	v14 =	vld [tilespmem:s3+$0x0]  }
0xb0: {  	v15 =	vld [tilespmem:s31+$0x20]  }
0xb1: {  	[tilespmem:v12+s25+$0x0] =	vst.idx.add.f32.msk vm3, v6  }
0xb2: {  	v12 =	vunpack.i.u.bf16.f32 v10;
	v6 =	vunpack.i.l.bf16.f32 v10;
	[tilespmem:v11+s24+$0x0] =	vst.idx.add.f32.msk vm0, v1  }
0xb3: {  	vm6 =	vgt.f32 v12, $0.0e+00;
	v16 =	vunpack.i.l.bf16.f32 v13;
	[tilespmem:v11+s25+$0x0] =	vst.idx.add.f32.msk vm0, v4;
	vm0 =	vgt.f32 v6, $0.0e+00;
	v4 =	vmovc v6  }
0xb4: {  	v6 =	vunpack.i.u.bf16.f32 v14;
	v10 =	vunpack.i.l.bf16.f32 v14;
	vm7 =	vgt.f32 v16, $0.0e+00;
	[tilespmem:v9+s24+$0x0] =	vst.idx.add.f32.msk vm4, v1  }
0xb5: {  	v17 =	vunpack.i.u.bf16.f32 v13;
	v18 =	vshrl.u32 v16, $0x10;
	v14 =	vunpack.i.u.bf16.f32 v15;
	[tilespmem:v9+s25+$0x0] =	vst.idx.add.f32.msk vm4, v2;
	v2 =	vmovc v12  }
0xb6: {  	vm8 =	vgt.f32 v17, $0.0e+00;
	v9 =	vunpack.i.l.bf16.f32 v15;
	vm5 =	vgt.f32 v10, $0.0e+00;
	[tilespmem:v8+s24+$0x0] =	vst.idx.add.f32.msk vm1, v1  }
0xb7: {  	v13 =	vshrl.u32 v10, $0x10;
	vm3 =	vgt.f32 v6, $0.0e+00;
	v15 =	vshrl.u32 v17, $0x10;
	[tilespmem:v8+s25+$0x0] =	vst.idx.add.f32.msk vm1, v5;
	v5 =	vmovc v9  }
0xb8: {  	v12 =	vshrl.u32 v6, $0x10;
	vm9 =	vgt.f32 v14, $0.0e+00;
	vm1 =	vgt.f32 v5, $0.0e+00;
	[tilespmem:v7+s24+$0x0] =	vst.idx.add.f32.msk vm2, v1  }
.Ltmp1:
0xb9: {  	v11 =	vshrl.u32 v4, $0x10;
	v9 =	vshrl.u32 v2, $0x10;
	v8 =	vshrl.u32 v5, $0x10;
	[tilespmem:v7+s25+$0x0] =	vst.idx.add.f32.msk vm2, v3;
	v3 =	vmovc v14;
	(pc) =	sbr.rel @p1 .LBB2_4-.Ltmp1, $4  }
0xba: {  	vm4 =	vmmov vm6;
	vm2 =	vmmov vm9;
	v7 =	vshrl.u32 v3, $0x10;
	[tilespmem:v18+s24+$0x0] =	vst.idx.add.f32.msk vm7, v1  }
0xbb: {  	[tilespmem:v18+s25+$0x0] =	vst.idx.add.f32.msk vm7, v16  }
0xbc: {  	[tilespmem:v15+s24+$0x0] =	vst.idx.add.f32.msk vm8, v1  }
0xbd: {  	s2 =	sadd.s32 $0x1, s2;
	p0 =	por !p0, !p0;
	[tilespmem:v15+s25+$0x0] =	vst.idx.add.f32.msk vm8, v17  }
0xbe: {  	_ =	sdelay $0x4  }
0xbf: {  	[tilespmem:v13+s24+$0x0] =	vst.idx.add.f32.msk vm5, v1  }
0xc0: {  	[tilespmem:v11+s24+$0x0] =	vst.idx.add.f32.msk vm0, v1  }
0xc1: {  	[tilespmem:v8+s24+$0x0] =	vst.idx.add.f32.msk vm1, v1  }
0xc2: {  	[tilespmem:v13+s25+$0x0] =	vst.idx.add.f32.msk vm5, v10  }
0xc3: {  	[tilespmem:v11+s25+$0x0] =	vst.idx.add.f32.msk vm0, v4  }
0xc4: {  	[tilespmem:v8+s25+$0x0] =	vst.idx.add.f32.msk vm1, v5  }
0xc5: {  	[tilespmem:v12+s24+$0x0] =	vst.idx.add.f32.msk vm3, v1  }
0xc6: {  	[tilespmem:v9+s24+$0x0] =	vst.idx.add.f32.msk vm4, v1  }
0xc7: {  	[tilespmem:v7+s24+$0x0] =	vst.idx.add.f32.msk vm2, v1  }
0xc8: {  	[tilespmem:v12+s25+$0x0] =	vst.idx.add.f32.msk vm3, v6  }
0xc9: {  	p0 =	por $0x0, $0x0;
	s1 =	simm.s32 $0x1;
	[tilespmem:v9+s25+$0x0] =	vst.idx.add.f32.msk vm4, v2  }
0xca: {  	s0 =	simm.s32 $0x0;
	s1 =	simm.s32 @!p0 $0x0;
	[tilespmem:v7+s25+$0x0] =	vst.idx.add.f32.msk vm2, v3  }
0xcb: {  	[tilespmem:s0], [sflag:$0x1] =	stream.linear.gather [hbm4b:s5+s0], $0x1000, $0x38;
	[tilespmem:$0x12000] =	vst v63  }
0xcc: {  	s1 =	sadd.s32 $0x0, s1;
	_ =	swait.ge [sflag:s26], $0x1000  }
0xcd: {  	s2 =	sor.u32 $0xC0, s1;
	[sflag:s26] =	ssyncset.done $0x0  }
0xce: {  	s2 =	sshra.s32 s2, $0x1;
	[sflag:s26] =	ssyncadd.s32 $0xFFFFF000  }
0xcf: {  	v2 =	vld [tilespmem:s2+$0x1000]  }
0xd0: {  	s1 =	sor.u32 $0x80, s1  }
0xd1: {  	s31 =	simm.s32 $0x0;
	s1 =	sshra.s32 s1, $0x1  }
0xd2: {  	s2 =	sand.u32 $0xF80, s31;
	v5 =	vld [tilespmem:s1+$0x1000]  }
0xd3: {  	v3 =	vld [tilespmem:s2+$0x1000]  }
0xd4: {  	v8 =	vld [tilespmem:s2+$0x1020];
	v7 =	vunpack.i.l.bf16.f32 v2  }
0xd5: {  	vm2 =	vgt.f32 v7, $0.0e+00  }
0xd6: {  	v14 =	vunpack.i.u.bf16.f32 v2;
	v9 =	vshrl.u32 v7, $0x10  }
0xd7: {  	vm6 =	vgt.f32 v14, $0.0e+00  }
0xd8: {  	v6 =	vunpack.i.u.bf16.f32 v5;
	v10 =	vunpack.i.l.bf16.f32 v5;
	v15 =	vshrl.u32 v14, $0x10  }
0xd9: {  	v2 =	vunpack.i.u.bf16.f32 v3;
	v4 =	vunpack.i.l.bf16.f32 v3;
	v3 =	vunpack.i.u.bf16.f32 v8  }
0xda: {  	v5 =	vunpack.i.l.bf16.f32 v8;
	vm5 =	vgt.f32 v10, $0.0e+00;
	v13 =	vshrl.u32 v10, $0x10  }
0xdb: {  	vm3 =	vgt.f32 v6, $0.0e+00;
	v12 =	vshrl.u32 v6, $0x10;
	vm0 =	vgt.f32 v4, $0.0e+00;
	[tilespmem:v9+s24+$0x0] =	vst.idx.add.f32.msk vm2, v1  }
0xdc: {  	vm4 =	vgt.f32 v2, $0.0e+00;
	vm1 =	vgt.f32 v5, $0.0e+00;
	vm7 =	vgt.f32 v3, $0.0e+00;
	[tilespmem:v9+s25+$0x0] =	vst.idx.add.f32.msk vm2, v7  }
0xdd: {  	v11 =	vshrl.u32 v4, $0x10;
	v8 =	vshrl.u32 v5, $0x10;
	vm4 =	vmmov vm4;
	[tilespmem:v15+s24+$0x0] =	vst.idx.add.f32.msk vm6, v1  }
0xde: {  	p0 =	por !p0, !p0;
	s1 =	simm.s32 $0x0;
	s2 =	simm.s32 $0x1;
	v9 =	vshrl.u32 v2, $0x10;
	v7 =	vshrl.u32 v3, $0x10;
	vm2 =	vmmov vm7;
	[tilespmem:v15+s25+$0x0] =	vst.idx.add.f32.msk vm6, v14  }
.LBB2_6:
0xdf: {  	s3 =	simm.s32 $0x1  }
0xe0: {  	[tilespmem:v13+s24+$0x0] =	vst.idx.add.f32.msk vm5, v1;
	s0 =	sadd.s32 $0x80, s0;
	s3 =	simm.s32 @!p0 $0x0  }
0xe1: {  	s30 =	sshrl.u32 s0, $0x1;
	s3 =	sadd.s32 s3, s0;
	[tilespmem:v13+s25+$0x0] =	vst.idx.add.f32.msk vm5, v10  }
0xe2: {  	s30 =	sand.u32 $0xF80, s30;
	s31 =	sor.u32 $0x80, s3;
	s3 =	sor.u32 $0xC0, s3;
	[tilespmem:v12+s24+$0x0] =	vst.idx.add.f32.msk vm3, v1  }
0xe3: {  	s1 =	sadd.s32 $0x4, s1;
	v10 =	vld [tilespmem:s30+$0x1000];
	s31 =	sshra.s32 s31, $0x1;
	s3 =	sshra.s32 s3, $0x1  }
0xe4: {  	p1 =	slt.u32 s1, $0xFC;
	v13 =	vld [tilespmem:s3+$0x1000]  }
0xe5: {  	v14 =	vld [tilespmem:s31+$0x1000]  }
0xe6: {  	v15 =	vld [tilespmem:s30+$0x1020]  }
0xe7: {  	[tilespmem:v12+s25+$0x0] =	vst.idx.add.f32.msk vm3, v6  }
0xe8: {  	v12 =	vunpack.i.u.bf16.f32 v10;
	v6 =	vunpack.i.l.bf16.f32 v10;
	[tilespmem:v11+s24+$0x0] =	vst.idx.add.f32.msk vm0, v1  }
0xe9: {  	vm6 =	vgt.f32 v12, $0.0e+00;
	v16 =	vunpack.i.l.bf16.f32 v13;
	[tilespmem:v11+s25+$0x0] =	vst.idx.add.f32.msk vm0, v4;
	vm0 =	vgt.f32 v6, $0.0e+00;
	v4 =	vmovc v6  }
0xea: {  	v6 =	vunpack.i.u.bf16.f32 v14;
	v10 =	vunpack.i.l.bf16.f32 v14;
	vm7 =	vgt.f32 v16, $0.0e+00;
	[tilespmem:v9+s24+$0x0] =	vst.idx.add.f32.msk vm4, v1  }
0xeb: {  	v17 =	vunpack.i.u.bf16.f32 v13;
	v18 =	vshrl.u32 v16, $0x10;
	v14 =	vunpack.i.u.bf16.f32 v15;
	[tilespmem:v9+s25+$0x0] =	vst.idx.add.f32.msk vm4, v2;
	v2 =	vmovc v12  }
0xec: {  	vm8 =	vgt.f32 v17, $0.0e+00;
	v9 =	vunpack.i.l.bf16.f32 v15;
	vm5 =	vgt.f32 v10, $0.0e+00;
	[tilespmem:v8+s24+$0x0] =	vst.idx.add.f32.msk vm1, v1  }
0xed: {  	v13 =	vshrl.u32 v10, $0x10;
	vm3 =	vgt.f32 v6, $0.0e+00;
	v15 =	vshrl.u32 v17, $0x10;
	[tilespmem:v8+s25+$0x0] =	vst.idx.add.f32.msk vm1, v5;
	v5 =	vmovc v9  }
0xee: {  	v12 =	vshrl.u32 v6, $0x10;
	vm9 =	vgt.f32 v14, $0.0e+00;
	vm1 =	vgt.f32 v5, $0.0e+00;
	[tilespmem:v7+s24+$0x0] =	vst.idx.add.f32.msk vm2, v1  }
.Ltmp2:
0xef: {  	v11 =	vshrl.u32 v4, $0x10;
	v9 =	vshrl.u32 v2, $0x10;
	v8 =	vshrl.u32 v5, $0x10;
	[tilespmem:v7+s25+$0x0] =	vst.idx.add.f32.msk vm2, v3;
	v3 =	vmovc v14;
	(pc) =	sbr.rel @p1 .LBB2_6-.Ltmp2, $4  }
0xf0: {  	vm4 =	vmmov vm6;
	vm2 =	vmmov vm9;
	v7 =	vshrl.u32 v3, $0x10;
	[tilespmem:v18+s24+$0x0] =	vst.idx.add.f32.msk vm7, v1  }
0xf1: {  	[tilespmem:v18+s25+$0x0] =	vst.idx.add.f32.msk vm7, v16  }
0xf2: {  	[tilespmem:v15+s24+$0x0] =	vst.idx.add.f32.msk vm8, v1  }
0xf3: {  	s2 =	sadd.s32 $0x1, s2;
	p0 =	por !p0, !p0;
	[tilespmem:v15+s25+$0x0] =	vst.idx.add.f32.msk vm8, v17  }
0xf4: {  	_ =	sdelay $0x4  }
0xf5: {  	[tilespmem:v13+s24+$0x0] =	vst.idx.add.f32.msk vm5, v1  }
0xf6: {  	[tilespmem:v11+s24+$0x0] =	vst.idx.add.f32.msk vm0, v1  }
0xf7: {  	[tilespmem:v8+s24+$0x0] =	vst.idx.add.f32.msk vm1, v1  }
0xf8: {  	[tilespmem:v13+s25+$0x0] =	vst.idx.add.f32.msk vm5, v10  }
0xf9: {  	[tilespmem:v11+s25+$0x0] =	vst.idx.add.f32.msk vm0, v4  }
0xfa: {  	[tilespmem:v8+s25+$0x0] =	vst.idx.add.f32.msk vm1, v5  }
0xfb: {  	[tilespmem:v12+s24+$0x0] =	vst.idx.add.f32.msk vm3, v1  }
0xfc: {  	[tilespmem:v9+s24+$0x0] =	vst.idx.add.f32.msk vm4, v1  }
0xfd: {  	[tilespmem:v7+s24+$0x0] =	vst.idx.add.f32.msk vm2, v1  }
0xfe: {  	[tilespmem:v12+s25+$0x0] =	vst.idx.add.f32.msk vm3, v6  }
0xff: {  	p0 =	por $0x0, $0x0;
	s1 =	simm.s32 $0x1;
	[tilespmem:v9+s25+$0x0] =	vst.idx.add.f32.msk vm4, v2  }
0x100: {  	s0 =	simm.s32 $0x0;
	s1 =	simm.s32 @!p0 $0x0;
	[tilespmem:v7+s25+$0x0] =	vst.idx.add.f32.msk vm2, v3  }
0x101: {  	[tilespmem:s22], [sflag:$0x2] =	stream.linear.gather [hbm4b:s6+s0], $0x1000, $0x38;
	[tilespmem:$0x12000] =	vst v63  }
0x102: {  	s1 =	sadd.s32 $0x0, s1;
	_ =	swait.ge [sflag:s23], $0x1000  }
0x103: {  	s2 =	sor.u32 $0xC0, s1;
	[sflag:s23] =	ssyncset.done $0x0  }
0x104: {  	s2 =	sshra.s32 s2, $0x1;
	[sflag:s23] =	ssyncadd.s32 $0xFFFFF000  }
0x105: {  	v2 =	vld [tilespmem:s2+$0x0]  }
0x106: {  	s1 =	sor.u32 $0x80, s1  }
0x107: {  	s31 =	simm.s32 $0x0;
	s1 =	sshra.s32 s1, $0x1  }
0x108: {  	s2 =	sand.u32 $0xF80, s31;
	v5 =	vld [tilespmem:s1+$0x0]  }
0x109: {  	v3 =	vld [tilespmem:s2+$0x0]  }
0x10a: {  	v8 =	vld [tilespmem:s2+$0x20];
	v7 =	vunpack.i.l.bf16.f32 v2  }
0x10b: {  	vm2 =	vgt.f32 v7, $0.0e+00  }
0x10c: {  	v14 =	vunpack.i.u.bf16.f32 v2;
	v9 =	vshrl.u32 v7, $0x10  }
0x10d: {  	vm6 =	vgt.f32 v14, $0.0e+00  }
0x10e: {  	v6 =	vunpack.i.u.bf16.f32 v5;
	v10 =	vunpack.i.l.bf16.f32 v5;
	v15 =	vshrl.u32 v14, $0x10  }
0x10f: {  	v2 =	vunpack.i.u.bf16.f32 v3;
	v4 =	vunpack.i.l.bf16.f32 v3;
	v3 =	vunpack.i.u.bf16.f32 v8  }
0x110: {  	v5 =	vunpack.i.l.bf16.f32 v8;
	vm5 =	vgt.f32 v10, $0.0e+00;
	v13 =	vshrl.u32 v10, $0x10  }
0x111: {  	vm3 =	vgt.f32 v6, $0.0e+00;
	v12 =	vshrl.u32 v6, $0x10;
	vm0 =	vgt.f32 v4, $0.0e+00;
	[tilespmem:v9+s24+$0x0] =	vst.idx.add.f32.msk vm2, v1  }
0x112: {  	vm4 =	vgt.f32 v2, $0.0e+00;
	vm1 =	vgt.f32 v5, $0.0e+00;
	vm7 =	vgt.f32 v3, $0.0e+00;
	[tilespmem:v9+s25+$0x0] =	vst.idx.add.f32.msk vm2, v7  }
0x113: {  	v11 =	vshrl.u32 v4, $0x10;
	v8 =	vshrl.u32 v5, $0x10;
	vm4 =	vmmov vm4;
	[tilespmem:v15+s24+$0x0] =	vst.idx.add.f32.msk vm6, v1  }
0x114: {  	p0 =	por !p0, !p0;
	s1 =	simm.s32 $0x0;
	s2 =	simm.s32 $0x1;
	v9 =	vshrl.u32 v2, $0x10;
	v7 =	vshrl.u32 v3, $0x10;
	vm2 =	vmmov vm7;
	[tilespmem:v15+s25+$0x0] =	vst.idx.add.f32.msk vm6, v14  }
.LBB2_8:
0x115: {  	s3 =	simm.s32 $0x1  }
0x116: {  	[tilespmem:v13+s24+$0x0] =	vst.idx.add.f32.msk vm5, v1;
	s0 =	sadd.s32 $0x80, s0;
	s3 =	simm.s32 @!p0 $0x0  }
0x117: {  	s30 =	sshrl.u32 s0, $0x1;
	s3 =	sadd.s32 s3, s0;
	[tilespmem:v13+s25+$0x0] =	vst.idx.add.f32.msk vm5, v10  }
0x118: {  	s30 =	sand.u32 $0xF80, s30;
	s31 =	sor.u32 $0x80, s3;
	s3 =	sor.u32 $0xC0, s3;
	[tilespmem:v12+s24+$0x0] =	vst.idx.add.f32.msk vm3, v1  }
0x119: {  	s1 =	sadd.s32 $0x4, s1;
	v10 =	vld [tilespmem:s30+$0x0];
	s31 =	sshra.s32 s31, $0x1;
	s3 =	sshra.s32 s3, $0x1  }
0x11a: {  	p1 =	slt.u32 s1, $0xFC;
	v13 =	vld [tilespmem:s3+$0x0]  }
0x11b: {  	v14 =	vld [tilespmem:s31+$0x0]  }
0x11c: {  	v15 =	vld [tilespmem:s30+$0x20]  }
0x11d: {  	[tilespmem:v12+s25+$0x0] =	vst.idx.add.f32.msk vm3, v6  }
0x11e: {  	v12 =	vunpack.i.u.bf16.f32 v10;
	v6 =	vunpack.i.l.bf16.f32 v10;
	[tilespmem:v11+s24+$0x0] =	vst.idx.add.f32.msk vm0, v1  }
0x11f: {  	vm6 =	vgt.f32 v12, $0.0e+00;
	v16 =	vunpack.i.l.bf16.f32 v13;
	[tilespmem:v11+s25+$0x0] =	vst.idx.add.f32.msk vm0, v4;
	vm0 =	vgt.f32 v6, $0.0e+00;
	v4 =	vmovc v6  }
0x120: {  	v6 =	vunpack.i.u.bf16.f32 v14;
	v10 =	vunpack.i.l.bf16.f32 v14;
	vm7 =	vgt.f32 v16, $0.0e+00;
	[tilespmem:v9+s24+$0x0] =	vst.idx.add.f32.msk vm4, v1  }
0x121: {  	v17 =	vunpack.i.u.bf16.f32 v13;
	v18 =	vshrl.u32 v16, $0x10;
	v14 =	vunpack.i.u.bf16.f32 v15;
	[tilespmem:v9+s25+$0x0] =	vst.idx.add.f32.msk vm4, v2;
	v2 =	vmovc v12  }
0x122: {  	vm8 =	vgt.f32 v17, $0.0e+00;
	v9 =	vunpack.i.l.bf16.f32 v15;
	vm5 =	vgt.f32 v10, $0.0e+00;
	[tilespmem:v8+s24+$0x0] =	vst.idx.add.f32.msk vm1, v1  }
0x123: {  	v13 =	vshrl.u32 v10, $0x10;
	vm3 =	vgt.f32 v6, $0.0e+00;
	v15 =	vshrl.u32 v17, $0x10;
	[tilespmem:v8+s25+$0x0] =	vst.idx.add.f32.msk vm1, v5;
	v5 =	vmovc v9  }
0x124: {  	v12 =	vshrl.u32 v6, $0x10;
	vm9 =	vgt.f32 v14, $0.0e+00;
	vm1 =	vgt.f32 v5, $0.0e+00;
	[tilespmem:v7+s24+$0x0] =	vst.idx.add.f32.msk vm2, v1  }
.Ltmp3:
0x125: {  	v11 =	vshrl.u32 v4, $0x10;
	v9 =	vshrl.u32 v2, $0x10;
	v8 =	vshrl.u32 v5, $0x10;
	[tilespmem:v7+s25+$0x0] =	vst.idx.add.f32.msk vm2, v3;
	v3 =	vmovc v14;
	(pc) =	sbr.rel @p1 .LBB2_8-.Ltmp3, $4  }
0x126: {  	vm4 =	vmmov vm6;
	vm2 =	vmmov vm9;
	v7 =	vshrl.u32 v3, $0x10;
	[tilespmem:v18+s24+$0x0] =	vst.idx.add.f32.msk vm7, v1  }
0x127: {  	[tilespmem:v18+s25+$0x0] =	vst.idx.add.f32.msk vm7, v16  }
0x128: {  	[tilespmem:v15+s24+$0x0] =	vst.idx.add.f32.msk vm8, v1  }
0x129: {  	s2 =	sadd.s32 $0x1, s2;
	p0 =	por !p0, !p0;
	[tilespmem:v15+s25+$0x0] =	vst.idx.add.f32.msk vm8, v17  }
0x12a: {  	_ =	sdelay $0x4  }
0x12b: {  	[tilespmem:v13+s24+$0x0] =	vst.idx.add.f32.msk vm5, v1  }
0x12c: {  	[tilespmem:v11+s24+$0x0] =	vst.idx.add.f32.msk vm0, v1  }
0x12d: {  	[tilespmem:v8+s24+$0x0] =	vst.idx.add.f32.msk vm1, v1  }
0x12e: {  	[tilespmem:v13+s25+$0x0] =	vst.idx.add.f32.msk vm5, v10  }
0x12f: {  	[tilespmem:v11+s25+$0x0] =	vst.idx.add.f32.msk vm0, v4  }
0x130: {  	[tilespmem:v8+s25+$0x0] =	vst.idx.add.f32.msk vm1, v5  }
0x131: {  	[tilespmem:v12+s24+$0x0] =	vst.idx.add.f32.msk vm3, v1  }
0x132: {  	[tilespmem:v9+s24+$0x0] =	vst.idx.add.f32.msk vm4, v1  }
0x133: {  	[tilespmem:v7+s24+$0x0] =	vst.idx.add.f32.msk vm2, v1  }
0x134: {  	[tilespmem:v12+s25+$0x0] =	vst.idx.add.f32.msk vm3, v6  }
0x135: {  	p0 =	por $0x0, $0x0;
	s1 =	simm.s32 $0x1;
	[tilespmem:v9+s25+$0x0] =	vst.idx.add.f32.msk vm4, v2  }
0x136: {  	s0 =	simm.s32 $0x0;
	s1 =	simm.s32 @!p0 $0x0;
	[tilespmem:v7+s25+$0x0] =	vst.idx.add.f32.msk vm2, v3  }
0x137: {  	[tilespmem:s0], [sflag:$0x1] =	stream.linear.gather [hbm4b:s7+s0], $0x1000, $0x38;
	[tilespmem:$0x12000] =	vst v63  }
0x138: {  	s1 =	sadd.s32 $0x0, s1;
	_ =	swait.ge [sflag:s26], $0x1000  }
0x139: {  	s2 =	sor.u32 $0xC0, s1;
	[sflag:s26] =	ssyncset.done $0x0  }
0x13a: {  	s2 =	sshra.s32 s2, $0x1;
	[sflag:s26] =	ssyncadd.s32 $0xFFFFF000  }
0x13b: {  	v2 =	vld [tilespmem:s2+$0x1000]  }
0x13c: {  	s1 =	sor.u32 $0x80, s1  }
0x13d: {  	s31 =	simm.s32 $0x0;
	s1 =	sshra.s32 s1, $0x1  }
0x13e: {  	s2 =	sand.u32 $0xF80, s31;
	v5 =	vld [tilespmem:s1+$0x1000]  }
0x13f: {  	v3 =	vld [tilespmem:s2+$0x1000]  }
0x140: {  	v8 =	vld [tilespmem:s2+$0x1020];
	v7 =	vunpack.i.l.bf16.f32 v2  }
0x141: {  	vm2 =	vgt.f32 v7, $0.0e+00  }
0x142: {  	v14 =	vunpack.i.u.bf16.f32 v2;
	v9 =	vshrl.u32 v7, $0x10  }
0x143: {  	vm6 =	vgt.f32 v14, $0.0e+00  }
0x144: {  	v6 =	vunpack.i.u.bf16.f32 v5;
	v10 =	vunpack.i.l.bf16.f32 v5;
	v15 =	vshrl.u32 v14, $0x10  }
0x145: {  	v2 =	vunpack.i.u.bf16.f32 v3;
	v4 =	vunpack.i.l.bf16.f32 v3;
	v3 =	vunpack.i.u.bf16.f32 v8  }
0x146: {  	v5 =	vunpack.i.l.bf16.f32 v8;
	vm5 =	vgt.f32 v10, $0.0e+00;
	v13 =	vshrl.u32 v10, $0x10  }
0x147: {  	vm3 =	vgt.f32 v6, $0.0e+00;
	v12 =	vshrl.u32 v6, $0x10;
	vm0 =	vgt.f32 v4, $0.0e+00;
	[tilespmem:v9+s24+$0x0] =	vst.idx.add.f32.msk vm2, v1  }
0x148: {  	vm4 =	vgt.f32 v2, $0.0e+00;
	vm1 =	vgt.f32 v5, $0.0e+00;
	vm7 =	vgt.f32 v3, $0.0e+00;
	[tilespmem:v9+s25+$0x0] =	vst.idx.add.f32.msk vm2, v7  }
0x149: {  	v11 =	vshrl.u32 v4, $0x10;
	v8 =	vshrl.u32 v5, $0x10;
	vm4 =	vmmov vm4;
	[tilespmem:v15+s24+$0x0] =	vst.idx.add.f32.msk vm6, v1  }
0x14a: {  	p0 =	por !p0, !p0;
	s1 =	simm.s32 $0x0;
	s2 =	simm.s32 $0x1;
	v9 =	vshrl.u32 v2, $0x10;
	v7 =	vshrl.u32 v3, $0x10;
	vm2 =	vmmov vm7;
	[tilespmem:v15+s25+$0x0] =	vst.idx.add.f32.msk vm6, v14  }
.LBB2_10:
0x14b: {  	s3 =	simm.s32 $0x1  }
0x14c: {  	[tilespmem:v13+s24+$0x0] =	vst.idx.add.f32.msk vm5, v1;
	s0 =	sadd.s32 $0x80, s0;
	s3 =	simm.s32 @!p0 $0x0  }
0x14d: {  	s30 =	sshrl.u32 s0, $0x1;
	s3 =	sadd.s32 s3, s0;
	[tilespmem:v13+s25+$0x0] =	vst.idx.add.f32.msk vm5, v10  }
0x14e: {  	s30 =	sand.u32 $0xF80, s30;
	s31 =	sor.u32 $0x80, s3;
	s3 =	sor.u32 $0xC0, s3;
	[tilespmem:v12+s24+$0x0] =	vst.idx.add.f32.msk vm3, v1  }
0x14f: {  	s1 =	sadd.s32 $0x4, s1;
	v10 =	vld [tilespmem:s30+$0x1000];
	s31 =	sshra.s32 s31, $0x1;
	s3 =	sshra.s32 s3, $0x1  }
0x150: {  	p1 =	slt.u32 s1, $0xFC;
	v13 =	vld [tilespmem:s3+$0x1000]  }
0x151: {  	v14 =	vld [tilespmem:s31+$0x1000]  }
0x152: {  	v15 =	vld [tilespmem:s30+$0x1020]  }
0x153: {  	[tilespmem:v12+s25+$0x0] =	vst.idx.add.f32.msk vm3, v6  }
0x154: {  	v12 =	vunpack.i.u.bf16.f32 v10;
	v6 =	vunpack.i.l.bf16.f32 v10;
	[tilespmem:v11+s24+$0x0] =	vst.idx.add.f32.msk vm0, v1  }
0x155: {  	vm6 =	vgt.f32 v12, $0.0e+00;
	v16 =	vunpack.i.l.bf16.f32 v13;
	[tilespmem:v11+s25+$0x0] =	vst.idx.add.f32.msk vm0, v4;
	vm0 =	vgt.f32 v6, $0.0e+00;
	v4 =	vmovc v6  }
0x156: {  	v6 =	vunpack.i.u.bf16.f32 v14;
	v10 =	vunpack.i.l.bf16.f32 v14;
	vm7 =	vgt.f32 v16, $0.0e+00;
	[tilespmem:v9+s24+$0x0] =	vst.idx.add.f32.msk vm4, v1  }
0x157: {  	v17 =	vunpack.i.u.bf16.f32 v13;
	v18 =	vshrl.u32 v16, $0x10;
	v14 =	vunpack.i.u.bf16.f32 v15;
	[tilespmem:v9+s25+$0x0] =	vst.idx.add.f32.msk vm4, v2;
	v2 =	vmovc v12  }
0x158: {  	vm8 =	vgt.f32 v17, $0.0e+00;
	v9 =	vunpack.i.l.bf16.f32 v15;
	vm5 =	vgt.f32 v10, $0.0e+00;
	[tilespmem:v8+s24+$0x0] =	vst.idx.add.f32.msk vm1, v1  }
0x159: {  	v13 =	vshrl.u32 v10, $0x10;
	vm3 =	vgt.f32 v6, $0.0e+00;
	v15 =	vshrl.u32 v17, $0x10;
	[tilespmem:v8+s25+$0x0] =	vst.idx.add.f32.msk vm1, v5;
	v5 =	vmovc v9  }
0x15a: {  	v12 =	vshrl.u32 v6, $0x10;
	vm9 =	vgt.f32 v14, $0.0e+00;
	vm1 =	vgt.f32 v5, $0.0e+00;
	[tilespmem:v7+s24+$0x0] =	vst.idx.add.f32.msk vm2, v1  }
.Ltmp4:
0x15b: {  	v11 =	vshrl.u32 v4, $0x10;
	v9 =	vshrl.u32 v2, $0x10;
	v8 =	vshrl.u32 v5, $0x10;
	[tilespmem:v7+s25+$0x0] =	vst.idx.add.f32.msk vm2, v3;
	v3 =	vmovc v14;
	(pc) =	sbr.rel @p1 .LBB2_10-.Ltmp4, $4  }
0x15c: {  	vm4 =	vmmov vm6;
	vm2 =	vmmov vm9;
	v7 =	vshrl.u32 v3, $0x10;
	[tilespmem:v18+s24+$0x0] =	vst.idx.add.f32.msk vm7, v1  }
0x15d: {  	[tilespmem:v18+s25+$0x0] =	vst.idx.add.f32.msk vm7, v16  }
0x15e: {  	[tilespmem:v15+s24+$0x0] =	vst.idx.add.f32.msk vm8, v1  }
0x15f: {  	s2 =	sadd.s32 $0x1, s2;
	p0 =	por !p0, !p0;
	[tilespmem:v15+s25+$0x0] =	vst.idx.add.f32.msk vm8, v17  }
0x160: {  	_ =	sdelay $0x4  }
0x161: {  	[tilespmem:v13+s24+$0x0] =	vst.idx.add.f32.msk vm5, v1  }
0x162: {  	[tilespmem:v11+s24+$0x0] =	vst.idx.add.f32.msk vm0, v1  }
0x163: {  	[tilespmem:v8+s24+$0x0] =	vst.idx.add.f32.msk vm1, v1  }
0x164: {  	[tilespmem:v13+s25+$0x0] =	vst.idx.add.f32.msk vm5, v10  }
0x165: {  	[tilespmem:v11+s25+$0x0] =	vst.idx.add.f32.msk vm0, v4  }
0x166: {  	[tilespmem:v8+s25+$0x0] =	vst.idx.add.f32.msk vm1, v5  }
0x167: {  	[tilespmem:v12+s24+$0x0] =	vst.idx.add.f32.msk vm3, v1  }
0x168: {  	[tilespmem:v9+s24+$0x0] =	vst.idx.add.f32.msk vm4, v1  }
0x169: {  	[tilespmem:v7+s24+$0x0] =	vst.idx.add.f32.msk vm2, v1  }
0x16a: {  	[tilespmem:v12+s25+$0x0] =	vst.idx.add.f32.msk vm3, v6  }
0x16b: {  	p0 =	por $0x0, $0x0;
	s1 =	simm.s32 $0x1;
	[tilespmem:v9+s25+$0x0] =	vst.idx.add.f32.msk vm4, v2  }
0x16c: {  	s0 =	simm.s32 $0x0;
	s1 =	simm.s32 @!p0 $0x0;
	[tilespmem:v7+s25+$0x0] =	vst.idx.add.f32.msk vm2, v3  }
0x16d: {  	[tilespmem:s22], [sflag:$0x2] =	stream.linear.gather [hbm4b:s8+s0], $0x1000, $0x38;
	[tilespmem:$0x12000] =	vst v63  }
0x16e: {  	s1 =	sadd.s32 $0x0, s1;
	_ =	swait.ge [sflag:s23], $0x1000  }
0x16f: {  	s2 =	sor.u32 $0xC0, s1;
	[sflag:s23] =	ssyncset.done $0x0  }
0x170: {  	s2 =	sshra.s32 s2, $0x1;
	[sflag:s23] =	ssyncadd.s32 $0xFFFFF000  }
0x171: {  	v2 =	vld [tilespmem:s2+$0x0]  }
0x172: {  	s1 =	sor.u32 $0x80, s1  }
0x173: {  	s31 =	simm.s32 $0x0;
	s1 =	sshra.s32 s1, $0x1  }
0x174: {  	s2 =	sand.u32 $0xF80, s31;
	v5 =	vld [tilespmem:s1+$0x0]  }
0x175: {  	v3 =	vld [tilespmem:s2+$0x0]  }
0x176: {  	v8 =	vld [tilespmem:s2+$0x20];
	v7 =	vunpack.i.l.bf16.f32 v2  }
0x177: {  	vm2 =	vgt.f32 v7, $0.0e+00  }
0x178: {  	v14 =	vunpack.i.u.bf16.f32 v2;
	v9 =	vshrl.u32 v7, $0x10  }
0x179: {  	vm6 =	vgt.f32 v14, $0.0e+00  }
0x17a: {  	v6 =	vunpack.i.u.bf16.f32 v5;
	v10 =	vunpack.i.l.bf16.f32 v5;
	v15 =	vshrl.u32 v14, $0x10  }
0x17b: {  	v2 =	vunpack.i.u.bf16.f32 v3;
	v4 =	vunpack.i.l.bf16.f32 v3;
	v3 =	vunpack.i.u.bf16.f32 v8  }
0x17c: {  	v5 =	vunpack.i.l.bf16.f32 v8;
	vm5 =	vgt.f32 v10, $0.0e+00;
	v13 =	vshrl.u32 v10, $0x10  }
0x17d: {  	vm3 =	vgt.f32 v6, $0.0e+00;
	v12 =	vshrl.u32 v6, $0x10;
	vm0 =	vgt.f32 v4, $0.0e+00;
	[tilespmem:v9+s24+$0x0] =	vst.idx.add.f32.msk vm2, v1  }
0x17e: {  	vm4 =	vgt.f32 v2, $0.0e+00;
	vm1 =	vgt.f32 v5, $0.0e+00;
	vm7 =	vgt.f32 v3, $0.0e+00;
	[tilespmem:v9+s25+$0x0] =	vst.idx.add.f32.msk vm2, v7  }
0x17f: {  	v11 =	vshrl.u32 v4, $0x10;
	v8 =	vshrl.u32 v5, $0x10;
	vm4 =	vmmov vm4;
	[tilespmem:v15+s24+$0x0] =	vst.idx.add.f32.msk vm6, v1  }
0x180: {  	p0 =	por !p0, !p0;
	s1 =	simm.s32 $0x0;
	s2 =	simm.s32 $0x1;
	v9 =	vshrl.u32 v2, $0x10;
	v7 =	vshrl.u32 v3, $0x10;
	vm2 =	vmmov vm7;
	[tilespmem:v15+s25+$0x0] =	vst.idx.add.f32.msk vm6, v14  }
.LBB2_12:
0x181: {  	s3 =	simm.s32 $0x1  }
0x182: {  	[tilespmem:v13+s24+$0x0] =	vst.idx.add.f32.msk vm5, v1;
	s0 =	sadd.s32 $0x80, s0;
	s3 =	simm.s32 @!p0 $0x0  }
0x183: {  	s30 =	sshrl.u32 s0, $0x1;
	s3 =	sadd.s32 s3, s0;
	[tilespmem:v13+s25+$0x0] =	vst.idx.add.f32.msk vm5, v10  }
0x184: {  	s30 =	sand.u32 $0xF80, s30;
	s31 =	sor.u32 $0x80, s3;
	s3 =	sor.u32 $0xC0, s3;
	[tilespmem:v12+s24+$0x0] =	vst.idx.add.f32.msk vm3, v1  }
0x185: {  	s1 =	sadd.s32 $0x4, s1;
	v10 =	vld [tilespmem:s30+$0x0];
	s31 =	sshra.s32 s31, $0x1;
	s3 =	sshra.s32 s3, $0x1  }
0x186: {  	p1 =	slt.u32 s1, $0xFC;
	v13 =	vld [tilespmem:s3+$0x0]  }
0x187: {  	v14 =	vld [tilespmem:s31+$0x0]  }
0x188: {  	v15 =	vld [tilespmem:s30+$0x20]  }
0x189: {  	[tilespmem:v12+s25+$0x0] =	vst.idx.add.f32.msk vm3, v6  }
0x18a: {  	v12 =	vunpack.i.u.bf16.f32 v10;
	v6 =	vunpack.i.l.bf16.f32 v10;
	[tilespmem:v11+s24+$0x0] =	vst.idx.add.f32.msk vm0, v1  }
0x18b: {  	vm6 =	vgt.f32 v12, $0.0e+00;
	v16 =	vunpack.i.l.bf16.f32 v13;
	[tilespmem:v11+s25+$0x0] =	vst.idx.add.f32.msk vm0, v4;
	vm0 =	vgt.f32 v6, $0.0e+00;
	v4 =	vmovc v6  }
0x18c: {  	v6 =	vunpack.i.u.bf16.f32 v14;
	v10 =	vunpack.i.l.bf16.f32 v14;
	vm7 =	vgt.f32 v16, $0.0e+00;
	[tilespmem:v9+s24+$0x0] =	vst.idx.add.f32.msk vm4, v1  }
0x18d: {  	v17 =	vunpack.i.u.bf16.f32 v13;
	v18 =	vshrl.u32 v16, $0x10;
	v14 =	vunpack.i.u.bf16.f32 v15;
	[tilespmem:v9+s25+$0x0] =	vst.idx.add.f32.msk vm4, v2;
	v2 =	vmovc v12  }
0x18e: {  	vm8 =	vgt.f32 v17, $0.0e+00;
	v9 =	vunpack.i.l.bf16.f32 v15;
	vm5 =	vgt.f32 v10, $0.0e+00;
	[tilespmem:v8+s24+$0x0] =	vst.idx.add.f32.msk vm1, v1  }
0x18f: {  	v13 =	vshrl.u32 v10, $0x10;
	vm3 =	vgt.f32 v6, $0.0e+00;
	v15 =	vshrl.u32 v17, $0x10;
	[tilespmem:v8+s25+$0x0] =	vst.idx.add.f32.msk vm1, v5;
	v5 =	vmovc v9  }
0x190: {  	v12 =	vshrl.u32 v6, $0x10;
	vm9 =	vgt.f32 v14, $0.0e+00;
	vm1 =	vgt.f32 v5, $0.0e+00;
	[tilespmem:v7+s24+$0x0] =	vst.idx.add.f32.msk vm2, v1  }
.Ltmp5:
0x191: {  	v11 =	vshrl.u32 v4, $0x10;
	v9 =	vshrl.u32 v2, $0x10;
	v8 =	vshrl.u32 v5, $0x10;
	[tilespmem:v7+s25+$0x0] =	vst.idx.add.f32.msk vm2, v3;
	v3 =	vmovc v14;
	(pc) =	sbr.rel @p1 .LBB2_12-.Ltmp5, $4  }
0x192: {  	vm4 =	vmmov vm6;
	vm2 =	vmmov vm9;
	v7 =	vshrl.u32 v3, $0x10;
	[tilespmem:v18+s24+$0x0] =	vst.idx.add.f32.msk vm7, v1  }
0x193: {  	[tilespmem:v18+s25+$0x0] =	vst.idx.add.f32.msk vm7, v16  }
0x194: {  	[tilespmem:v15+s24+$0x0] =	vst.idx.add.f32.msk vm8, v1  }
0x195: {  	s2 =	sadd.s32 $0x1, s2;
	p0 =	por !p0, !p0;
	[tilespmem:v15+s25+$0x0] =	vst.idx.add.f32.msk vm8, v17  }
0x196: {  	_ =	sdelay $0x4  }
0x197: {  	[tilespmem:v13+s24+$0x0] =	vst.idx.add.f32.msk vm5, v1  }
0x198: {  	[tilespmem:v11+s24+$0x0] =	vst.idx.add.f32.msk vm0, v1  }
0x199: {  	[tilespmem:v8+s24+$0x0] =	vst.idx.add.f32.msk vm1, v1  }
0x19a: {  	[tilespmem:v13+s25+$0x0] =	vst.idx.add.f32.msk vm5, v10  }
0x19b: {  	[tilespmem:v11+s25+$0x0] =	vst.idx.add.f32.msk vm0, v4  }
0x19c: {  	[tilespmem:v8+s25+$0x0] =	vst.idx.add.f32.msk vm1, v5  }
0x19d: {  	[tilespmem:v12+s24+$0x0] =	vst.idx.add.f32.msk vm3, v1  }
0x19e: {  	[tilespmem:v9+s24+$0x0] =	vst.idx.add.f32.msk vm4, v1  }
0x19f: {  	[tilespmem:v7+s24+$0x0] =	vst.idx.add.f32.msk vm2, v1  }
0x1a0: {  	[tilespmem:v12+s25+$0x0] =	vst.idx.add.f32.msk vm3, v6  }
0x1a1: {  	p0 =	por $0x0, $0x0;
	s1 =	simm.s32 $0x1;
	[tilespmem:v9+s25+$0x0] =	vst.idx.add.f32.msk vm4, v2  }
0x1a2: {  	s0 =	simm.s32 $0x0;
	s1 =	simm.s32 @!p0 $0x0;
	[tilespmem:v7+s25+$0x0] =	vst.idx.add.f32.msk vm2, v3  }
0x1a3: {  	[tilespmem:s0], [sflag:$0x1] =	stream.linear.gather [hbm4b:s9+s0], $0x1000, $0x38;
	[tilespmem:$0x12000] =	vst v63  }
0x1a4: {  	s1 =	sadd.s32 $0x0, s1;
	_ =	swait.ge [sflag:s26], $0x1000  }
0x1a5: {  	s2 =	sor.u32 $0xC0, s1;
	[sflag:s26] =	ssyncset.done $0x0  }
0x1a6: {  	s2 =	sshra.s32 s2, $0x1;
	[sflag:s26] =	ssyncadd.s32 $0xFFFFF000  }
0x1a7: {  	v2 =	vld [tilespmem:s2+$0x1000]  }
0x1a8: {  	s1 =	sor.u32 $0x80, s1  }
0x1a9: {  	s31 =	simm.s32 $0x0;
	s1 =	sshra.s32 s1, $0x1  }
0x1aa: {  	s2 =	sand.u32 $0xF80, s31;
	v5 =	vld [tilespmem:s1+$0x1000]  }
0x1ab: {  	v3 =	vld [tilespmem:s2+$0x1000]  }
0x1ac: {  	v8 =	vld [tilespmem:s2+$0x1020];
	v7 =	vunpack.i.l.bf16.f32 v2  }
0x1ad: {  	vm2 =	vgt.f32 v7, $0.0e+00  }
0x1ae: {  	v14 =	vunpack.i.u.bf16.f32 v2;
	v9 =	vshrl.u32 v7, $0x10  }
0x1af: {  	vm6 =	vgt.f32 v14, $0.0e+00  }
0x1b0: {  	v6 =	vunpack.i.u.bf16.f32 v5;
	v10 =	vunpack.i.l.bf16.f32 v5;
	v15 =	vshrl.u32 v14, $0x10  }
0x1b1: {  	v2 =	vunpack.i.u.bf16.f32 v3;
	v4 =	vunpack.i.l.bf16.f32 v3;
	v3 =	vunpack.i.u.bf16.f32 v8  }
0x1b2: {  	v5 =	vunpack.i.l.bf16.f32 v8;
	vm5 =	vgt.f32 v10, $0.0e+00;
	v13 =	vshrl.u32 v10, $0x10  }
0x1b3: {  	vm3 =	vgt.f32 v6, $0.0e+00;
	v12 =	vshrl.u32 v6, $0x10;
	vm0 =	vgt.f32 v4, $0.0e+00;
	[tilespmem:v9+s24+$0x0] =	vst.idx.add.f32.msk vm2, v1  }
0x1b4: {  	vm4 =	vgt.f32 v2, $0.0e+00;
	vm1 =	vgt.f32 v5, $0.0e+00;
	vm7 =	vgt.f32 v3, $0.0e+00;
	[tilespmem:v9+s25+$0x0] =	vst.idx.add.f32.msk vm2, v7  }
0x1b5: {  	v11 =	vshrl.u32 v4, $0x10;
	v8 =	vshrl.u32 v5, $0x10;
	vm4 =	vmmov vm4;
	[tilespmem:v15+s24+$0x0] =	vst.idx.add.f32.msk vm6, v1  }
0x1b6: {  	p0 =	por !p0, !p0;
	s1 =	simm.s32 $0x0;
	s2 =	simm.s32 $0x1;
	v9 =	vshrl.u32 v2, $0x10;
	v7 =	vshrl.u32 v3, $0x10;
	vm2 =	vmmov vm7;
	[tilespmem:v15+s25+$0x0] =	vst.idx.add.f32.msk vm6, v14  }
.LBB2_14:
0x1b7: {  	s3 =	simm.s32 $0x1  }
0x1b8: {  	[tilespmem:v13+s24+$0x0] =	vst.idx.add.f32.msk vm5, v1;
	s0 =	sadd.s32 $0x80, s0;
	s3 =	simm.s32 @!p0 $0x0  }
0x1b9: {  	s30 =	sshrl.u32 s0, $0x1;
	s3 =	sadd.s32 s3, s0;
	[tilespmem:v13+s25+$0x0] =	vst.idx.add.f32.msk vm5, v10  }
0x1ba: {  	s30 =	sand.u32 $0xF80, s30;
	s31 =	sor.u32 $0x80, s3;
	s3 =	sor.u32 $0xC0, s3;
	[tilespmem:v12+s24+$0x0] =	vst.idx.add.f32.msk vm3, v1  }
0x1bb: {  	s1 =	sadd.s32 $0x4, s1;
	v10 =	vld [tilespmem:s30+$0x1000];
	s31 =	sshra.s32 s31, $0x1;
	s3 =	sshra.s32 s3, $0x1  }
0x1bc: {  	p1 =	slt.u32 s1, $0xFC;
	v13 =	vld [tilespmem:s3+$0x1000]  }
0x1bd: {  	v14 =	vld [tilespmem:s31+$0x1000]  }
0x1be: {  	v15 =	vld [tilespmem:s30+$0x1020]  }
0x1bf: {  	[tilespmem:v12+s25+$0x0] =	vst.idx.add.f32.msk vm3, v6  }
0x1c0: {  	v12 =	vunpack.i.u.bf16.f32 v10;
	v6 =	vunpack.i.l.bf16.f32 v10;
	[tilespmem:v11+s24+$0x0] =	vst.idx.add.f32.msk vm0, v1  }
0x1c1: {  	vm6 =	vgt.f32 v12, $0.0e+00;
	v16 =	vunpack.i.l.bf16.f32 v13;
	[tilespmem:v11+s25+$0x0] =	vst.idx.add.f32.msk vm0, v4;
	vm0 =	vgt.f32 v6, $0.0e+00;
	v4 =	vmovc v6  }
0x1c2: {  	v6 =	vunpack.i.u.bf16.f32 v14;
	v10 =	vunpack.i.l.bf16.f32 v14;
	vm7 =	vgt.f32 v16, $0.0e+00;
	[tilespmem:v9+s24+$0x0] =	vst.idx.add.f32.msk vm4, v1  }
0x1c3: {  	v17 =	vunpack.i.u.bf16.f32 v13;
	v18 =	vshrl.u32 v16, $0x10;
	v14 =	vunpack.i.u.bf16.f32 v15;
	[tilespmem:v9+s25+$0x0] =	vst.idx.add.f32.msk vm4, v2;
	v2 =	vmovc v12  }
0x1c4: {  	vm8 =	vgt.f32 v17, $0.0e+00;
	v9 =	vunpack.i.l.bf16.f32 v15;
	vm5 =	vgt.f32 v10, $0.0e+00;
	[tilespmem:v8+s24+$0x0] =	vst.idx.add.f32.msk vm1, v1  }
0x1c5: {  	v13 =	vshrl.u32 v10, $0x10;
	vm3 =	vgt.f32 v6, $0.0e+00;
	v15 =	vshrl.u32 v17, $0x10;
	[tilespmem:v8+s25+$0x0] =	vst.idx.add.f32.msk vm1, v5;
	v5 =	vmovc v9  }
0x1c6: {  	v12 =	vshrl.u32 v6, $0x10;
	vm9 =	vgt.f32 v14, $0.0e+00;
	vm1 =	vgt.f32 v5, $0.0e+00;
	[tilespmem:v7+s24+$0x0] =	vst.idx.add.f32.msk vm2, v1  }
.Ltmp6:
0x1c7: {  	v11 =	vshrl.u32 v4, $0x10;
	v9 =	vshrl.u32 v2, $0x10;
	v8 =	vshrl.u32 v5, $0x10;
	[tilespmem:v7+s25+$0x0] =	vst.idx.add.f32.msk vm2, v3;
	v3 =	vmovc v14;
	(pc) =	sbr.rel @p1 .LBB2_14-.Ltmp6, $4  }
0x1c8: {  	vm4 =	vmmov vm6;
	vm2 =	vmmov vm9;
	v7 =	vshrl.u32 v3, $0x10;
	[tilespmem:v18+s24+$0x0] =	vst.idx.add.f32.msk vm7, v1  }
0x1c9: {  	[tilespmem:v18+s25+$0x0] =	vst.idx.add.f32.msk vm7, v16  }
0x1ca: {  	[tilespmem:v15+s24+$0x0] =	vst.idx.add.f32.msk vm8, v1  }
0x1cb: {  	s2 =	sadd.s32 $0x1, s2;
	p0 =	por !p0, !p0;
	[tilespmem:v15+s25+$0x0] =	vst.idx.add.f32.msk vm8, v17  }
0x1cc: {  	_ =	sdelay $0x4  }
0x1cd: {  	[tilespmem:v13+s24+$0x0] =	vst.idx.add.f32.msk vm5, v1  }
0x1ce: {  	[tilespmem:v11+s24+$0x0] =	vst.idx.add.f32.msk vm0, v1  }
0x1cf: {  	[tilespmem:v8+s24+$0x0] =	vst.idx.add.f32.msk vm1, v1  }
0x1d0: {  	[tilespmem:v13+s25+$0x0] =	vst.idx.add.f32.msk vm5, v10  }
0x1d1: {  	[tilespmem:v11+s25+$0x0] =	vst.idx.add.f32.msk vm0, v4  }
0x1d2: {  	[tilespmem:v8+s25+$0x0] =	vst.idx.add.f32.msk vm1, v5  }
0x1d3: {  	[tilespmem:v12+s24+$0x0] =	vst.idx.add.f32.msk vm3, v1  }
0x1d4: {  	[tilespmem:v9+s24+$0x0] =	vst.idx.add.f32.msk vm4, v1  }
0x1d5: {  	[tilespmem:v7+s24+$0x0] =	vst.idx.add.f32.msk vm2, v1  }
0x1d6: {  	[tilespmem:v12+s25+$0x0] =	vst.idx.add.f32.msk vm3, v6  }
0x1d7: {  	p0 =	por $0x0, $0x0;
	s1 =	simm.s32 $0x1;
	[tilespmem:v9+s25+$0x0] =	vst.idx.add.f32.msk vm4, v2  }
0x1d8: {  	s0 =	simm.s32 $0x0;
	s1 =	simm.s32 @!p0 $0x0;
	[tilespmem:v7+s25+$0x0] =	vst.idx.add.f32.msk vm2, v3  }
0x1d9: {  	[tilespmem:s22], [sflag:$0x2] =	stream.linear.gather [hbm4b:s10+s0], $0x1000, $0x38;
	[tilespmem:$0x12000] =	vst v63  }
0x1da: {  	s1 =	sadd.s32 $0x0, s1;
	_ =	swait.ge [sflag:s23], $0x1000  }
0x1db: {  	s2 =	sor.u32 $0xC0, s1;
	[sflag:s23] =	ssyncset.done $0x0  }
0x1dc: {  	s2 =	sshra.s32 s2, $0x1;
	[sflag:s23] =	ssyncadd.s32 $0xFFFFF000  }
0x1dd: {  	v2 =	vld [tilespmem:s2+$0x0]  }
0x1de: {  	s1 =	sor.u32 $0x80, s1  }
0x1df: {  	s31 =	simm.s32 $0x0;
	s1 =	sshra.s32 s1, $0x1  }
0x1e0: {  	s2 =	sand.u32 $0xF80, s31;
	v5 =	vld [tilespmem:s1+$0x0]  }
0x1e1: {  	v3 =	vld [tilespmem:s2+$0x0]  }
0x1e2: {  	v8 =	vld [tilespmem:s2+$0x20];
	v7 =	vunpack.i.l.bf16.f32 v2  }
0x1e3: {  	vm2 =	vgt.f32 v7, $0.0e+00  }
0x1e4: {  	v14 =	vunpack.i.u.bf16.f32 v2;
	v9 =	vshrl.u32 v7, $0x10  }
0x1e5: {  	vm6 =	vgt.f32 v14, $0.0e+00  }
0x1e6: {  	v6 =	vunpack.i.u.bf16.f32 v5;
	v10 =	vunpack.i.l.bf16.f32 v5;
	v15 =	vshrl.u32 v14, $0x10  }
0x1e7: {  	v2 =	vunpack.i.u.bf16.f32 v3;
	v4 =	vunpack.i.l.bf16.f32 v3;
	v3 =	vunpack.i.u.bf16.f32 v8  }
0x1e8: {  	v5 =	vunpack.i.l.bf16.f32 v8;
	vm5 =	vgt.f32 v10, $0.0e+00;
	v13 =	vshrl.u32 v10, $0x10  }
0x1e9: {  	vm3 =	vgt.f32 v6, $0.0e+00;
	v12 =	vshrl.u32 v6, $0x10;
	vm0 =	vgt.f32 v4, $0.0e+00;
	[tilespmem:v9+s24+$0x0] =	vst.idx.add.f32.msk vm2, v1  }
0x1ea: {  	vm4 =	vgt.f32 v2, $0.0e+00;
	vm1 =	vgt.f32 v5, $0.0e+00;
	vm7 =	vgt.f32 v3, $0.0e+00;
	[tilespmem:v9+s25+$0x0] =	vst.idx.add.f32.msk vm2, v7  }
0x1eb: {  	v11 =	vshrl.u32 v4, $0x10;
	v8 =	vshrl.u32 v5, $0x10;
	vm4 =	vmmov vm4;
	[tilespmem:v15+s24+$0x0] =	vst.idx.add.f32.msk vm6, v1  }
0x1ec: {  	p0 =	por !p0, !p0;
	s1 =	simm.s32 $0x0;
	s2 =	simm.s32 $0x1;
	v9 =	vshrl.u32 v2, $0x10;
	v7 =	vshrl.u32 v3, $0x10;
	vm2 =	vmmov vm7;
	[tilespmem:v15+s25+$0x0] =	vst.idx.add.f32.msk vm6, v14  }
.LBB2_16:
0x1ed: {  	s3 =	simm.s32 $0x1  }
0x1ee: {  	[tilespmem:v13+s24+$0x0] =	vst.idx.add.f32.msk vm5, v1;
	s0 =	sadd.s32 $0x80, s0;
	s3 =	simm.s32 @!p0 $0x0  }
0x1ef: {  	s30 =	sshrl.u32 s0, $0x1;
	s3 =	sadd.s32 s3, s0;
	[tilespmem:v13+s25+$0x0] =	vst.idx.add.f32.msk vm5, v10  }
0x1f0: {  	s30 =	sand.u32 $0xF80, s30;
	s31 =	sor.u32 $0x80, s3;
	s3 =	sor.u32 $0xC0, s3;
	[tilespmem:v12+s24+$0x0] =	vst.idx.add.f32.msk vm3, v1  }
0x1f1: {  	s1 =	sadd.s32 $0x4, s1;
	v10 =	vld [tilespmem:s30+$0x0];
	s31 =	sshra.s32 s31, $0x1;
	s3 =	sshra.s32 s3, $0x1  }
0x1f2: {  	p1 =	slt.u32 s1, $0xFC;
	v13 =	vld [tilespmem:s3+$0x0]  }
0x1f3: {  	v14 =	vld [tilespmem:s31+$0x0]  }
0x1f4: {  	v15 =	vld [tilespmem:s30+$0x20]  }
0x1f5: {  	[tilespmem:v12+s25+$0x0] =	vst.idx.add.f32.msk vm3, v6  }
0x1f6: {  	v12 =	vunpack.i.u.bf16.f32 v10;
	v6 =	vunpack.i.l.bf16.f32 v10;
	[tilespmem:v11+s24+$0x0] =	vst.idx.add.f32.msk vm0, v1  }
0x1f7: {  	vm6 =	vgt.f32 v12, $0.0e+00;
	v16 =	vunpack.i.l.bf16.f32 v13;
	[tilespmem:v11+s25+$0x0] =	vst.idx.add.f32.msk vm0, v4;
	vm0 =	vgt.f32 v6, $0.0e+00;
	v4 =	vmovc v6  }
0x1f8: {  	v6 =	vunpack.i.u.bf16.f32 v14;
	v10 =	vunpack.i.l.bf16.f32 v14;
	vm7 =	vgt.f32 v16, $0.0e+00;
	[tilespmem:v9+s24+$0x0] =	vst.idx.add.f32.msk vm4, v1  }
0x1f9: {  	v17 =	vunpack.i.u.bf16.f32 v13;
	v18 =	vshrl.u32 v16, $0x10;
	v14 =	vunpack.i.u.bf16.f32 v15;
	[tilespmem:v9+s25+$0x0] =	vst.idx.add.f32.msk vm4, v2;
	v2 =	vmovc v12  }
0x1fa: {  	vm8 =	vgt.f32 v17, $0.0e+00;
	v9 =	vunpack.i.l.bf16.f32 v15;
	vm5 =	vgt.f32 v10, $0.0e+00;
	[tilespmem:v8+s24+$0x0] =	vst.idx.add.f32.msk vm1, v1  }
0x1fb: {  	v13 =	vshrl.u32 v10, $0x10;
	vm3 =	vgt.f32 v6, $0.0e+00;
	v15 =	vshrl.u32 v17, $0x10;
	[tilespmem:v8+s25+$0x0] =	vst.idx.add.f32.msk vm1, v5;
	v5 =	vmovc v9  }
0x1fc: {  	v12 =	vshrl.u32 v6, $0x10;
	vm9 =	vgt.f32 v14, $0.0e+00;
	vm1 =	vgt.f32 v5, $0.0e+00;
	[tilespmem:v7+s24+$0x0] =	vst.idx.add.f32.msk vm2, v1  }
.Ltmp7:
0x1fd: {  	v11 =	vshrl.u32 v4, $0x10;
	v9 =	vshrl.u32 v2, $0x10;
	v8 =	vshrl.u32 v5, $0x10;
	[tilespmem:v7+s25+$0x0] =	vst.idx.add.f32.msk vm2, v3;
	v3 =	vmovc v14;
	(pc) =	sbr.rel @p1 .LBB2_16-.Ltmp7, $4  }
0x1fe: {  	vm4 =	vmmov vm6;
	vm2 =	vmmov vm9;
	v7 =	vshrl.u32 v3, $0x10;
	[tilespmem:v18+s24+$0x0] =	vst.idx.add.f32.msk vm7, v1  }
0x1ff: {  	[tilespmem:v18+s25+$0x0] =	vst.idx.add.f32.msk vm7, v16  }
0x200: {  	[tilespmem:v15+s24+$0x0] =	vst.idx.add.f32.msk vm8, v1  }
0x201: {  	s2 =	sadd.s32 $0x1, s2;
	p0 =	por !p0, !p0;
	[tilespmem:v15+s25+$0x0] =	vst.idx.add.f32.msk vm8, v17  }
0x202: {  	_ =	sdelay $0x4  }
0x203: {  	[tilespmem:v13+s24+$0x0] =	vst.idx.add.f32.msk vm5, v1  }
0x204: {  	[tilespmem:v11+s24+$0x0] =	vst.idx.add.f32.msk vm0, v1  }
0x205: {  	[tilespmem:v8+s24+$0x0] =	vst.idx.add.f32.msk vm1, v1  }
0x206: {  	[tilespmem:v13+s25+$0x0] =	vst.idx.add.f32.msk vm5, v10  }
0x207: {  	[tilespmem:v11+s25+$0x0] =	vst.idx.add.f32.msk vm0, v4  }
0x208: {  	[tilespmem:v8+s25+$0x0] =	vst.idx.add.f32.msk vm1, v5  }
0x209: {  	[tilespmem:v12+s24+$0x0] =	vst.idx.add.f32.msk vm3, v1  }
0x20a: {  	[tilespmem:v9+s24+$0x0] =	vst.idx.add.f32.msk vm4, v1  }
0x20b: {  	[tilespmem:v7+s24+$0x0] =	vst.idx.add.f32.msk vm2, v1  }
0x20c: {  	[tilespmem:v12+s25+$0x0] =	vst.idx.add.f32.msk vm3, v6  }
0x20d: {  	p0 =	por $0x0, $0x0;
	s1 =	simm.s32 $0x1;
	[tilespmem:v9+s25+$0x0] =	vst.idx.add.f32.msk vm4, v2  }
0x20e: {  	s0 =	simm.s32 $0x0;
	s1 =	simm.s32 @!p0 $0x0;
	[tilespmem:v7+s25+$0x0] =	vst.idx.add.f32.msk vm2, v3  }
0x20f: {  	[tilespmem:s0], [sflag:$0x1] =	stream.linear.gather [hbm4b:s11+s0], $0x1000, $0x38;
	[tilespmem:$0x12000] =	vst v63  }
0x210: {  	s1 =	sadd.s32 $0x0, s1;
	_ =	swait.ge [sflag:s26], $0x1000  }
0x211: {  	s2 =	sor.u32 $0xC0, s1;
	[sflag:s26] =	ssyncset.done $0x0  }
0x212: {  	s2 =	sshra.s32 s2, $0x1;
	[sflag:s26] =	ssyncadd.s32 $0xFFFFF000  }
0x213: {  	v2 =	vld [tilespmem:s2+$0x1000]  }
0x214: {  	s1 =	sor.u32 $0x80, s1  }
0x215: {  	s31 =	simm.s32 $0x0;
	s1 =	sshra.s32 s1, $0x1  }
0x216: {  	s2 =	sand.u32 $0xF80, s31;
	v5 =	vld [tilespmem:s1+$0x1000]  }
0x217: {  	v3 =	vld [tilespmem:s2+$0x1000]  }
0x218: {  	v8 =	vld [tilespmem:s2+$0x1020];
	v7 =	vunpack.i.l.bf16.f32 v2  }
0x219: {  	vm2 =	vgt.f32 v7, $0.0e+00  }
0x21a: {  	v14 =	vunpack.i.u.bf16.f32 v2;
	v9 =	vshrl.u32 v7, $0x10  }
0x21b: {  	vm6 =	vgt.f32 v14, $0.0e+00  }
0x21c: {  	v6 =	vunpack.i.u.bf16.f32 v5;
	v10 =	vunpack.i.l.bf16.f32 v5;
	v15 =	vshrl.u32 v14, $0x10  }
0x21d: {  	v2 =	vunpack.i.u.bf16.f32 v3;
	v4 =	vunpack.i.l.bf16.f32 v3;
	v3 =	vunpack.i.u.bf16.f32 v8  }
0x21e: {  	v5 =	vunpack.i.l.bf16.f32 v8;
	vm5 =	vgt.f32 v10, $0.0e+00;
	v13 =	vshrl.u32 v10, $0x10  }
0x21f: {  	vm3 =	vgt.f32 v6, $0.0e+00;
	v12 =	vshrl.u32 v6, $0x10;
	vm0 =	vgt.f32 v4, $0.0e+00;
	[tilespmem:v9+s24+$0x0] =	vst.idx.add.f32.msk vm2, v1  }
0x220: {  	vm4 =	vgt.f32 v2, $0.0e+00;
	vm1 =	vgt.f32 v5, $0.0e+00;
	vm7 =	vgt.f32 v3, $0.0e+00;
	[tilespmem:v9+s25+$0x0] =	vst.idx.add.f32.msk vm2, v7  }
0x221: {  	v11 =	vshrl.u32 v4, $0x10;
	v8 =	vshrl.u32 v5, $0x10;
	vm4 =	vmmov vm4;
	[tilespmem:v15+s24+$0x0] =	vst.idx.add.f32.msk vm6, v1  }
0x222: {  	p0 =	por !p0, !p0;
	s1 =	simm.s32 $0x0;
	s2 =	simm.s32 $0x1;
	v9 =	vshrl.u32 v2, $0x10;
	v7 =	vshrl.u32 v3, $0x10;
	vm2 =	vmmov vm7;
	[tilespmem:v15+s25+$0x0] =	vst.idx.add.f32.msk vm6, v14  }
.LBB2_18:
0x223: {  	s3 =	simm.s32 $0x1  }
0x224: {  	[tilespmem:v13+s24+$0x0] =	vst.idx.add.f32.msk vm5, v1;
	s0 =	sadd.s32 $0x80, s0;
	s3 =	simm.s32 @!p0 $0x0  }
0x225: {  	s30 =	sshrl.u32 s0, $0x1;
	s3 =	sadd.s32 s3, s0;
	[tilespmem:v13+s25+$0x0] =	vst.idx.add.f32.msk vm5, v10  }
0x226: {  	s30 =	sand.u32 $0xF80, s30;
	s31 =	sor.u32 $0x80, s3;
	s3 =	sor.u32 $0xC0, s3;
	[tilespmem:v12+s24+$0x0] =	vst.idx.add.f32.msk vm3, v1  }
0x227: {  	s1 =	sadd.s32 $0x4, s1;
	v10 =	vld [tilespmem:s30+$0x1000];
	s31 =	sshra.s32 s31, $0x1;
	s3 =	sshra.s32 s3, $0x1  }
0x228: {  	p1 =	slt.u32 s1, $0xFC;
	v13 =	vld [tilespmem:s3+$0x1000]  }
0x229: {  	v14 =	vld [tilespmem:s31+$0x1000]  }
0x22a: {  	v15 =	vld [tilespmem:s30+$0x1020]  }
0x22b: {  	[tilespmem:v12+s25+$0x0] =	vst.idx.add.f32.msk vm3, v6  }
0x22c: {  	v12 =	vunpack.i.u.bf16.f32 v10;
	v6 =	vunpack.i.l.bf16.f32 v10;
	[tilespmem:v11+s24+$0x0] =	vst.idx.add.f32.msk vm0, v1  }
0x22d: {  	vm6 =	vgt.f32 v12, $0.0e+00;
	v16 =	vunpack.i.l.bf16.f32 v13;
	[tilespmem:v11+s25+$0x0] =	vst.idx.add.f32.msk vm0, v4;
	vm0 =	vgt.f32 v6, $0.0e+00;
	v4 =	vmovc v6  }
0x22e: {  	v6 =	vunpack.i.u.bf16.f32 v14;
	v10 =	vunpack.i.l.bf16.f32 v14;
	vm7 =	vgt.f32 v16, $0.0e+00;
	[tilespmem:v9+s24+$0x0] =	vst.idx.add.f32.msk vm4, v1  }
0x22f: {  	v17 =	vunpack.i.u.bf16.f32 v13;
	v18 =	vshrl.u32 v16, $0x10;
	v14 =	vunpack.i.u.bf16.f32 v15;
	[tilespmem:v9+s25+$0x0] =	vst.idx.add.f32.msk vm4, v2;
	v2 =	vmovc v12  }
0x230: {  	vm8 =	vgt.f32 v17, $0.0e+00;
	v9 =	vunpack.i.l.bf16.f32 v15;
	vm5 =	vgt.f32 v10, $0.0e+00;
	[tilespmem:v8+s24+$0x0] =	vst.idx.add.f32.msk vm1, v1  }
0x231: {  	v13 =	vshrl.u32 v10, $0x10;
	vm3 =	vgt.f32 v6, $0.0e+00;
	v15 =	vshrl.u32 v17, $0x10;
	[tilespmem:v8+s25+$0x0] =	vst.idx.add.f32.msk vm1, v5;
	v5 =	vmovc v9  }
0x232: {  	v12 =	vshrl.u32 v6, $0x10;
	vm9 =	vgt.f32 v14, $0.0e+00;
	vm1 =	vgt.f32 v5, $0.0e+00;
	[tilespmem:v7+s24+$0x0] =	vst.idx.add.f32.msk vm2, v1  }
.Ltmp8:
0x233: {  	v11 =	vshrl.u32 v4, $0x10;
	v9 =	vshrl.u32 v2, $0x10;
	v8 =	vshrl.u32 v5, $0x10;
	[tilespmem:v7+s25+$0x0] =	vst.idx.add.f32.msk vm2, v3;
	v3 =	vmovc v14;
	(pc) =	sbr.rel @p1 .LBB2_18-.Ltmp8, $4  }
0x234: {  	vm4 =	vmmov vm6;
	vm2 =	vmmov vm9;
	v7 =	vshrl.u32 v3, $0x10;
	[tilespmem:v18+s24+$0x0] =	vst.idx.add.f32.msk vm7, v1  }
0x235: {  	[tilespmem:v18+s25+$0x0] =	vst.idx.add.f32.msk vm7, v16  }
0x236: {  	[tilespmem:v15+s24+$0x0] =	vst.idx.add.f32.msk vm8, v1  }
0x237: {  	s2 =	sadd.s32 $0x1, s2;
	p0 =	por !p0, !p0;
	[tilespmem:v15+s25+$0x0] =	vst.idx.add.f32.msk vm8, v17  }
0x238: {  	_ =	sdelay $0x4  }
0x239: {  	[tilespmem:v13+s24+$0x0] =	vst.idx.add.f32.msk vm5, v1  }
0x23a: {  	[tilespmem:v11+s24+$0x0] =	vst.idx.add.f32.msk vm0, v1  }
0x23b: {  	[tilespmem:v8+s24+$0x0] =	vst.idx.add.f32.msk vm1, v1  }
0x23c: {  	[tilespmem:v13+s25+$0x0] =	vst.idx.add.f32.msk vm5, v10  }
0x23d: {  	[tilespmem:v11+s25+$0x0] =	vst.idx.add.f32.msk vm0, v4  }
0x23e: {  	[tilespmem:v8+s25+$0x0] =	vst.idx.add.f32.msk vm1, v5  }
0x23f: {  	[tilespmem:v12+s24+$0x0] =	vst.idx.add.f32.msk vm3, v1  }
0x240: {  	[tilespmem:v9+s24+$0x0] =	vst.idx.add.f32.msk vm4, v1  }
0x241: {  	[tilespmem:v7+s24+$0x0] =	vst.idx.add.f32.msk vm2, v1  }
0x242: {  	[tilespmem:v12+s25+$0x0] =	vst.idx.add.f32.msk vm3, v6  }
0x243: {  	p0 =	por $0x0, $0x0;
	s1 =	simm.s32 $0x1;
	[tilespmem:v9+s25+$0x0] =	vst.idx.add.f32.msk vm4, v2  }
0x244: {  	s0 =	simm.s32 $0x0;
	s1 =	simm.s32 @!p0 $0x0;
	[tilespmem:v7+s25+$0x0] =	vst.idx.add.f32.msk vm2, v3  }
0x245: {  	[tilespmem:s22], [sflag:$0x2] =	stream.linear.gather [hbm4b:s12+s0], $0x1000, $0x38;
	[tilespmem:$0x12000] =	vst v63  }
0x246: {  	s1 =	sadd.s32 $0x0, s1;
	_ =	swait.ge [sflag:s23], $0x1000  }
0x247: {  	s2 =	sor.u32 $0xC0, s1;
	[sflag:s23] =	ssyncset.done $0x0  }
0x248: {  	s2 =	sshra.s32 s2, $0x1;
	[sflag:s23] =	ssyncadd.s32 $0xFFFFF000  }
0x249: {  	v2 =	vld [tilespmem:s2+$0x0]  }
0x24a: {  	s1 =	sor.u32 $0x80, s1  }
0x24b: {  	s31 =	simm.s32 $0x0;
	s1 =	sshra.s32 s1, $0x1  }
0x24c: {  	s2 =	sand.u32 $0xF80, s31;
	v5 =	vld [tilespmem:s1+$0x0]  }
0x24d: {  	v3 =	vld [tilespmem:s2+$0x0]  }
0x24e: {  	v8 =	vld [tilespmem:s2+$0x20];
	v7 =	vunpack.i.l.bf16.f32 v2  }
0x24f: {  	vm2 =	vgt.f32 v7, $0.0e+00  }
0x250: {  	v14 =	vunpack.i.u.bf16.f32 v2;
	v9 =	vshrl.u32 v7, $0x10  }
0x251: {  	vm6 =	vgt.f32 v14, $0.0e+00  }
0x252: {  	v6 =	vunpack.i.u.bf16.f32 v5;
	v10 =	vunpack.i.l.bf16.f32 v5;
	v15 =	vshrl.u32 v14, $0x10  }
0x253: {  	v2 =	vunpack.i.u.bf16.f32 v3;
	v4 =	vunpack.i.l.bf16.f32 v3;
	v3 =	vunpack.i.u.bf16.f32 v8  }
0x254: {  	v5 =	vunpack.i.l.bf16.f32 v8;
	vm5 =	vgt.f32 v10, $0.0e+00;
	v13 =	vshrl.u32 v10, $0x10  }
0x255: {  	vm3 =	vgt.f32 v6, $0.0e+00;
	v12 =	vshrl.u32 v6, $0x10;
	vm0 =	vgt.f32 v4, $0.0e+00;
	[tilespmem:v9+s24+$0x0] =	vst.idx.add.f32.msk vm2, v1  }
0x256: {  	vm4 =	vgt.f32 v2, $0.0e+00;
	vm1 =	vgt.f32 v5, $0.0e+00;
	vm7 =	vgt.f32 v3, $0.0e+00;
	[tilespmem:v9+s25+$0x0] =	vst.idx.add.f32.msk vm2, v7  }
0x257: {  	v11 =	vshrl.u32 v4, $0x10;
	v8 =	vshrl.u32 v5, $0x10;
	vm4 =	vmmov vm4;
	[tilespmem:v15+s24+$0x0] =	vst.idx.add.f32.msk vm6, v1  }
0x258: {  	p0 =	por !p0, !p0;
	s1 =	simm.s32 $0x0;
	s2 =	simm.s32 $0x1;
	v9 =	vshrl.u32 v2, $0x10;
	v7 =	vshrl.u32 v3, $0x10;
	vm2 =	vmmov vm7;
	[tilespmem:v15+s25+$0x0] =	vst.idx.add.f32.msk vm6, v14  }
.LBB2_20:
0x259: {  	s3 =	simm.s32 $0x1  }
0x25a: {  	[tilespmem:v13+s24+$0x0] =	vst.idx.add.f32.msk vm5, v1;
	s0 =	sadd.s32 $0x80, s0;
	s3 =	simm.s32 @!p0 $0x0  }
0x25b: {  	s30 =	sshrl.u32 s0, $0x1;
	s3 =	sadd.s32 s3, s0;
	[tilespmem:v13+s25+$0x0] =	vst.idx.add.f32.msk vm5, v10  }
0x25c: {  	s30 =	sand.u32 $0xF80, s30;
	s31 =	sor.u32 $0x80, s3;
	s3 =	sor.u32 $0xC0, s3;
	[tilespmem:v12+s24+$0x0] =	vst.idx.add.f32.msk vm3, v1  }
0x25d: {  	s1 =	sadd.s32 $0x4, s1;
	v10 =	vld [tilespmem:s30+$0x0];
	s31 =	sshra.s32 s31, $0x1;
	s3 =	sshra.s32 s3, $0x1  }
0x25e: {  	p1 =	slt.u32 s1, $0xFC;
	v13 =	vld [tilespmem:s3+$0x0]  }
0x25f: {  	v14 =	vld [tilespmem:s31+$0x0]  }
0x260: {  	v15 =	vld [tilespmem:s30+$0x20]  }
0x261: {  	[tilespmem:v12+s25+$0x0] =	vst.idx.add.f32.msk vm3, v6  }
0x262: {  	v12 =	vunpack.i.u.bf16.f32 v10;
	v6 =	vunpack.i.l.bf16.f32 v10;
	[tilespmem:v11+s24+$0x0] =	vst.idx.add.f32.msk vm0, v1  }
0x263: {  	vm6 =	vgt.f32 v12, $0.0e+00;
	v16 =	vunpack.i.l.bf16.f32 v13;
	[tilespmem:v11+s25+$0x0] =	vst.idx.add.f32.msk vm0, v4;
	vm0 =	vgt.f32 v6, $0.0e+00;
	v4 =	vmovc v6  }
0x264: {  	v6 =	vunpack.i.u.bf16.f32 v14;
	v10 =	vunpack.i.l.bf16.f32 v14;
	vm7 =	vgt.f32 v16, $0.0e+00;
	[tilespmem:v9+s24+$0x0] =	vst.idx.add.f32.msk vm4, v1  }
0x265: {  	v17 =	vunpack.i.u.bf16.f32 v13;
	v18 =	vshrl.u32 v16, $0x10;
	v14 =	vunpack.i.u.bf16.f32 v15;
	[tilespmem:v9+s25+$0x0] =	vst.idx.add.f32.msk vm4, v2;
	v2 =	vmovc v12  }
0x266: {  	vm8 =	vgt.f32 v17, $0.0e+00;
	v9 =	vunpack.i.l.bf16.f32 v15;
	vm5 =	vgt.f32 v10, $0.0e+00;
	[tilespmem:v8+s24+$0x0] =	vst.idx.add.f32.msk vm1, v1  }
0x267: {  	v13 =	vshrl.u32 v10, $0x10;
	vm3 =	vgt.f32 v6, $0.0e+00;
	v15 =	vshrl.u32 v17, $0x10;
	[tilespmem:v8+s25+$0x0] =	vst.idx.add.f32.msk vm1, v5;
	v5 =	vmovc v9  }
0x268: {  	v12 =	vshrl.u32 v6, $0x10;
	vm9 =	vgt.f32 v14, $0.0e+00;
	vm1 =	vgt.f32 v5, $0.0e+00;
	[tilespmem:v7+s24+$0x0] =	vst.idx.add.f32.msk vm2, v1  }
.Ltmp9:
0x269: {  	v11 =	vshrl.u32 v4, $0x10;
	v9 =	vshrl.u32 v2, $0x10;
	v8 =	vshrl.u32 v5, $0x10;
	[tilespmem:v7+s25+$0x0] =	vst.idx.add.f32.msk vm2, v3;
	v3 =	vmovc v14;
	(pc) =	sbr.rel @p1 .LBB2_20-.Ltmp9, $4  }
0x26a: {  	vm4 =	vmmov vm6;
	vm2 =	vmmov vm9;
	v7 =	vshrl.u32 v3, $0x10;
	[tilespmem:v18+s24+$0x0] =	vst.idx.add.f32.msk vm7, v1  }
0x26b: {  	[tilespmem:v18+s25+$0x0] =	vst.idx.add.f32.msk vm7, v16  }
0x26c: {  	[tilespmem:v15+s24+$0x0] =	vst.idx.add.f32.msk vm8, v1  }
0x26d: {  	s2 =	sadd.s32 $0x1, s2;
	p0 =	por !p0, !p0;
	[tilespmem:v15+s25+$0x0] =	vst.idx.add.f32.msk vm8, v17  }
0x26e: {  	_ =	sdelay $0x4  }
0x26f: {  	[tilespmem:v13+s24+$0x0] =	vst.idx.add.f32.msk vm5, v1  }
0x270: {  	[tilespmem:v11+s24+$0x0] =	vst.idx.add.f32.msk vm0, v1  }
0x271: {  	[tilespmem:v8+s24+$0x0] =	vst.idx.add.f32.msk vm1, v1  }
0x272: {  	[tilespmem:v13+s25+$0x0] =	vst.idx.add.f32.msk vm5, v10  }
0x273: {  	[tilespmem:v11+s25+$0x0] =	vst.idx.add.f32.msk vm0, v4  }
0x274: {  	[tilespmem:v8+s25+$0x0] =	vst.idx.add.f32.msk vm1, v5  }
0x275: {  	[tilespmem:v12+s24+$0x0] =	vst.idx.add.f32.msk vm3, v1  }
0x276: {  	[tilespmem:v9+s24+$0x0] =	vst.idx.add.f32.msk vm4, v1  }
0x277: {  	[tilespmem:v7+s24+$0x0] =	vst.idx.add.f32.msk vm2, v1  }
0x278: {  	[tilespmem:v12+s25+$0x0] =	vst.idx.add.f32.msk vm3, v6  }
0x279: {  	p0 =	por $0x0, $0x0;
	s1 =	simm.s32 $0x1;
	[tilespmem:v9+s25+$0x0] =	vst.idx.add.f32.msk vm4, v2  }
0x27a: {  	s0 =	simm.s32 $0x0;
	s1 =	simm.s32 @!p0 $0x0;
	[tilespmem:v7+s25+$0x0] =	vst.idx.add.f32.msk vm2, v3  }
0x27b: {  	[tilespmem:s0], [sflag:$0x1] =	stream.linear.gather [hbm4b:s13+s0], $0x1000, $0x38;
	[tilespmem:$0x12000] =	vst v63  }
0x27c: {  	s1 =	sadd.s32 $0x0, s1;
	_ =	swait.ge [sflag:s26], $0x1000  }
0x27d: {  	s2 =	sor.u32 $0xC0, s1;
	[sflag:s26] =	ssyncset.done $0x0  }
0x27e: {  	s2 =	sshra.s32 s2, $0x1;
	[sflag:s26] =	ssyncadd.s32 $0xFFFFF000  }
0x27f: {  	v2 =	vld [tilespmem:s2+$0x1000]  }
0x280: {  	s1 =	sor.u32 $0x80, s1  }
0x281: {  	s31 =	simm.s32 $0x0;
	s1 =	sshra.s32 s1, $0x1  }
0x282: {  	s2 =	sand.u32 $0xF80, s31;
	v5 =	vld [tilespmem:s1+$0x1000]  }
0x283: {  	v3 =	vld [tilespmem:s2+$0x1000]  }
0x284: {  	v8 =	vld [tilespmem:s2+$0x1020];
	v7 =	vunpack.i.l.bf16.f32 v2  }
0x285: {  	vm2 =	vgt.f32 v7, $0.0e+00  }
0x286: {  	v14 =	vunpack.i.u.bf16.f32 v2;
	v9 =	vshrl.u32 v7, $0x10  }
0x287: {  	vm6 =	vgt.f32 v14, $0.0e+00  }
0x288: {  	v6 =	vunpack.i.u.bf16.f32 v5;
	v10 =	vunpack.i.l.bf16.f32 v5;
	v15 =	vshrl.u32 v14, $0x10  }
0x289: {  	v2 =	vunpack.i.u.bf16.f32 v3;
	v4 =	vunpack.i.l.bf16.f32 v3;
	v3 =	vunpack.i.u.bf16.f32 v8  }
0x28a: {  	v5 =	vunpack.i.l.bf16.f32 v8;
	vm5 =	vgt.f32 v10, $0.0e+00;
	v13 =	vshrl.u32 v10, $0x10  }
0x28b: {  	vm3 =	vgt.f32 v6, $0.0e+00;
	v12 =	vshrl.u32 v6, $0x10;
	vm0 =	vgt.f32 v4, $0.0e+00;
	[tilespmem:v9+s24+$0x0] =	vst.idx.add.f32.msk vm2, v1  }
0x28c: {  	vm4 =	vgt.f32 v2, $0.0e+00;
	vm1 =	vgt.f32 v5, $0.0e+00;
	vm7 =	vgt.f32 v3, $0.0e+00;
	[tilespmem:v9+s25+$0x0] =	vst.idx.add.f32.msk vm2, v7  }
0x28d: {  	v11 =	vshrl.u32 v4, $0x10;
	v8 =	vshrl.u32 v5, $0x10;
	vm4 =	vmmov vm4;
	[tilespmem:v15+s24+$0x0] =	vst.idx.add.f32.msk vm6, v1  }
0x28e: {  	p0 =	por !p0, !p0;
	s1 =	simm.s32 $0x0;
	s2 =	simm.s32 $0x1;
	v9 =	vshrl.u32 v2, $0x10;
	v7 =	vshrl.u32 v3, $0x10;
	vm2 =	vmmov vm7;
	[tilespmem:v15+s25+$0x0] =	vst.idx.add.f32.msk vm6, v14  }
.LBB2_22:
0x28f: {  	s3 =	simm.s32 $0x1  }
0x290: {  	[tilespmem:v13+s24+$0x0] =	vst.idx.add.f32.msk vm5, v1;
	s0 =	sadd.s32 $0x80, s0;
	s3 =	simm.s32 @!p0 $0x0  }
0x291: {  	s30 =	sshrl.u32 s0, $0x1;
	s3 =	sadd.s32 s3, s0;
	[tilespmem:v13+s25+$0x0] =	vst.idx.add.f32.msk vm5, v10  }
0x292: {  	s30 =	sand.u32 $0xF80, s30;
	s31 =	sor.u32 $0x80, s3;
	s3 =	sor.u32 $0xC0, s3;
	[tilespmem:v12+s24+$0x0] =	vst.idx.add.f32.msk vm3, v1  }
0x293: {  	s1 =	sadd.s32 $0x4, s1;
	v10 =	vld [tilespmem:s30+$0x1000];
	s31 =	sshra.s32 s31, $0x1;
	s3 =	sshra.s32 s3, $0x1  }
0x294: {  	p1 =	slt.u32 s1, $0xFC;
	v13 =	vld [tilespmem:s3+$0x1000]  }
0x295: {  	v14 =	vld [tilespmem:s31+$0x1000]  }
0x296: {  	v15 =	vld [tilespmem:s30+$0x1020]  }
0x297: {  	[tilespmem:v12+s25+$0x0] =	vst.idx.add.f32.msk vm3, v6  }
0x298: {  	v12 =	vunpack.i.u.bf16.f32 v10;
	v6 =	vunpack.i.l.bf16.f32 v10;
	[tilespmem:v11+s24+$0x0] =	vst.idx.add.f32.msk vm0, v1  }
0x299: {  	vm6 =	vgt.f32 v12, $0.0e+00;
	v16 =	vunpack.i.l.bf16.f32 v13;
	[tilespmem:v11+s25+$0x0] =	vst.idx.add.f32.msk vm0, v4;
	vm0 =	vgt.f32 v6, $0.0e+00;
	v4 =	vmovc v6  }
0x29a: {  	v6 =	vunpack.i.u.bf16.f32 v14;
	v10 =	vunpack.i.l.bf16.f32 v14;
	vm7 =	vgt.f32 v16, $0.0e+00;
	[tilespmem:v9+s24+$0x0] =	vst.idx.add.f32.msk vm4, v1  }
0x29b: {  	v17 =	vunpack.i.u.bf16.f32 v13;
	v18 =	vshrl.u32 v16, $0x10;
	v14 =	vunpack.i.u.bf16.f32 v15;
	[tilespmem:v9+s25+$0x0] =	vst.idx.add.f32.msk vm4, v2;
	v2 =	vmovc v12  }
0x29c: {  	vm8 =	vgt.f32 v17, $0.0e+00;
	v9 =	vunpack.i.l.bf16.f32 v15;
	vm5 =	vgt.f32 v10, $0.0e+00;
	[tilespmem:v8+s24+$0x0] =	vst.idx.add.f32.msk vm1, v1  }
0x29d: {  	v13 =	vshrl.u32 v10, $0x10;
	vm3 =	vgt.f32 v6, $0.0e+00;
	v15 =	vshrl.u32 v17, $0x10;
	[tilespmem:v8+s25+$0x0] =	vst.idx.add.f32.msk vm1, v5;
	v5 =	vmovc v9  }
0x29e: {  	v12 =	vshrl.u32 v6, $0x10;
	vm9 =	vgt.f32 v14, $0.0e+00;
	vm1 =	vgt.f32 v5, $0.0e+00;
	[tilespmem:v7+s24+$0x0] =	vst.idx.add.f32.msk vm2, v1  }
.Ltmp10:
0x29f: {  	v11 =	vshrl.u32 v4, $0x10;
	v9 =	vshrl.u32 v2, $0x10;
	v8 =	vshrl.u32 v5, $0x10;
	[tilespmem:v7+s25+$0x0] =	vst.idx.add.f32.msk vm2, v3;
	v3 =	vmovc v14;
	(pc) =	sbr.rel @p1 .LBB2_22-.Ltmp10, $4  }
0x2a0: {  	vm4 =	vmmov vm6;
	vm2 =	vmmov vm9;
	v7 =	vshrl.u32 v3, $0x10;
	[tilespmem:v18+s24+$0x0] =	vst.idx.add.f32.msk vm7, v1  }
0x2a1: {  	[tilespmem:v18+s25+$0x0] =	vst.idx.add.f32.msk vm7, v16  }
0x2a2: {  	[tilespmem:v15+s24+$0x0] =	vst.idx.add.f32.msk vm8, v1  }
0x2a3: {  	s2 =	sadd.s32 $0x1, s2;
	p0 =	por !p0, !p0;
	[tilespmem:v15+s25+$0x0] =	vst.idx.add.f32.msk vm8, v17  }
0x2a4: {  	_ =	sdelay $0x4  }
0x2a5: {  	[tilespmem:v13+s24+$0x0] =	vst.idx.add.f32.msk vm5, v1  }
0x2a6: {  	[tilespmem:v11+s24+$0x0] =	vst.idx.add.f32.msk vm0, v1  }
0x2a7: {  	[tilespmem:v8+s24+$0x0] =	vst.idx.add.f32.msk vm1, v1  }
0x2a8: {  	[tilespmem:v13+s25+$0x0] =	vst.idx.add.f32.msk vm5, v10  }
0x2a9: {  	[tilespmem:v11+s25+$0x0] =	vst.idx.add.f32.msk vm0, v4  }
0x2aa: {  	[tilespmem:v8+s25+$0x0] =	vst.idx.add.f32.msk vm1, v5  }
0x2ab: {  	[tilespmem:v12+s24+$0x0] =	vst.idx.add.f32.msk vm3, v1  }
0x2ac: {  	[tilespmem:v9+s24+$0x0] =	vst.idx.add.f32.msk vm4, v1  }
0x2ad: {  	[tilespmem:v7+s24+$0x0] =	vst.idx.add.f32.msk vm2, v1  }
0x2ae: {  	[tilespmem:v12+s25+$0x0] =	vst.idx.add.f32.msk vm3, v6  }
0x2af: {  	p0 =	por $0x0, $0x0;
	s1 =	simm.s32 $0x1;
	[tilespmem:v9+s25+$0x0] =	vst.idx.add.f32.msk vm4, v2  }
0x2b0: {  	s0 =	simm.s32 $0x0;
	s1 =	simm.s32 @!p0 $0x0;
	[tilespmem:v7+s25+$0x0] =	vst.idx.add.f32.msk vm2, v3  }
0x2b1: {  	[tilespmem:s22], [sflag:$0x2] =	stream.linear.gather [hbm4b:s14+s0], $0x1000, $0x38;
	[tilespmem:$0x12000] =	vst v63  }
0x2b2: {  	s1 =	sadd.s32 $0x0, s1;
	_ =	swait.ge [sflag:s23], $0x1000  }
0x2b3: {  	s2 =	sor.u32 $0xC0, s1;
	[sflag:s23] =	ssyncset.done $0x0  }
0x2b4: {  	s2 =	sshra.s32 s2, $0x1;
	[sflag:s23] =	ssyncadd.s32 $0xFFFFF000  }
0x2b5: {  	v2 =	vld [tilespmem:s2+$0x0]  }
0x2b6: {  	s1 =	sor.u32 $0x80, s1  }
0x2b7: {  	s31 =	simm.s32 $0x0;
	s1 =	sshra.s32 s1, $0x1  }
0x2b8: {  	s2 =	sand.u32 $0xF80, s31;
	v5 =	vld [tilespmem:s1+$0x0]  }
0x2b9: {  	v3 =	vld [tilespmem:s2+$0x0]  }
0x2ba: {  	v8 =	vld [tilespmem:s2+$0x20];
	v7 =	vunpack.i.l.bf16.f32 v2  }
0x2bb: {  	vm2 =	vgt.f32 v7, $0.0e+00  }
0x2bc: {  	v14 =	vunpack.i.u.bf16.f32 v2;
	v9 =	vshrl.u32 v7, $0x10  }
0x2bd: {  	vm6 =	vgt.f32 v14, $0.0e+00  }
0x2be: {  	v6 =	vunpack.i.u.bf16.f32 v5;
	v10 =	vunpack.i.l.bf16.f32 v5;
	v15 =	vshrl.u32 v14, $0x10  }
0x2bf: {  	v2 =	vunpack.i.u.bf16.f32 v3;
	v4 =	vunpack.i.l.bf16.f32 v3;
	v3 =	vunpack.i.u.bf16.f32 v8  }
0x2c0: {  	v5 =	vunpack.i.l.bf16.f32 v8;
	vm5 =	vgt.f32 v10, $0.0e+00;
	v13 =	vshrl.u32 v10, $0x10  }
0x2c1: {  	vm3 =	vgt.f32 v6, $0.0e+00;
	v12 =	vshrl.u32 v6, $0x10;
	vm0 =	vgt.f32 v4, $0.0e+00;
	[tilespmem:v9+s24+$0x0] =	vst.idx.add.f32.msk vm2, v1  }
0x2c2: {  	vm4 =	vgt.f32 v2, $0.0e+00;
	vm1 =	vgt.f32 v5, $0.0e+00;
	vm7 =	vgt.f32 v3, $0.0e+00;
	[tilespmem:v9+s25+$0x0] =	vst.idx.add.f32.msk vm2, v7  }
0x2c3: {  	v11 =	vshrl.u32 v4, $0x10;
	v8 =	vshrl.u32 v5, $0x10;
	vm4 =	vmmov vm4;
	[tilespmem:v15+s24+$0x0] =	vst.idx.add.f32.msk vm6, v1  }
0x2c4: {  	p0 =	por !p0, !p0;
	s1 =	simm.s32 $0x0;
	s2 =	simm.s32 $0x1;
	v9 =	vshrl.u32 v2, $0x10;
	v7 =	vshrl.u32 v3, $0x10;
	vm2 =	vmmov vm7;
	[tilespmem:v15+s25+$0x0] =	vst.idx.add.f32.msk vm6, v14  }
.LBB2_24:
0x2c5: {  	s3 =	simm.s32 $0x1  }
0x2c6: {  	[tilespmem:v13+s24+$0x0] =	vst.idx.add.f32.msk vm5, v1;
	s0 =	sadd.s32 $0x80, s0;
	s3 =	simm.s32 @!p0 $0x0  }
0x2c7: {  	s30 =	sshrl.u32 s0, $0x1;
	s3 =	sadd.s32 s3, s0;
	[tilespmem:v13+s25+$0x0] =	vst.idx.add.f32.msk vm5, v10  }
0x2c8: {  	s30 =	sand.u32 $0xF80, s30;
	s31 =	sor.u32 $0x80, s3;
	s3 =	sor.u32 $0xC0, s3;
	[tilespmem:v12+s24+$0x0] =	vst.idx.add.f32.msk vm3, v1  }
0x2c9: {  	s1 =	sadd.s32 $0x4, s1;
	v10 =	vld [tilespmem:s30+$0x0];
	s31 =	sshra.s32 s31, $0x1;
	s3 =	sshra.s32 s3, $0x1  }
0x2ca: {  	p1 =	slt.u32 s1, $0xFC;
	v13 =	vld [tilespmem:s3+$0x0]  }
0x2cb: {  	v14 =	vld [tilespmem:s31+$0x0]  }
0x2cc: {  	v15 =	vld [tilespmem:s30+$0x20]  }
0x2cd: {  	[tilespmem:v12+s25+$0x0] =	vst.idx.add.f32.msk vm3, v6  }
0x2ce: {  	v12 =	vunpack.i.u.bf16.f32 v10;
	v6 =	vunpack.i.l.bf16.f32 v10;
	[tilespmem:v11+s24+$0x0] =	vst.idx.add.f32.msk vm0, v1  }
0x2cf: {  	vm6 =	vgt.f32 v12, $0.0e+00;
	v16 =	vunpack.i.l.bf16.f32 v13;
	[tilespmem:v11+s25+$0x0] =	vst.idx.add.f32.msk vm0, v4;
	vm0 =	vgt.f32 v6, $0.0e+00;
	v4 =	vmovc v6  }
0x2d0: {  	v6 =	vunpack.i.u.bf16.f32 v14;
	v10 =	vunpack.i.l.bf16.f32 v14;
	vm7 =	vgt.f32 v16, $0.0e+00;
	[tilespmem:v9+s24+$0x0] =	vst.idx.add.f32.msk vm4, v1  }
0x2d1: {  	v17 =	vunpack.i.u.bf16.f32 v13;
	v18 =	vshrl.u32 v16, $0x10;
	v14 =	vunpack.i.u.bf16.f32 v15;
	[tilespmem:v9+s25+$0x0] =	vst.idx.add.f32.msk vm4, v2;
	v2 =	vmovc v12  }
0x2d2: {  	vm8 =	vgt.f32 v17, $0.0e+00;
	v9 =	vunpack.i.l.bf16.f32 v15;
	vm5 =	vgt.f32 v10, $0.0e+00;
	[tilespmem:v8+s24+$0x0] =	vst.idx.add.f32.msk vm1, v1  }
0x2d3: {  	v13 =	vshrl.u32 v10, $0x10;
	vm3 =	vgt.f32 v6, $0.0e+00;
	v15 =	vshrl.u32 v17, $0x10;
	[tilespmem:v8+s25+$0x0] =	vst.idx.add.f32.msk vm1, v5;
	v5 =	vmovc v9  }
0x2d4: {  	v12 =	vshrl.u32 v6, $0x10;
	vm9 =	vgt.f32 v14, $0.0e+00;
	vm1 =	vgt.f32 v5, $0.0e+00;
	[tilespmem:v7+s24+$0x0] =	vst.idx.add.f32.msk vm2, v1  }
.Ltmp11:
0x2d5: {  	v11 =	vshrl.u32 v4, $0x10;
	v9 =	vshrl.u32 v2, $0x10;
	v8 =	vshrl.u32 v5, $0x10;
	[tilespmem:v7+s25+$0x0] =	vst.idx.add.f32.msk vm2, v3;
	v3 =	vmovc v14;
	(pc) =	sbr.rel @p1 .LBB2_24-.Ltmp11, $4  }
0x2d6: {  	vm4 =	vmmov vm6;
	vm2 =	vmmov vm9;
	v7 =	vshrl.u32 v3, $0x10;
	[tilespmem:v18+s24+$0x0] =	vst.idx.add.f32.msk vm7, v1  }
0x2d7: {  	[tilespmem:v18+s25+$0x0] =	vst.idx.add.f32.msk vm7, v16  }
0x2d8: {  	[tilespmem:v15+s24+$0x0] =	vst.idx.add.f32.msk vm8, v1  }
0x2d9: {  	s2 =	sadd.s32 $0x1, s2;
	p0 =	por !p0, !p0;
	[tilespmem:v15+s25+$0x0] =	vst.idx.add.f32.msk vm8, v17  }
0x2da: {  	_ =	sdelay $0x4  }
0x2db: {  	[tilespmem:v13+s24+$0x0] =	vst.idx.add.f32.msk vm5, v1  }
0x2dc: {  	[tilespmem:v11+s24+$0x0] =	vst.idx.add.f32.msk vm0, v1  }
0x2dd: {  	[tilespmem:v8+s24+$0x0] =	vst.idx.add.f32.msk vm1, v1  }
0x2de: {  	[tilespmem:v13+s25+$0x0] =	vst.idx.add.f32.msk vm5, v10  }
0x2df: {  	[tilespmem:v11+s25+$0x0] =	vst.idx.add.f32.msk vm0, v4  }
0x2e0: {  	[tilespmem:v8+s25+$0x0] =	vst.idx.add.f32.msk vm1, v5  }
0x2e1: {  	[tilespmem:v12+s24+$0x0] =	vst.idx.add.f32.msk vm3, v1  }
0x2e2: {  	[tilespmem:v9+s24+$0x0] =	vst.idx.add.f32.msk vm4, v1  }
0x2e3: {  	[tilespmem:v7+s24+$0x0] =	vst.idx.add.f32.msk vm2, v1  }
0x2e4: {  	[tilespmem:v12+s25+$0x0] =	vst.idx.add.f32.msk vm3, v6  }
0x2e5: {  	p0 =	por $0x0, $0x0;
	s1 =	simm.s32 $0x1;
	[tilespmem:v9+s25+$0x0] =	vst.idx.add.f32.msk vm4, v2  }
0x2e6: {  	s0 =	simm.s32 $0x0;
	s1 =	simm.s32 @!p0 $0x0;
	[tilespmem:v7+s25+$0x0] =	vst.idx.add.f32.msk vm2, v3  }
0x2e7: {  	[tilespmem:s0], [sflag:$0x1] =	stream.linear.gather [hbm4b:s15+s0], $0x1000, $0x38;
	[tilespmem:$0x12000] =	vst v63  }
0x2e8: {  	s1 =	sadd.s32 $0x0, s1;
	_ =	swait.ge [sflag:s26], $0x1000  }
0x2e9: {  	s2 =	sor.u32 $0xC0, s1;
	[sflag:s26] =	ssyncset.done $0x0  }
0x2ea: {  	s2 =	sshra.s32 s2, $0x1;
	[sflag:s26] =	ssyncadd.s32 $0xFFFFF000  }
0x2eb: {  	v2 =	vld [tilespmem:s2+$0x1000]  }
0x2ec: {  	s1 =	sor.u32 $0x80, s1  }
0x2ed: {  	s31 =	simm.s32 $0x0;
	s1 =	sshra.s32 s1, $0x1  }
0x2ee: {  	s2 =	sand.u32 $0xF80, s31;
	v5 =	vld [tilespmem:s1+$0x1000]  }
0x2ef: {  	v3 =	vld [tilespmem:s2+$0x1000]  }
0x2f0: {  	v8 =	vld [tilespmem:s2+$0x1020];
	v7 =	vunpack.i.l.bf16.f32 v2  }
0x2f1: {  	vm2 =	vgt.f32 v7, $0.0e+00  }
0x2f2: {  	v14 =	vunpack.i.u.bf16.f32 v2;
	v9 =	vshrl.u32 v7, $0x10  }
0x2f3: {  	vm6 =	vgt.f32 v14, $0.0e+00  }
0x2f4: {  	v6 =	vunpack.i.u.bf16.f32 v5;
	v10 =	vunpack.i.l.bf16.f32 v5;
	v15 =	vshrl.u32 v14, $0x10  }
0x2f5: {  	v2 =	vunpack.i.u.bf16.f32 v3;
	v4 =	vunpack.i.l.bf16.f32 v3;
	v3 =	vunpack.i.u.bf16.f32 v8  }
0x2f6: {  	v5 =	vunpack.i.l.bf16.f32 v8;
	vm5 =	vgt.f32 v10, $0.0e+00;
	v13 =	vshrl.u32 v10, $0x10  }
0x2f7: {  	vm3 =	vgt.f32 v6, $0.0e+00;
	v12 =	vshrl.u32 v6, $0x10;
	vm0 =	vgt.f32 v4, $0.0e+00;
	[tilespmem:v9+s24+$0x0] =	vst.idx.add.f32.msk vm2, v1  }
0x2f8: {  	vm4 =	vgt.f32 v2, $0.0e+00;
	vm1 =	vgt.f32 v5, $0.0e+00;
	vm7 =	vgt.f32 v3, $0.0e+00;
	[tilespmem:v9+s25+$0x0] =	vst.idx.add.f32.msk vm2, v7  }
0x2f9: {  	v11 =	vshrl.u32 v4, $0x10;
	v8 =	vshrl.u32 v5, $0x10;
	vm4 =	vmmov vm4;
	[tilespmem:v15+s24+$0x0] =	vst.idx.add.f32.msk vm6, v1  }
0x2fa: {  	p0 =	por !p0, !p0;
	s1 =	simm.s32 $0x0;
	s2 =	simm.s32 $0x1;
	v9 =	vshrl.u32 v2, $0x10;
	v7 =	vshrl.u32 v3, $0x10;
	vm2 =	vmmov vm7;
	[tilespmem:v15+s25+$0x0] =	vst.idx.add.f32.msk vm6, v14  }
.LBB2_26:
0x2fb: {  	s3 =	simm.s32 $0x1  }
0x2fc: {  	[tilespmem:v13+s24+$0x0] =	vst.idx.add.f32.msk vm5, v1;
	s0 =	sadd.s32 $0x80, s0;
	s3 =	simm.s32 @!p0 $0x0  }
0x2fd: {  	s30 =	sshrl.u32 s0, $0x1;
	s3 =	sadd.s32 s3, s0;
	[tilespmem:v13+s25+$0x0] =	vst.idx.add.f32.msk vm5, v10  }
0x2fe: {  	s30 =	sand.u32 $0xF80, s30;
	s31 =	sor.u32 $0x80, s3;
	s3 =	sor.u32 $0xC0, s3;
	[tilespmem:v12+s24+$0x0] =	vst.idx.add.f32.msk vm3, v1  }
0x2ff: {  	s1 =	sadd.s32 $0x4, s1;
	v10 =	vld [tilespmem:s30+$0x1000];
	s31 =	sshra.s32 s31, $0x1;
	s3 =	sshra.s32 s3, $0x1  }
0x300: {  	p1 =	slt.u32 s1, $0xFC;
	v13 =	vld [tilespmem:s3+$0x1000]  }
0x301: {  	v14 =	vld [tilespmem:s31+$0x1000]  }
0x302: {  	v15 =	vld [tilespmem:s30+$0x1020]  }
0x303: {  	[tilespmem:v12+s25+$0x0] =	vst.idx.add.f32.msk vm3, v6  }
0x304: {  	v12 =	vunpack.i.u.bf16.f32 v10;
	v6 =	vunpack.i.l.bf16.f32 v10;
	[tilespmem:v11+s24+$0x0] =	vst.idx.add.f32.msk vm0, v1  }
0x305: {  	vm6 =	vgt.f32 v12, $0.0e+00;
	v16 =	vunpack.i.l.bf16.f32 v13;
	[tilespmem:v11+s25+$0x0] =	vst.idx.add.f32.msk vm0, v4;
	vm0 =	vgt.f32 v6, $0.0e+00;
	v4 =	vmovc v6  }
0x306: {  	v6 =	vunpack.i.u.bf16.f32 v14;
	v10 =	vunpack.i.l.bf16.f32 v14;
	vm7 =	vgt.f32 v16, $0.0e+00;
	[tilespmem:v9+s24+$0x0] =	vst.idx.add.f32.msk vm4, v1  }
0x307: {  	v17 =	vunpack.i.u.bf16.f32 v13;
	v18 =	vshrl.u32 v16, $0x10;
	v14 =	vunpack.i.u.bf16.f32 v15;
	[tilespmem:v9+s25+$0x0] =	vst.idx.add.f32.msk vm4, v2;
	v2 =	vmovc v12  }
0x308: {  	vm8 =	vgt.f32 v17, $0.0e+00;
	v9 =	vunpack.i.l.bf16.f32 v15;
	vm5 =	vgt.f32 v10, $0.0e+00;
	[tilespmem:v8+s24+$0x0] =	vst.idx.add.f32.msk vm1, v1  }
0x309: {  	v13 =	vshrl.u32 v10, $0x10;
	vm3 =	vgt.f32 v6, $0.0e+00;
	v15 =	vshrl.u32 v17, $0x10;
	[tilespmem:v8+s25+$0x0] =	vst.idx.add.f32.msk vm1, v5;
	v5 =	vmovc v9  }
0x30a: {  	v12 =	vshrl.u32 v6, $0x10;
	vm9 =	vgt.f32 v14, $0.0e+00;
	vm1 =	vgt.f32 v5, $0.0e+00;
	[tilespmem:v7+s24+$0x0] =	vst.idx.add.f32.msk vm2, v1  }
.Ltmp12:
0x30b: {  	v11 =	vshrl.u32 v4, $0x10;
	v9 =	vshrl.u32 v2, $0x10;
	v8 =	vshrl.u32 v5, $0x10;
	[tilespmem:v7+s25+$0x0] =	vst.idx.add.f32.msk vm2, v3;
	v3 =	vmovc v14;
	(pc) =	sbr.rel @p1 .LBB2_26-.Ltmp12, $4  }
0x30c: {  	vm4 =	vmmov vm6;
	vm2 =	vmmov vm9;
	v7 =	vshrl.u32 v3, $0x10;
	[tilespmem:v18+s24+$0x0] =	vst.idx.add.f32.msk vm7, v1  }
0x30d: {  	[tilespmem:v18+s25+$0x0] =	vst.idx.add.f32.msk vm7, v16  }
0x30e: {  	[tilespmem:v15+s24+$0x0] =	vst.idx.add.f32.msk vm8, v1  }
0x30f: {  	s2 =	sadd.s32 $0x1, s2;
	p0 =	por !p0, !p0;
	[tilespmem:v15+s25+$0x0] =	vst.idx.add.f32.msk vm8, v17  }
0x310: {  	_ =	sdelay $0x4  }
0x311: {  	[tilespmem:v13+s24+$0x0] =	vst.idx.add.f32.msk vm5, v1  }
0x312: {  	[tilespmem:v11+s24+$0x0] =	vst.idx.add.f32.msk vm0, v1  }
0x313: {  	[tilespmem:v8+s24+$0x0] =	vst.idx.add.f32.msk vm1, v1  }
0x314: {  	[tilespmem:v13+s25+$0x0] =	vst.idx.add.f32.msk vm5, v10  }
0x315: {  	[tilespmem:v11+s25+$0x0] =	vst.idx.add.f32.msk vm0, v4  }
0x316: {  	[tilespmem:v8+s25+$0x0] =	vst.idx.add.f32.msk vm1, v5  }
0x317: {  	[tilespmem:v12+s24+$0x0] =	vst.idx.add.f32.msk vm3, v1  }
0x318: {  	[tilespmem:v9+s24+$0x0] =	vst.idx.add.f32.msk vm4, v1  }
0x319: {  	[tilespmem:v7+s24+$0x0] =	vst.idx.add.f32.msk vm2, v1  }
0x31a: {  	[tilespmem:v12+s25+$0x0] =	vst.idx.add.f32.msk vm3, v6  }
0x31b: {  	p0 =	por $0x0, $0x0;
	s1 =	simm.s32 $0x1;
	[tilespmem:v9+s25+$0x0] =	vst.idx.add.f32.msk vm4, v2  }
0x31c: {  	s0 =	simm.s32 $0x0;
	s1 =	simm.s32 @!p0 $0x0;
	[tilespmem:v7+s25+$0x0] =	vst.idx.add.f32.msk vm2, v3  }
0x31d: {  	[tilespmem:s22], [sflag:$0x2] =	stream.linear.gather [hbm4b:s16+s0], $0x1000, $0x38;
	[tilespmem:$0x12000] =	vst v63  }
0x31e: {  	s1 =	sadd.s32 $0x0, s1;
	_ =	swait.ge [sflag:s23], $0x1000  }
0x31f: {  	s2 =	sor.u32 $0xC0, s1;
	[sflag:s23] =	ssyncset.done $0x0  }
0x320: {  	s2 =	sshra.s32 s2, $0x1;
	[sflag:s23] =	ssyncadd.s32 $0xFFFFF000  }
0x321: {  	v2 =	vld [tilespmem:s2+$0x0]  }
0x322: {  	s1 =	sor.u32 $0x80, s1  }
0x323: {  	s31 =	simm.s32 $0x0;
	s1 =	sshra.s32 s1, $0x1  }
0x324: {  	s2 =	sand.u32 $0xF80, s31;
	v5 =	vld [tilespmem:s1+$0x0]  }
0x325: {  	v3 =	vld [tilespmem:s2+$0x0]  }
0x326: {  	v8 =	vld [tilespmem:s2+$0x20];
	v7 =	vunpack.i.l.bf16.f32 v2  }
0x327: {  	vm2 =	vgt.f32 v7, $0.0e+00  }
0x328: {  	v14 =	vunpack.i.u.bf16.f32 v2;
	v9 =	vshrl.u32 v7, $0x10  }
0x329: {  	vm6 =	vgt.f32 v14, $0.0e+00  }
0x32a: {  	v6 =	vunpack.i.u.bf16.f32 v5;
	v10 =	vunpack.i.l.bf16.f32 v5;
	v15 =	vshrl.u32 v14, $0x10  }
0x32b: {  	v2 =	vunpack.i.u.bf16.f32 v3;
	v4 =	vunpack.i.l.bf16.f32 v3;
	v3 =	vunpack.i.u.bf16.f32 v8  }
0x32c: {  	v5 =	vunpack.i.l.bf16.f32 v8;
	vm5 =	vgt.f32 v10, $0.0e+00;
	v13 =	vshrl.u32 v10, $0x10  }
0x32d: {  	vm3 =	vgt.f32 v6, $0.0e+00;
	v12 =	vshrl.u32 v6, $0x10;
	vm0 =	vgt.f32 v4, $0.0e+00;
	[tilespmem:v9+s24+$0x0] =	vst.idx.add.f32.msk vm2, v1  }
0x32e: {  	vm4 =	vgt.f32 v2, $0.0e+00;
	vm1 =	vgt.f32 v5, $0.0e+00;
	vm7 =	vgt.f32 v3, $0.0e+00;
	[tilespmem:v9+s25+$0x0] =	vst.idx.add.f32.msk vm2, v7  }
0x32f: {  	v11 =	vshrl.u32 v4, $0x10;
	v8 =	vshrl.u32 v5, $0x10;
	vm4 =	vmmov vm4;
	[tilespmem:v15+s24+$0x0] =	vst.idx.add.f32.msk vm6, v1  }
0x330: {  	p0 =	por !p0, !p0;
	s1 =	simm.s32 $0x0;
	s2 =	simm.s32 $0x1;
	v9 =	vshrl.u32 v2, $0x10;
	v7 =	vshrl.u32 v3, $0x10;
	vm2 =	vmmov vm7;
	[tilespmem:v15+s25+$0x0] =	vst.idx.add.f32.msk vm6, v14  }
.LBB2_28:
0x331: {  	s3 =	simm.s32 $0x1  }
0x332: {  	[tilespmem:v13+s24+$0x0] =	vst.idx.add.f32.msk vm5, v1;
	s0 =	sadd.s32 $0x80, s0;
	s3 =	simm.s32 @!p0 $0x0  }
0x333: {  	s30 =	sshrl.u32 s0, $0x1;
	s3 =	sadd.s32 s3, s0;
	[tilespmem:v13+s25+$0x0] =	vst.idx.add.f32.msk vm5, v10  }
0x334: {  	s30 =	sand.u32 $0xF80, s30;
	s31 =	sor.u32 $0x80, s3;
	s3 =	sor.u32 $0xC0, s3;
	[tilespmem:v12+s24+$0x0] =	vst.idx.add.f32.msk vm3, v1  }
0x335: {  	s1 =	sadd.s32 $0x4, s1;
	v10 =	vld [tilespmem:s30+$0x0];
	s31 =	sshra.s32 s31, $0x1;
	s3 =	sshra.s32 s3, $0x1  }
0x336: {  	p1 =	slt.u32 s1, $0xFC;
	v13 =	vld [tilespmem:s3+$0x0]  }
0x337: {  	v14 =	vld [tilespmem:s31+$0x0]  }
0x338: {  	v15 =	vld [tilespmem:s30+$0x20]  }
0x339: {  	[tilespmem:v12+s25+$0x0] =	vst.idx.add.f32.msk vm3, v6  }
0x33a: {  	v12 =	vunpack.i.u.bf16.f32 v10;
	v6 =	vunpack.i.l.bf16.f32 v10;
	[tilespmem:v11+s24+$0x0] =	vst.idx.add.f32.msk vm0, v1  }
0x33b: {  	vm6 =	vgt.f32 v12, $0.0e+00;
	v16 =	vunpack.i.l.bf16.f32 v13;
	[tilespmem:v11+s25+$0x0] =	vst.idx.add.f32.msk vm0, v4;
	vm0 =	vgt.f32 v6, $0.0e+00;
	v4 =	vmovc v6  }
0x33c: {  	v6 =	vunpack.i.u.bf16.f32 v14;
	v10 =	vunpack.i.l.bf16.f32 v14;
	vm7 =	vgt.f32 v16, $0.0e+00;
	[tilespmem:v9+s24+$0x0] =	vst.idx.add.f32.msk vm4, v1  }
0x33d: {  	v17 =	vunpack.i.u.bf16.f32 v13;
	v18 =	vshrl.u32 v16, $0x10;
	v14 =	vunpack.i.u.bf16.f32 v15;
	[tilespmem:v9+s25+$0x0] =	vst.idx.add.f32.msk vm4, v2;
	v2 =	vmovc v12  }
0x33e: {  	vm8 =	vgt.f32 v17, $0.0e+00;
	v9 =	vunpack.i.l.bf16.f32 v15;
	vm5 =	vgt.f32 v10, $0.0e+00;
	[tilespmem:v8+s24+$0x0] =	vst.idx.add.f32.msk vm1, v1  }
0x33f: {  	v13 =	vshrl.u32 v10, $0x10;
	vm3 =	vgt.f32 v6, $0.0e+00;
	v15 =	vshrl.u32 v17, $0x10;
	[tilespmem:v8+s25+$0x0] =	vst.idx.add.f32.msk vm1, v5;
	v5 =	vmovc v9  }
0x340: {  	v12 =	vshrl.u32 v6, $0x10;
	vm9 =	vgt.f32 v14, $0.0e+00;
	vm1 =	vgt.f32 v5, $0.0e+00;
	[tilespmem:v7+s24+$0x0] =	vst.idx.add.f32.msk vm2, v1  }
.Ltmp13:
0x341: {  	v11 =	vshrl.u32 v4, $0x10;
	v9 =	vshrl.u32 v2, $0x10;
	v8 =	vshrl.u32 v5, $0x10;
	[tilespmem:v7+s25+$0x0] =	vst.idx.add.f32.msk vm2, v3;
	v3 =	vmovc v14;
	(pc) =	sbr.rel @p1 .LBB2_28-.Ltmp13, $4  }
0x342: {  	vm4 =	vmmov vm6;
	vm2 =	vmmov vm9;
	v7 =	vshrl.u32 v3, $0x10;
	[tilespmem:v18+s24+$0x0] =	vst.idx.add.f32.msk vm7, v1  }
0x343: {  	[tilespmem:v18+s25+$0x0] =	vst.idx.add.f32.msk vm7, v16  }
0x344: {  	[tilespmem:v15+s24+$0x0] =	vst.idx.add.f32.msk vm8, v1  }
0x345: {  	s2 =	sadd.s32 $0x1, s2;
	p0 =	por !p0, !p0;
	[tilespmem:v15+s25+$0x0] =	vst.idx.add.f32.msk vm8, v17  }
0x346: {  	_ =	sdelay $0x4  }
0x347: {  	[tilespmem:v13+s24+$0x0] =	vst.idx.add.f32.msk vm5, v1  }
0x348: {  	[tilespmem:v11+s24+$0x0] =	vst.idx.add.f32.msk vm0, v1  }
0x349: {  	[tilespmem:v8+s24+$0x0] =	vst.idx.add.f32.msk vm1, v1  }
0x34a: {  	[tilespmem:v13+s25+$0x0] =	vst.idx.add.f32.msk vm5, v10  }
0x34b: {  	[tilespmem:v11+s25+$0x0] =	vst.idx.add.f32.msk vm0, v4  }
0x34c: {  	[tilespmem:v8+s25+$0x0] =	vst.idx.add.f32.msk vm1, v5  }
0x34d: {  	[tilespmem:v12+s24+$0x0] =	vst.idx.add.f32.msk vm3, v1  }
0x34e: {  	[tilespmem:v9+s24+$0x0] =	vst.idx.add.f32.msk vm4, v1  }
0x34f: {  	[tilespmem:v7+s24+$0x0] =	vst.idx.add.f32.msk vm2, v1  }
0x350: {  	[tilespmem:v12+s25+$0x0] =	vst.idx.add.f32.msk vm3, v6  }
0x351: {  	p0 =	por $0x0, $0x0;
	s1 =	simm.s32 $0x1;
	[tilespmem:v9+s25+$0x0] =	vst.idx.add.f32.msk vm4, v2  }
0x352: {  	s0 =	simm.s32 $0x0;
	s1 =	simm.s32 @!p0 $0x0;
	[tilespmem:v7+s25+$0x0] =	vst.idx.add.f32.msk vm2, v3  }
0x353: {  	[tilespmem:s0], [sflag:$0x1] =	stream.linear.gather [hbm4b:s17+s0], $0x1000, $0x38;
	[tilespmem:$0x12000] =	vst v63  }
0x354: {  	s1 =	sadd.s32 $0x0, s1;
	_ =	swait.ge [sflag:s26], $0x1000  }
0x355: {  	s2 =	sor.u32 $0xC0, s1;
	[sflag:s26] =	ssyncset.done $0x0  }
0x356: {  	s2 =	sshra.s32 s2, $0x1;
	[sflag:s26] =	ssyncadd.s32 $0xFFFFF000  }
0x357: {  	v2 =	vld [tilespmem:s2+$0x1000]  }
0x358: {  	s1 =	sor.u32 $0x80, s1  }
0x359: {  	s31 =	simm.s32 $0x0;
	s1 =	sshra.s32 s1, $0x1  }
0x35a: {  	s2 =	sand.u32 $0xF80, s31;
	v5 =	vld [tilespmem:s1+$0x1000]  }
0x35b: {  	v3 =	vld [tilespmem:s2+$0x1000]  }
0x35c: {  	v8 =	vld [tilespmem:s2+$0x1020];
	v7 =	vunpack.i.l.bf16.f32 v2  }
0x35d: {  	vm2 =	vgt.f32 v7, $0.0e+00  }
0x35e: {  	v14 =	vunpack.i.u.bf16.f32 v2;
	v9 =	vshrl.u32 v7, $0x10  }
0x35f: {  	vm6 =	vgt.f32 v14, $0.0e+00  }
0x360: {  	v6 =	vunpack.i.u.bf16.f32 v5;
	v10 =	vunpack.i.l.bf16.f32 v5;
	v15 =	vshrl.u32 v14, $0x10  }
0x361: {  	v2 =	vunpack.i.u.bf16.f32 v3;
	v4 =	vunpack.i.l.bf16.f32 v3;
	v3 =	vunpack.i.u.bf16.f32 v8  }
0x362: {  	v5 =	vunpack.i.l.bf16.f32 v8;
	vm5 =	vgt.f32 v10, $0.0e+00;
	v13 =	vshrl.u32 v10, $0x10  }
0x363: {  	vm3 =	vgt.f32 v6, $0.0e+00;
	v12 =	vshrl.u32 v6, $0x10;
	vm0 =	vgt.f32 v4, $0.0e+00;
	[tilespmem:v9+s24+$0x0] =	vst.idx.add.f32.msk vm2, v1  }
0x364: {  	vm4 =	vgt.f32 v2, $0.0e+00;
	vm1 =	vgt.f32 v5, $0.0e+00;
	vm7 =	vgt.f32 v3, $0.0e+00;
	[tilespmem:v9+s25+$0x0] =	vst.idx.add.f32.msk vm2, v7  }
0x365: {  	v11 =	vshrl.u32 v4, $0x10;
	v8 =	vshrl.u32 v5, $0x10;
	vm4 =	vmmov vm4;
	[tilespmem:v15+s24+$0x0] =	vst.idx.add.f32.msk vm6, v1  }
0x366: {  	p0 =	por !p0, !p0;
	s1 =	simm.s32 $0x0;
	s2 =	simm.s32 $0x1;
	v9 =	vshrl.u32 v2, $0x10;
	v7 =	vshrl.u32 v3, $0x10;
	vm2 =	vmmov vm7;
	[tilespmem:v15+s25+$0x0] =	vst.idx.add.f32.msk vm6, v14  }
.LBB2_30:
0x367: {  	s3 =	simm.s32 $0x1  }
0x368: {  	[tilespmem:v13+s24+$0x0] =	vst.idx.add.f32.msk vm5, v1;
	s0 =	sadd.s32 $0x80, s0;
	s3 =	simm.s32 @!p0 $0x0  }
0x369: {  	s30 =	sshrl.u32 s0, $0x1;
	s3 =	sadd.s32 s3, s0;
	[tilespmem:v13+s25+$0x0] =	vst.idx.add.f32.msk vm5, v10  }
0x36a: {  	s30 =	sand.u32 $0xF80, s30;
	s31 =	sor.u32 $0x80, s3;
	s3 =	sor.u32 $0xC0, s3;
	[tilespmem:v12+s24+$0x0] =	vst.idx.add.f32.msk vm3, v1  }
0x36b: {  	s1 =	sadd.s32 $0x4, s1;
	v10 =	vld [tilespmem:s30+$0x1000];
	s31 =	sshra.s32 s31, $0x1;
	s3 =	sshra.s32 s3, $0x1  }
0x36c: {  	p1 =	slt.u32 s1, $0xFC;
	v13 =	vld [tilespmem:s3+$0x1000]  }
0x36d: {  	v14 =	vld [tilespmem:s31+$0x1000]  }
0x36e: {  	v15 =	vld [tilespmem:s30+$0x1020]  }
0x36f: {  	[tilespmem:v12+s25+$0x0] =	vst.idx.add.f32.msk vm3, v6  }
0x370: {  	v12 =	vunpack.i.u.bf16.f32 v10;
	v6 =	vunpack.i.l.bf16.f32 v10;
	[tilespmem:v11+s24+$0x0] =	vst.idx.add.f32.msk vm0, v1  }
0x371: {  	vm6 =	vgt.f32 v12, $0.0e+00;
	v16 =	vunpack.i.l.bf16.f32 v13;
	[tilespmem:v11+s25+$0x0] =	vst.idx.add.f32.msk vm0, v4;
	vm0 =	vgt.f32 v6, $0.0e+00;
	v4 =	vmovc v6  }
0x372: {  	v6 =	vunpack.i.u.bf16.f32 v14;
	v10 =	vunpack.i.l.bf16.f32 v14;
	vm7 =	vgt.f32 v16, $0.0e+00;
	[tilespmem:v9+s24+$0x0] =	vst.idx.add.f32.msk vm4, v1  }
0x373: {  	v17 =	vunpack.i.u.bf16.f32 v13;
	v18 =	vshrl.u32 v16, $0x10;
	v14 =	vunpack.i.u.bf16.f32 v15;
	[tilespmem:v9+s25+$0x0] =	vst.idx.add.f32.msk vm4, v2;
	v2 =	vmovc v12  }
0x374: {  	vm8 =	vgt.f32 v17, $0.0e+00;
	v9 =	vunpack.i.l.bf16.f32 v15;
	vm5 =	vgt.f32 v10, $0.0e+00;
	[tilespmem:v8+s24+$0x0] =	vst.idx.add.f32.msk vm1, v1  }
0x375: {  	v13 =	vshrl.u32 v10, $0x10;
	vm3 =	vgt.f32 v6, $0.0e+00;
	v15 =	vshrl.u32 v17, $0x10;
	[tilespmem:v8+s25+$0x0] =	vst.idx.add.f32.msk vm1, v5;
	v5 =	vmovc v9  }
0x376: {  	v12 =	vshrl.u32 v6, $0x10;
	vm9 =	vgt.f32 v14, $0.0e+00;
	vm1 =	vgt.f32 v5, $0.0e+00;
	[tilespmem:v7+s24+$0x0] =	vst.idx.add.f32.msk vm2, v1  }
.Ltmp14:
0x377: {  	v11 =	vshrl.u32 v4, $0x10;
	v9 =	vshrl.u32 v2, $0x10;
	v8 =	vshrl.u32 v5, $0x10;
	[tilespmem:v7+s25+$0x0] =	vst.idx.add.f32.msk vm2, v3;
	v3 =	vmovc v14;
	(pc) =	sbr.rel @p1 .LBB2_30-.Ltmp14, $4  }
0x378: {  	vm4 =	vmmov vm6;
	vm2 =	vmmov vm9;
	v7 =	vshrl.u32 v3, $0x10;
	[tilespmem:v18+s24+$0x0] =	vst.idx.add.f32.msk vm7, v1  }
0x379: {  	[tilespmem:v18+s25+$0x0] =	vst.idx.add.f32.msk vm7, v16  }
0x37a: {  	[tilespmem:v15+s24+$0x0] =	vst.idx.add.f32.msk vm8, v1  }
0x37b: {  	s2 =	sadd.s32 $0x1, s2;
	p0 =	por !p0, !p0;
	[tilespmem:v15+s25+$0x0] =	vst.idx.add.f32.msk vm8, v17  }
0x37c: {  	_ =	sdelay $0x4  }
0x37d: {  	[tilespmem:v13+s24+$0x0] =	vst.idx.add.f32.msk vm5, v1  }
0x37e: {  	[tilespmem:v11+s24+$0x0] =	vst.idx.add.f32.msk vm0, v1  }
0x37f: {  	[tilespmem:v8+s24+$0x0] =	vst.idx.add.f32.msk vm1, v1  }
0x380: {  	[tilespmem:v13+s25+$0x0] =	vst.idx.add.f32.msk vm5, v10  }
0x381: {  	[tilespmem:v11+s25+$0x0] =	vst.idx.add.f32.msk vm0, v4  }
0x382: {  	[tilespmem:v8+s25+$0x0] =	vst.idx.add.f32.msk vm1, v5  }
0x383: {  	[tilespmem:v12+s24+$0x0] =	vst.idx.add.f32.msk vm3, v1  }
0x384: {  	[tilespmem:v9+s24+$0x0] =	vst.idx.add.f32.msk vm4, v1  }
0x385: {  	[tilespmem:v7+s24+$0x0] =	vst.idx.add.f32.msk vm2, v1  }
0x386: {  	[tilespmem:v12+s25+$0x0] =	vst.idx.add.f32.msk vm3, v6  }
0x387: {  	p0 =	por $0x0, $0x0;
	s1 =	simm.s32 $0x1;
	[tilespmem:v9+s25+$0x0] =	vst.idx.add.f32.msk vm4, v2  }
0x388: {  	s0 =	simm.s32 $0x0;
	s1 =	simm.s32 @!p0 $0x0;
	[tilespmem:v7+s25+$0x0] =	vst.idx.add.f32.msk vm2, v3  }
0x389: {  	[tilespmem:s22], [sflag:$0x2] =	stream.linear.gather [hbm4b:s18+s0], $0x1000, $0x38;
	[tilespmem:$0x12000] =	vst v63  }
0x38a: {  	s1 =	sadd.s32 $0x0, s1;
	_ =	swait.ge [sflag:s23], $0x1000  }
0x38b: {  	s2 =	sor.u32 $0xC0, s1;
	[sflag:s23] =	ssyncset.done $0x0  }
0x38c: {  	s2 =	sshra.s32 s2, $0x1;
	[sflag:s23] =	ssyncadd.s32 $0xFFFFF000  }
0x38d: {  	v2 =	vld [tilespmem:s2+$0x0]  }
0x38e: {  	s1 =	sor.u32 $0x80, s1  }
0x38f: {  	s31 =	simm.s32 $0x0;
	s1 =	sshra.s32 s1, $0x1  }
0x390: {  	s2 =	sand.u32 $0xF80, s31;
	v5 =	vld [tilespmem:s1+$0x0]  }
0x391: {  	v3 =	vld [tilespmem:s2+$0x0]  }
0x392: {  	v8 =	vld [tilespmem:s2+$0x20];
	v6 =	vunpack.i.l.bf16.f32 v2  }
0x393: {  	vm2 =	vgt.f32 v6, $0.0e+00  }
0x394: {  	v14 =	vunpack.i.u.bf16.f32 v2;
	v9 =	vshrl.u32 v6, $0x10  }
0x395: {  	vm6 =	vgt.f32 v14, $0.0e+00  }
0x396: {  	v7 =	vunpack.i.u.bf16.f32 v5;
	v10 =	vunpack.i.l.bf16.f32 v5;
	v15 =	vshrl.u32 v14, $0x10  }
0x397: {  	v2 =	vunpack.i.u.bf16.f32 v3;
	v4 =	vunpack.i.l.bf16.f32 v3;
	v3 =	vunpack.i.u.bf16.f32 v8  }
0x398: {  	v5 =	vunpack.i.l.bf16.f32 v8;
	vm5 =	vgt.f32 v10, $0.0e+00;
	v13 =	vshrl.u32 v10, $0x10  }
0x399: {  	vm3 =	vgt.f32 v7, $0.0e+00;
	v12 =	vshrl.u32 v7, $0x10;
	vm0 =	vgt.f32 v4, $0.0e+00;
	[tilespmem:v9+s24+$0x0] =	vst.idx.add.f32.msk vm2, v1  }
0x39a: {  	vm4 =	vgt.f32 v2, $0.0e+00;
	vm1 =	vgt.f32 v5, $0.0e+00;
	vm7 =	vgt.f32 v3, $0.0e+00;
	[tilespmem:v9+s25+$0x0] =	vst.idx.add.f32.msk vm2, v6  }
0x39b: {  	v11 =	vshrl.u32 v4, $0x10;
	v8 =	vshrl.u32 v5, $0x10;
	vm4 =	vmmov vm4;
	[tilespmem:v15+s24+$0x0] =	vst.idx.add.f32.msk vm6, v1  }
0x39c: {  	p0 =	por !p0, !p0;
	s1 =	simm.s32 $0x0;
	s2 =	simm.s32 $0x1;
	v9 =	vshrl.u32 v2, $0x10;
	v6 =	vshrl.u32 v3, $0x10;
	vm2 =	vmmov vm7;
	[tilespmem:v15+s25+$0x0] =	vst.idx.add.f32.msk vm6, v14  }
.LBB2_32:
0x39d: {  	s3 =	simm.s32 $0x1  }
0x39e: {  	[tilespmem:v13+s24+$0x0] =	vst.idx.add.f32.msk vm5, v1;
	s0 =	sadd.s32 $0x80, s0;
	s3 =	simm.s32 @!p0 $0x0  }
0x39f: {  	s30 =	sshrl.u32 s0, $0x1;
	s3 =	sadd.s32 s3, s0;
	[tilespmem:v13+s25+$0x0] =	vst.idx.add.f32.msk vm5, v10  }
0x3a0: {  	s30 =	sand.u32 $0xF80, s30;
	s31 =	sor.u32 $0x80, s3;
	s3 =	sor.u32 $0xC0, s3;
	[tilespmem:v12+s24+$0x0] =	vst.idx.add.f32.msk vm3, v1  }
0x3a1: {  	s1 =	sadd.s32 $0x4, s1;
	v10 =	vld [tilespmem:s30+$0x0];
	s31 =	sshra.s32 s31, $0x1;
	s3 =	sshra.s32 s3, $0x1  }
0x3a2: {  	p1 =	slt.u32 s1, $0xFC;
	v13 =	vld [tilespmem:s3+$0x0]  }
0x3a3: {  	v14 =	vld [tilespmem:s31+$0x0]  }
0x3a4: {  	v15 =	vld [tilespmem:s30+$0x20]  }
0x3a5: {  	[tilespmem:v12+s25+$0x0] =	vst.idx.add.f32.msk vm3, v7  }
0x3a6: {  	v12 =	vunpack.i.u.bf16.f32 v10;
	v7 =	vunpack.i.l.bf16.f32 v10;
	[tilespmem:v11+s24+$0x0] =	vst.idx.add.f32.msk vm0, v1  }
0x3a7: {  	vm6 =	vgt.f32 v12, $0.0e+00;
	v16 =	vunpack.i.l.bf16.f32 v13;
	[tilespmem:v11+s25+$0x0] =	vst.idx.add.f32.msk vm0, v4;
	vm0 =	vgt.f32 v7, $0.0e+00;
	v4 =	vmovc v7  }
0x3a8: {  	v7 =	vunpack.i.u.bf16.f32 v14;
	v10 =	vunpack.i.l.bf16.f32 v14;
	vm7 =	vgt.f32 v16, $0.0e+00;
	[tilespmem:v9+s24+$0x0] =	vst.idx.add.f32.msk vm4, v1  }
0x3a9: {  	v17 =	vunpack.i.u.bf16.f32 v13;
	v18 =	vshrl.u32 v16, $0x10;
	v14 =	vunpack.i.u.bf16.f32 v15;
	[tilespmem:v9+s25+$0x0] =	vst.idx.add.f32.msk vm4, v2;
	v2 =	vmovc v12  }
0x3aa: {  	vm8 =	vgt.f32 v17, $0.0e+00;
	v9 =	vunpack.i.l.bf16.f32 v15;
	vm5 =	vgt.f32 v10, $0.0e+00;
	[tilespmem:v8+s24+$0x0] =	vst.idx.add.f32.msk vm1, v1  }
0x3ab: {  	v13 =	vshrl.u32 v10, $0x10;
	vm3 =	vgt.f32 v7, $0.0e+00;
	v15 =	vshrl.u32 v17, $0x10;
	[tilespmem:v8+s25+$0x0] =	vst.idx.add.f32.msk vm1, v5;
	v5 =	vmovc v9  }
0x3ac: {  	v12 =	vshrl.u32 v7, $0x10;
	vm9 =	vgt.f32 v14, $0.0e+00;
	vm1 =	vgt.f32 v5, $0.0e+00;
	[tilespmem:v6+s24+$0x0] =	vst.idx.add.f32.msk vm2, v1  }
.Ltmp15:
0x3ad: {  	v11 =	vshrl.u32 v4, $0x10;
	v9 =	vshrl.u32 v2, $0x10;
	v8 =	vshrl.u32 v5, $0x10;
	[tilespmem:v6+s25+$0x0] =	vst.idx.add.f32.msk vm2, v3;
	v3 =	vmovc v14;
	(pc) =	sbr.rel @p1 .LBB2_32-.Ltmp15, $4  }
0x3ae: {  	vm4 =	vmmov vm6;
	vm2 =	vmmov vm9;
	v6 =	vshrl.u32 v3, $0x10;
	[tilespmem:v18+s24+$0x0] =	vst.idx.add.f32.msk vm7, v1  }
0x3af: {  	[tilespmem:v18+s25+$0x0] =	vst.idx.add.f32.msk vm7, v16  }
0x3b0: {  	[tilespmem:v15+s24+$0x0] =	vst.idx.add.f32.msk vm8, v1  }
0x3b1: {  	s2 =	sadd.s32 $0x1, s2;
	p0 =	por !p0, !p0;
	[tilespmem:v15+s25+$0x0] =	vst.idx.add.f32.msk vm8, v17  }
0x3b2: {  	_ =	sdelay $0x4  }
0x3b3: {  	[tilespmem:v13+s24+$0x0] =	vst.idx.add.f32.msk vm5, v1  }
0x3b4: {  	[tilespmem:v11+s24+$0x0] =	vst.idx.add.f32.msk vm0, v1  }
0x3b5: {  	[tilespmem:v8+s24+$0x0] =	vst.idx.add.f32.msk vm1, v1  }
0x3b6: {  	[tilespmem:v13+s25+$0x0] =	vst.idx.add.f32.msk vm5, v10  }
0x3b7: {  	[tilespmem:v11+s25+$0x0] =	vst.idx.add.f32.msk vm0, v4  }
0x3b8: {  	[tilespmem:v8+s25+$0x0] =	vst.idx.add.f32.msk vm1, v5  }
0x3b9: {  	[tilespmem:v12+s24+$0x0] =	vst.idx.add.f32.msk vm3, v1  }
0x3ba: {  	[tilespmem:v9+s24+$0x0] =	vst.idx.add.f32.msk vm4, v1  }
0x3bb: {  	[tilespmem:v6+s24+$0x0] =	vst.idx.add.f32.msk vm2, v1  }
0x3bc: {  	[tilespmem:v12+s25+$0x0] =	vst.idx.add.f32.msk vm3, v7  }
0x3bd: {  	p0 =	por $0x0, $0x0;
	s0 =	simm.s32 $0x1;
	[tilespmem:v9+s25+$0x0] =	vst.idx.add.f32.msk vm4, v2  }
0x3be: {  	s0 =	simm.s32 @!p0 $0x0;
	[tilespmem:v6+s25+$0x0] =	vst.idx.add.f32.msk vm2, v3  }
0x3bf: {  	s0 =	sadd.s32 $0x0, s0;
	_ =	swait.ge [sflag:s26], $0x1000  }
0x3c0: {  	s1 =	sor.u32 $0xC0, s0;
	[sflag:s26] =	ssyncset.done $0x0  }
0x3c1: {  	s1 =	sshra.s32 s1, $0x1;
	[sflag:s26] =	ssyncadd.s32 $0xFFFFF000  }
0x3c2: {  	v2 =	vld [tilespmem:s1+$0x1000]  }
0x3c3: {  	s0 =	sor.u32 $0x80, s0  }
0x3c4: {  	s31 =	simm.s32 $0x0;
	s0 =	sshra.s32 s0, $0x1  }
0x3c5: {  	s1 =	sand.u32 $0xF80, s31;
	v5 =	vld [tilespmem:s0+$0x1000]  }
0x3c6: {  	v3 =	vld [tilespmem:s1+$0x1000]  }
0x3c7: {  	v8 =	vld [tilespmem:s1+$0x1020];
	v7 =	vunpack.i.l.bf16.f32 v2  }
0x3c8: {  	vm2 =	vgt.f32 v7, $0.0e+00  }
0x3c9: {  	v14 =	vunpack.i.u.bf16.f32 v2;
	v9 =	vshrl.u32 v7, $0x10  }
0x3ca: {  	vm6 =	vgt.f32 v14, $0.0e+00  }
0x3cb: {  	v6 =	vunpack.i.u.bf16.f32 v5;
	v10 =	vunpack.i.l.bf16.f32 v5;
	v15 =	vshrl.u32 v14, $0x10  }
0x3cc: {  	v2 =	vunpack.i.u.bf16.f32 v3;
	v4 =	vunpack.i.l.bf16.f32 v3;
	v3 =	vunpack.i.u.bf16.f32 v8  }
0x3cd: {  	v5 =	vunpack.i.l.bf16.f32 v8;
	vm5 =	vgt.f32 v10, $0.0e+00;
	v13 =	vshrl.u32 v10, $0x10  }
0x3ce: {  	vm3 =	vgt.f32 v6, $0.0e+00;
	v12 =	vshrl.u32 v6, $0x10;
	vm0 =	vgt.f32 v4, $0.0e+00;
	[tilespmem:v9+s24+$0x0] =	vst.idx.add.f32.msk vm2, v1  }
0x3cf: {  	vm4 =	vgt.f32 v2, $0.0e+00;
	vm1 =	vgt.f32 v5, $0.0e+00;
	vm7 =	vgt.f32 v3, $0.0e+00;
	[tilespmem:v9+s25+$0x0] =	vst.idx.add.f32.msk vm2, v7  }
0x3d0: {  	s2 =	simm.s32 $0x1;
	v11 =	vshrl.u32 v4, $0x10;
	v8 =	vshrl.u32 v5, $0x10;
	vm4 =	vmmov vm4;
	[tilespmem:v15+s24+$0x0] =	vst.idx.add.f32.msk vm6, v1  }
0x3d1: {  	p0 =	por !p0, !p0;
	s0 =	simm.s32 $0x0;
	s1 =	simm.s32 $0x0;
	v9 =	vshrl.u32 v2, $0x10;
	v7 =	vshrl.u32 v3, $0x10;
	vm2 =	vmmov vm7;
	[tilespmem:v15+s25+$0x0] =	vst.idx.add.f32.msk vm6, v14  }
.LBB2_34:
0x3d2: {  	s3 =	simm.s32 $0x1  }
0x3d3: {  	[tilespmem:v13+s24+$0x0] =	vst.idx.add.f32.msk vm5, v1;
	s0 =	sadd.s32 $0x80, s0;
	s3 =	simm.s32 @!p0 $0x0  }
0x3d4: {  	s30 =	sshrl.u32 s0, $0x1;
	s3 =	sadd.s32 s3, s0;
	[tilespmem:v13+s25+$0x0] =	vst.idx.add.f32.msk vm5, v10  }
0x3d5: {  	s30 =	sand.u32 $0xF80, s30;
	s31 =	sor.u32 $0x80, s3;
	s3 =	sor.u32 $0xC0, s3;
	[tilespmem:v12+s24+$0x0] =	vst.idx.add.f32.msk vm3, v1  }
0x3d6: {  	s1 =	sadd.s32 $0x4, s1;
	v10 =	vld [tilespmem:s30+$0x1000];
	s31 =	sshra.s32 s31, $0x1;
	s3 =	sshra.s32 s3, $0x1  }
0x3d7: {  	p1 =	slt.u32 s1, $0xFC;
	v13 =	vld [tilespmem:s3+$0x1000]  }
0x3d8: {  	v14 =	vld [tilespmem:s31+$0x1000]  }
0x3d9: {  	v15 =	vld [tilespmem:s30+$0x1020]  }
0x3da: {  	[tilespmem:v12+s25+$0x0] =	vst.idx.add.f32.msk vm3, v6  }
0x3db: {  	v12 =	vunpack.i.u.bf16.f32 v10;
	v6 =	vunpack.i.l.bf16.f32 v10;
	[tilespmem:v11+s24+$0x0] =	vst.idx.add.f32.msk vm0, v1  }
0x3dc: {  	vm6 =	vgt.f32 v12, $0.0e+00;
	v16 =	vunpack.i.l.bf16.f32 v13;
	[tilespmem:v11+s25+$0x0] =	vst.idx.add.f32.msk vm0, v4;
	vm0 =	vgt.f32 v6, $0.0e+00;
	v4 =	vmovc v6  }
0x3dd: {  	v6 =	vunpack.i.u.bf16.f32 v14;
	v10 =	vunpack.i.l.bf16.f32 v14;
	vm7 =	vgt.f32 v16, $0.0e+00;
	[tilespmem:v9+s24+$0x0] =	vst.idx.add.f32.msk vm4, v1  }
0x3de: {  	v17 =	vunpack.i.u.bf16.f32 v13;
	v18 =	vshrl.u32 v16, $0x10;
	v14 =	vunpack.i.u.bf16.f32 v15;
	[tilespmem:v9+s25+$0x0] =	vst.idx.add.f32.msk vm4, v2;
	v2 =	vmovc v12  }
0x3df: {  	vm8 =	vgt.f32 v17, $0.0e+00;
	v9 =	vunpack.i.l.bf16.f32 v15;
	vm5 =	vgt.f32 v10, $0.0e+00;
	[tilespmem:v8+s24+$0x0] =	vst.idx.add.f32.msk vm1, v1  }
0x3e0: {  	v13 =	vshrl.u32 v10, $0x10;
	vm3 =	vgt.f32 v6, $0.0e+00;
	v15 =	vshrl.u32 v17, $0x10;
	[tilespmem:v8+s25+$0x0] =	vst.idx.add.f32.msk vm1, v5;
	v5 =	vmovc v9  }
0x3e1: {  	v12 =	vshrl.u32 v6, $0x10;
	vm9 =	vgt.f32 v14, $0.0e+00;
	vm1 =	vgt.f32 v5, $0.0e+00;
	[tilespmem:v7+s24+$0x0] =	vst.idx.add.f32.msk vm2, v1  }
.Ltmp16:
0x3e2: {  	v11 =	vshrl.u32 v4, $0x10;
	v9 =	vshrl.u32 v2, $0x10;
	v8 =	vshrl.u32 v5, $0x10;
	[tilespmem:v7+s25+$0x0] =	vst.idx.add.f32.msk vm2, v3;
	v3 =	vmovc v14;
	(pc) =	sbr.rel @p1 .LBB2_34-.Ltmp16, $4  }
0x3e3: {  	vm4 =	vmmov vm6;
	vm2 =	vmmov vm9;
	v7 =	vshrl.u32 v3, $0x10;
	[tilespmem:v18+s24+$0x0] =	vst.idx.add.f32.msk vm7, v1  }
0x3e4: {  	[tilespmem:v18+s25+$0x0] =	vst.idx.add.f32.msk vm7, v16  }
0x3e5: {  	[tilespmem:v15+s24+$0x0] =	vst.idx.add.f32.msk vm8, v1  }
0x3e6: {  	s2 =	sadd.s32 $0x1, s2;
	p0 =	por !p0, !p0;
	[tilespmem:v15+s25+$0x0] =	vst.idx.add.f32.msk vm8, v17  }
0x3e7: {  	_ =	sdelay $0x4  }
0x3e8: {  	[tilespmem:v13+s24+$0x0] =	vst.idx.add.f32.msk vm5, v1  }
0x3e9: {  	[tilespmem:v11+s24+$0x0] =	vst.idx.add.f32.msk vm0, v1  }
0x3ea: {  	[tilespmem:v8+s24+$0x0] =	vst.idx.add.f32.msk vm1, v1  }
0x3eb: {  	[tilespmem:v13+s25+$0x0] =	vst.idx.add.f32.msk vm5, v10  }
0x3ec: {  	[tilespmem:v11+s25+$0x0] =	vst.idx.add.f32.msk vm0, v4  }
0x3ed: {  	[tilespmem:v8+s25+$0x0] =	vst.idx.add.f32.msk vm1, v5  }
0x3ee: {  	[tilespmem:v12+s24+$0x0] =	vst.idx.add.f32.msk vm3, v1  }
0x3ef: {  	[tilespmem:v9+s24+$0x0] =	vst.idx.add.f32.msk vm4, v1  }
0x3f0: {  	[tilespmem:v7+s24+$0x0] =	vst.idx.add.f32.msk vm2, v1  }
0x3f1: {  	[tilespmem:v12+s25+$0x0] =	vst.idx.add.f32.msk vm3, v6  }
0x3f2: {  	[tilespmem:v9+s25+$0x0] =	vst.idx.add.f32.msk vm4, v2  }
0x3f3: {  	s0 =	simm.s32 $0x0;
	[tilespmem:v7+s25+$0x0] =	vst.idx.add.f32.msk vm2, v3  }
0x3f4: {  	[hbm4b:s19+s0] =	stream.linear.scatter [tilespmem:s24], [sflag:$0x3], $0x8000, $0x38;
	[tilespmem:$0x12000] =	vst v63  }
0x3f5: {  	s29 =	sadd.s32 $0x1, s29;
	_ =	swait.ge [sflag:s28], $0x8000  }
0x3f6: {  	p0 =	sne.s32 s29, s21;
	[sflag:s28] =	ssyncset.done $0x0  }
.Ltmp17:
0x3f7: {  	[sflag:s28] =	ssyncadd.s32 $0xFFFF8000;
	(pc) =	sbr.rel @p0 .LBB2_1-.Ltmp17, $4  }
0x3f8: {  	[hbm4b:s20+s0] =	stream.linear.scatter [tilespmem:s25], [sflag:$0x3], $0x8000, $0x38;
	[tilespmem:$0x12000] =	vst v63  }
0x3f9: {  	_ =	swait.ge [sflag:s28], $0x8000  }
0x3fa: {  	[sflag:s28] =	ssyncset.done $0x0  }
0x3fb: {  	[sflag:s28] =	ssyncadd.s32 $0xFFFF8000  }
0x3fc: {  	_ =	sfence.sel $0x180000  }
0x3fd: {  	[bflag:$0x0] =	sbarrier.arrive $0xFFFF  }
0x3fe: {  	_ =	strace $0x90000047  }
0x3ff: {  	s0 =	stileid.u32;
	[bflag:$0x2] =	sbarrier.arrive $0xFFFF  }
0x400: {  	p0 =	sne.s32 s0, $0x0;
	s0 =	rddreg [dreg:$0x1]  }
0x401: {  	s0 =	sadd.s32 @!p0 $0x100000, s0  }
0x402: {  	[sflag:s0] =	ssyncadd.tile.s32 @!p0 $0x1;
	_ =	shalt  }
.Lfunc_end2:
_tile_overlayer_lowered:
.L_overlay_start_2:
0x403: {  	(tag) =	ssettag $0x2  }
0x404: {  	s0 =	rddreg [dreg:$0x0];
	s2 =	stileid.u32  }
0x405: {  	s1 =	rddreg [dreg:$0x1];
	p0 =	sne.s32 s2, $0x0  }
0x406: {  	s3 =	rddreg [dreg:$0x2];
	[bflag:$0x3] =	sbarrier.arrive $0xFFFF;
	s2 =	simm.s32 @!p0 $0x1C03  }
0x407: {  	[timem:s3], [sflag:s2] =	dma.local @!p0 [hbm:s0], s1  }
0x408: {  	s0 =	simm.s32 @!p0 $0x3  }
0x409: {  	_ =	swait.ge @!p0 [sflag:s0], s1  }
0x40a: {  	s1 =	ssub.s32 @!p0 $0x0, s1;
	[sflag:s0] =	ssyncset.done @!p0 $0x0  }
0x40b: {  	[sflag:s0] =	ssyncadd.s32 @!p0 s1  }
0x40c: {  	[bflag:$0x3] =	sbarrier.arrive $0xFFFF  }
0x40d: {  	_ =	shalt  }

</sc_bundles>
